<compile_context>
chip_gen: v7x
topology: tpu7x:2x2x1
jax: 0.10.2.dev20260603
libtpu: 0.0.44.dev20260713+nightly
codegen_flags: <defaults>
</compile_context>

<pallas_src>
import functools

import jax
import jax.numpy as jnp
from jax import lax
from jax.experimental import pallas as pl
from jax.experimental.pallas import tpu as pltpu
from jax.experimental.pallas import tpu_sc as plsc

N = 50000
E = 800000
H = 64
B = 8

BN = 1792
NBLK = 28
NP = NBLK * BN
RT = NP // 16
ROWS_E = 6400
EPAD = ROWS_E * 128
AGG_ROWS = ROWS_E // 16
DEG_ROWS = ROWS_E // 32
SUP = 40
NSUP = AGG_ROWS // SUP

F32 = jnp.float32


def _sc_mesh():
    return plsc.VectorSubcoreMesh(core_axis_name="c", subcore_axis_name="s")



def _deg_body(dst_hbm, zd_hbm, out_hbm, accum, didx, ones, zbuf):
    c = lax.axis_index("c")
    s = lax.axis_index("s")
    pltpu.sync_copy(zd_hbm, zbuf)
    pltpu.sync_copy(zbuf, accum.at[pl.ds(s * RT, RT)])
    for j in range(8):
        ones[pl.ds(j * 16, 16)] = jnp.ones((16,), F32)
    plsc.subcore_barrier()
    w = s * 2 + c
    pltpu.sync_copy(dst_hbm.at[pl.ds(w * DEG_ROWS, DEG_ROWS), :], didx)

    def chunk(j, carry):
        pltpu.sync_copy(ones, accum.at[didx.at[j]], add=True)
        return carry

    lax.fori_loop(0, DEG_ROWS, chunk, 0)
    plsc.subcore_barrier()
    pltpu.sync_copy(accum.at[pl.ds(s * RT, RT)], zbuf)
    pltpu.sync_copy(zbuf, out_hbm.at[pl.ds(c * NP + s * RT, RT)])


def _make_deg_call():
    return pl.kernel(
        _deg_body,
        out_type=jax.ShapeDtypeStruct((2 * NP,), F32),
        mesh=_sc_mesh(),
        scratch_types=[
            pltpu.VMEM_SHARED((NP,), F32),
            pltpu.VMEM((DEG_ROWS, 128), jnp.int32),
            pltpu.VMEM((128,), F32),
            pltpu.VMEM((RT,), F32),
        ],
    )


ZR = 112
NB = 4


def _agg_body(y2_hbm, src2_hbm, dst2_hbm, za_hbm, out_hbm,
              accum, sidx, didx, rows, zbuf, gsem, ssem):
    c = lax.axis_index("c")
    s = lax.axis_index("s")
    pltpu.sync_copy(za_hbm, zbuf)

    def zero(k, carry):
        pltpu.sync_copy(zbuf, accum.at[pl.ds(s * RT + k * ZR, ZR), :])
        return carry

    lax.fori_loop(0, RT // ZR, zero, 0)
    plsc.subcore_barrier()
    base = s * AGG_ROWS

    def sup_body(t, carry):
        r0 = base + t * SUP
        pltpu.sync_copy(src2_hbm.at[c, pl.ds(r0, SUP), :], sidx)
        pltpu.sync_copy(dst2_hbm.at[pl.ds(r0, SUP), :], didx)
        for b in range(NB):
            pltpu.async_copy(y2_hbm.at[sidx.at[b]], rows[b], gsem[b])

        def round_body(j, cc):
            for b in range(NB):
                cidx = j * NB + b
                pltpu.make_async_copy(y2_hbm.at[sidx.at[cidx]],
                                      rows[b], gsem[b]).wait()
                pltpu.async_copy(rows[b], accum.at[didx.at[cidx]], ssem[b],
                                 add=True).wait()
                nc = cidx + NB

                @pl.when(nc < SUP)
                def _next():
                    pltpu.async_copy(y2_hbm.at[sidx.at[nc]], rows[b], gsem[b])

            return cc

        lax.fori_loop(0, SUP // NB, round_body, 0)
        return carry

    lax.fori_loop(0, NSUP, sup_body, 0)
    plsc.subcore_barrier()

    def copy_out(k, carry):
        off = s * RT + k * ZR
        pltpu.sync_copy(accum.at[pl.ds(off, ZR), :], zbuf)
        pltpu.sync_copy(zbuf, out_hbm.at[c, pl.ds(off, ZR), :])
        return carry

    lax.fori_loop(0, RT // ZR, copy_out, 0)


def _make_agg_call():
    return pl.kernel(
        _agg_body,
        out_type=jax.ShapeDtypeStruct((2, NP, 32), F32),
        mesh=_sc_mesh(),
        scratch_types=[
            pltpu.VMEM_SHARED((NP, 32), F32),
            pltpu.VMEM((SUP, 128), jnp.int32),
            pltpu.VMEM((SUP, 128), jnp.int32),
            [pltpu.VMEM((128, 32), F32)] * NB,
            pltpu.VMEM((ZR, 32), F32),
            [pltpu.SemaphoreType.DMA] * NB,
            [pltpu.SemaphoreType.DMA] * NB,
        ],
        compiler_params=pltpu.CompilerParams(use_tc_tiling_on_sc=False),
    )



NP4 = NP // 4
NBV = 8
BV = NP4 // NBV


def _kin_body(coords_ref, dinv_ref, win_ref, bin_ref, wl_ref, wr_ref, out_ref):
    dinv = dinv_ref[:, :]
    x0 = jnp.dot(coords_ref[:, :], win_ref[:, :],
                 preferred_element_type=F32) + bin_ref[:, :]
    out_ref[0, :, :] = jnp.dot(x0, wl_ref[:, :], preferred_element_type=F32) * dinv
    out_ref[1, :, :] = jnp.dot(x0, wr_ref[:, :], preferred_element_type=F32) * dinv


def _kin_call(coords_p, dinv, W_in, b_in2, wl, wr):
    return pl.pallas_call(
        _kin_body,
        grid=(NBLK,),
        in_specs=[
            pl.BlockSpec((BN, 2), lambda i: (i, 0)),
            pl.BlockSpec((BN, 1), lambda i: (i, 0)),
            pl.BlockSpec((2, H), lambda i: (0, 0)),
            pl.BlockSpec((1, H), lambda i: (0, 0)),
            pl.BlockSpec((H, 32), lambda i: (0, 0)),
            pl.BlockSpec((H, 32), lambda i: (0, 0)),
        ],
        out_specs=pl.BlockSpec((2, BN, 32), lambda i: (0, i, 0)),
        out_shape=jax.ShapeDtypeStruct((2, NP, 32), F32),
    )(coords_p, dinv, W_in, b_in2, wl, wr)


def _kmid_body(s_ref, y_ref, dinvb_ref, bt_ref,
               wtl_ref, wtr_ref, wbl_ref, wbr_ref, out_ref):
    dinv = dinvb_ref[:, :]
    xn0 = jnp.maximum(dinv * (s_ref[0] + y_ref[0]) + bt_ref[0:1, :], 0.0)
    xn1 = jnp.maximum(dinv * (s_ref[1] + y_ref[1]) + bt_ref[1:2, :], 0.0)
    a0 = xn0
    a1 = xn1
    o0 = jnp.dot(a0, wtl_ref[:, :], preferred_element_type=F32) \
        + jnp.dot(a1, wbl_ref[:, :], preferred_element_type=F32)
    o1 = jnp.dot(a0, wtr_ref[:, :], preferred_element_type=F32) \
        + jnp.dot(a1, wbr_ref[:, :], preferred_element_type=F32)
    out_ref[0, :, :] = o0 * dinv
    out_ref[1, :, :] = o1 * dinv


def _kmid_call(S4, y4, dinv_b, bt, wtl, wtr, wbl, wbr):
    return pl.pallas_call(
        _kmid_body,
        grid=(NBV,),
        in_specs=[
            pl.BlockSpec((2, BV, 128), lambda i: (0, i, 0)),
            pl.BlockSpec((2, BV, 128), lambda i: (0, i, 0)),
            pl.BlockSpec((BV, 128), lambda i: (i, 0)),
            pl.BlockSpec((2, 128), lambda i: (0, 0)),
            pl.BlockSpec((128, 128), lambda i: (0, 0)),
            pl.BlockSpec((128, 128), lambda i: (0, 0)),
            pl.BlockSpec((128, 128), lambda i: (0, 0)),
            pl.BlockSpec((128, 128), lambda i: (0, 0)),
        ],
        out_specs=pl.BlockSpec((2, BV, 128), lambda i: (0, i, 0)),
        out_shape=jax.ShapeDtypeStruct((2, NP4, 128), F32),
    )(S4, y4, dinv_b, bt, wtl, wtr, wbl, wbr)


def _kfin_body(s_ref, y_ref, dinv_ref, b2_ref, wn1t_ref, wn1b_ref, bn1_ref,
               wn2_ref, bn2_ref, wv1t_ref, wv1b_ref, bv1_ref, wv2_ref,
               bv2_ref, batch_ref,
               ne_ref, lg_ref, ge_ref, val_ref, summ, cnt):
    i = pl.program_id(0)
    dinv = dinv_ref[:, :]
    ne0 = jnp.maximum(dinv * (s_ref[0] + y_ref[0]) + b2_ref[0:1, :], 0.0)
    ne1 = jnp.maximum(dinv * (s_ref[1] + y_ref[1]) + b2_ref[1:2, :], 0.0)
    ne_ref[0, :, :] = ne0
    ne_ref[1, :, :] = ne1

    h = jnp.maximum(
        jnp.dot(ne0, wn1t_ref[:, :], preferred_element_type=F32)
        + jnp.dot(ne1, wn1b_ref[:, :], preferred_element_type=F32)
        + bn1_ref[:, :], 0.0)
    lg_ref[:, :] = jnp.dot(h, wn2_ref[:, :],
                           preferred_element_type=F32) + bn2_ref[:, :]

    bvec = batch_ref[0, :, :]
    oh = (bvec == lax.broadcasted_iota(jnp.int32, (B, BN), 0)).astype(F32)
    ps0 = lax.dot_general(oh, ne0, (((1,), (0,)), ((), ())),
                          preferred_element_type=F32)
    ps1 = lax.dot_general(oh, ne1, (((1,), (0,)), ((), ())),
                          preferred_element_type=F32)
    pc = jnp.sum(oh, axis=1, keepdims=True)

    @pl.when(i == 0)
    def _init():
        summ[0, :, :] = ps0
        summ[1, :, :] = ps1
        cnt[:, :] = pc

    @pl.when(i > 0)
    def _acc():
        summ[0, :, :] += ps0
        summ[1, :, :] += ps1
        cnt[:, :] += pc

    @pl.when(i == NBLK - 1)
    def _fin():
        rc = 1.0 / jnp.maximum(cnt[:, :], 1.0)
        g0 = summ[0, :, :] * rc
        g1 = summ[1, :, :] * rc
        ge_ref[0, :, :] = g0
        ge_ref[1, :, :] = g1
        v = jnp.maximum(
            jnp.dot(g0, wv1t_ref[:, :], preferred_element_type=F32)
            + jnp.dot(g1, wv1b_ref[:, :], preferred_element_type=F32)
            + bv1_ref[:, :], 0.0)
        val_ref[:, :] = jnp.dot(v, wv2_ref[:, :],
                                preferred_element_type=F32) + bv2_ref[:, :]


def _kfin_call(S, y, dinv, b2, wn1t, wn1b, bn1r, wn2, bn2r,
               wv1t, wv1b, bv1r, wv2, bv2r, batch3):
    return pl.pallas_call(
        _kfin_body,
        grid=(NBLK,),
        in_specs=[
            pl.BlockSpec((2, BN, 32), lambda i: (0, i, 0)),
            pl.BlockSpec((2, BN, 32), lambda i: (0, i, 0)),
            pl.BlockSpec((BN, 1), lambda i: (i, 0)),
            pl.BlockSpec((2, 32), lambda i: (0, 0)),
            pl.BlockSpec((32, H), lambda i: (0, 0)),
            pl.BlockSpec((32, H), lambda i: (0, 0)),
            pl.BlockSpec((1, H), lambda i: (0, 0)),
            pl.BlockSpec((H, 1), lambda i: (0, 0)),
            pl.BlockSpec((1, 1), lambda i: (0, 0)),
            pl.BlockSpec((32, H), lambda i: (0, 0)),
            pl.BlockSpec((32, H), lambda i: (0, 0)),
            pl.BlockSpec((1, H), lambda i: (0, 0)),
            pl.BlockSpec((H, 1), lambda i: (0, 0)),
            pl.BlockSpec((1, 1), lambda i: (0, 0)),
            pl.BlockSpec((1, 1, BN), lambda i: (i, 0, 0)),
        ],
        out_specs=[
            pl.BlockSpec((2, BN, 32), lambda i: (0, i, 0)),
            pl.BlockSpec((BN, 1), lambda i: (i, 0)),
            pl.BlockSpec((2, B, 32), lambda i: (0, 0, 0)),
            pl.BlockSpec((B, 1), lambda i: (0, 0)),
        ],
        out_shape=[
            jax.ShapeDtypeStruct((2, NP, 32), F32),
            jax.ShapeDtypeStruct((NP, 1), F32),
            jax.ShapeDtypeStruct((2, B, 32), F32),
            jax.ShapeDtypeStruct((B, 1), F32),
        ],
        scratch_shapes=[
            pltpu.VMEM((2, B, 32), F32),
            pltpu.VMEM((B, 1), F32),
        ],
    )(S, y, dinv, b2, wn1t, wn1b, bn1r, wn2, bn2r, wv1t, wv1b, bv1r, wv2,
      bv2r, batch3)



def kernel(coords, edge_index, batch, W_in, b_in, W_g0, b_g0, W_g1, b_g1,
           W_g2, b_g2, Wn1, bn1, Wn2, bn2, Wv1, bv1, Wv2, bv2):
    i32 = jnp.int32
    src = edge_index[0].astype(i32)
    dst = edge_index[1].astype(i32)
    pad_e = EPAD - E
    src_p = jnp.concatenate([src, jnp.zeros((pad_e,), i32)])
    dst_p = jnp.concatenate([dst, jnp.full((pad_e,), N, i32)])
    src2 = jnp.stack([src_p, src_p + NP]).reshape(2, ROWS_E, 128)
    dst2 = dst_p.reshape(ROWS_E, 128)
    zd = jnp.zeros((RT,), F32)
    za = jnp.zeros((ZR, 32), F32)

    coords_p = jnp.concatenate(
        [coords.astype(F32), jnp.zeros((NP - N, 2), F32)], axis=0)
    batch3 = jnp.concatenate(
        [batch.astype(i32), jnp.full((NP - N,), B, i32)]).reshape(NBLK, 1, BN)

    deg_call = _make_deg_call()
    agg_call = _make_agg_call()

    degp = deg_call(dst2, zd).reshape(2, NP)
    dinv = lax.rsqrt(degp[0] + degp[1] + 1.0).reshape(NP, 1)

    def quarters(W):
        return W[:32, :32], W[:32, 32:], W[32:, :32], W[32:, 32:]

    def halves(b):
        return jnp.stack([b[:32], b[32:]])

    dinv_b = jnp.broadcast_to(dinv, (NP, 32)).reshape(NP4, 128)

    def bd4(Wq):
        return jnp.kron(jnp.eye(4, dtype=F32), Wq)

    def tile4(b2):
        return jnp.tile(b2, (1, 4))

    y1 = _kin_call(coords_p, dinv, W_in, b_in.reshape(1, H),
                   W_g0[:, :32], W_g0[:, 32:])
    S1 = agg_call(y1.reshape(2 * NP, 32), src2, dst2, za)

    q1 = [bd4(w) for w in quarters(W_g1)]
    y2p = _kmid_call(S1.reshape(2, NP4, 128), y1.reshape(2, NP4, 128),
                     dinv_b, tile4(halves(b_g0)), *q1)
    S2 = agg_call(y2p.reshape(2 * NP, 32), src2, dst2, za)

    q2 = [bd4(w) for w in quarters(W_g2)]
    y3p = _kmid_call(S2.reshape(2, NP4, 128), y2p, dinv_b,
                     tile4(halves(b_g1)), *q2)
    S3 = agg_call(y3p.reshape(2 * NP, 32), src2, dst2, za)
    y3 = y3p.reshape(2, NP, 32)

    ne2, lg, ge2, value = _kfin_call(
        S3, y3, dinv, halves(b_g2),
        Wn1[:32, :], Wn1[32:, :], bn1.reshape(1, H), Wn2, bn2.reshape(1, 1),
        Wv1[:32, :], Wv1[32:, :], bv1.reshape(1, H), Wv2, bv2.reshape(1, 1),
        batch3)

    node_embeddings = jnp.concatenate([ne2[0, :N], ne2[1, :N]], axis=1)
    node_logits = lg[:N, 0]
    graph_embedding = jnp.concatenate([ge2[0], ge2[1]], axis=1)
    return (node_logits, graph_embedding, node_embeddings, value)

# --- scband reference (transcript-rebuilt; emitter-appended) ---
"""Pipeline reference for scband-gnnpolicy-12412455486090 (READ-ONLY COPY).

The authoritative reference and input builder live on the scoring server;
editing this copy changes nothing except your own understanding.
"""

import jax, jax.numpy as jnp
import numpy as np

N = 50000
E = 800000
IN = 2
H = 64
B = 8


def setup_inputs(seed: int = 0) -> dict:
    key = jax.random.key(seed)
    ks = jax.random.split(key, 24)
    inp = {}
    inp["coords"] = jax.random.normal(ks[0], (N, IN), dtype=jnp.float32)
    inp["edge_index"] = jax.random.randint(ks[1], (2, E), 0, N).astype(jnp.int64)
    inp["batch"] = jnp.sort(jax.random.randint(ks[2], (N,), 0, B)).astype(jnp.int64)
    s = 0.1
    inp["W_in"] = jax.random.normal(ks[3], (IN, H), dtype=jnp.float32) * s
    inp["b_in"] = jnp.zeros((H,), jnp.float32)
    inp["W_g0"] = jax.random.normal(ks[4], (H, H), dtype=jnp.float32) * s
    inp["b_g0"] = jnp.zeros((H,), jnp.float32)
    inp["W_g1"] = jax.random.normal(ks[5], (H, H), dtype=jnp.float32) * s
    inp["b_g1"] = jnp.zeros((H,), jnp.float32)
    inp["W_g2"] = jax.random.normal(ks[6], (H, H), dtype=jnp.float32) * s
    inp["b_g2"] = jnp.zeros((H,), jnp.float32)
    inp["Wn1"] = jax.random.normal(ks[7], (H, H), dtype=jnp.float32) * s
    inp["bn1"] = jnp.zeros((H,), jnp.float32)
    inp["Wn2"] = jax.random.normal(ks[8], (H, 1), dtype=jnp.float32) * s
    inp["bn2"] = jnp.zeros((1,), jnp.float32)
    inp["Wv1"] = jax.random.normal(ks[9], (H, H), dtype=jnp.float32) * s
    inp["bv1"] = jnp.zeros((H,), jnp.float32)
    inp["Wv2"] = jax.random.normal(ks[10], (H, 1), dtype=jnp.float32) * s
    inp["bv2"] = jnp.zeros((1,), jnp.float32)
    return inp


def reference(coords, edge_index, batch, W_in, b_in, W_g0, b_g0, W_g1, b_g1, W_g2, b_g2, Wn1, bn1, Wn2, bn2, Wv1, bv1, Wv2, bv2):
    n = coords.shape[0]
    self_loops = jnp.arange(n)
    src = jnp.concatenate([edge_index[0], self_loops])
    dst = jnp.concatenate([edge_index[1], self_loops])
    deg = jax.ops.segment_sum(jnp.ones_like(src, dtype=jnp.float32), dst, num_segments=n)
    dinv = jnp.where(deg > 0, 1.0 / jnp.sqrt(jnp.maximum(deg, 1e-12)), 0.0)
    norm = dinv[src] * dinv[dst]

    def gcn(x, W, b):
        xw = x @ W
        msg = xw[src] * norm[:, None]
        return jax.ops.segment_sum(msg, dst, num_segments=n) + b

    x = coords @ W_in + b_in
    for W, bb in ((W_g0, b_g0), (W_g1, b_g1), (W_g2, b_g2)):
        x = jax.nn.relu(gcn(x, W, bb))
    node_embeddings = x
    summ = jax.ops.segment_sum(node_embeddings, batch, num_segments=B)
    cnt = jax.ops.segment_sum(jnp.ones((n,), jnp.float32), batch, num_segments=B)
    graph_embedding = summ / jnp.maximum(cnt, 1.0)[:, None]
    node_logits = (jax.nn.relu(node_embeddings @ Wn1 + bn1) @ Wn2 + bn2).squeeze(-1)
    value = jax.nn.relu(graph_embedding @ Wv1 + bv1) @ Wv2 + bv2
    return (node_logits, graph_embedding, node_embeddings, value)

if __name__ == "__main__":
    import jax
    _d = setup_inputs()
    print(jax.jit(kernel)(*tuple(_d.values())))

</pallas_src>

<mosaic_0001>
#map = affine_map<(d0, d1) -> (0, 0)>
#map1 = affine_map<(d0, d1) -> (0, 0, 0)>
module attributes {stable_mosaic.version = 14 : i64} {
  func.func @_agg_body(%arg0: i32, %arg1: i32, %arg2: memref<100352x32xf32, #tpu.memory_space<hbm>>, %arg3: memref<2x6400x128xi32, #tpu.memory_space<hbm>>, %arg4: memref<6400x128xi32, #tpu.memory_space<hbm>>, %arg5: memref<112x32xf32, #tpu.memory_space<hbm>>, %arg6: memref<2x50176x32xf32, #tpu.memory_space<hbm>>, %arg7: memref<50176x32xf32, #tpu.memory_space<vmem_shared>>, %arg8: memref<40x128xi32, #tpu.memory_space<vmem>>, %arg9: memref<40x128xi32, #tpu.memory_space<vmem>>, %arg10: memref<128x32xf32, #tpu.memory_space<vmem>>, %arg11: memref<128x32xf32, #tpu.memory_space<vmem>>, %arg12: memref<128x32xf32, #tpu.memory_space<vmem>>, %arg13: memref<128x32xf32, #tpu.memory_space<vmem>>, %arg14: memref<112x32xf32, #tpu.memory_space<vmem>>, %arg15: memref<!tpu.dma_semaphore, #tpu.memory_space<semaphore_mem>>, %arg16: memref<!tpu.dma_semaphore, #tpu.memory_space<semaphore_mem>>, %arg17: memref<!tpu.dma_semaphore, #tpu.memory_space<semaphore_mem>>, %arg18: memref<!tpu.dma_semaphore, #tpu.memory_space<semaphore_mem>>, %arg19: memref<!tpu.dma_semaphore, #tpu.memory_space<semaphore_mem>>, %arg20: memref<!tpu.dma_semaphore, #tpu.memory_space<semaphore_mem>>, %arg21: memref<!tpu.dma_semaphore, #tpu.memory_space<semaphore_mem>>, %arg22: memref<!tpu.dma_semaphore, #tpu.memory_space<semaphore_mem>>) attributes {dimension_semantics = [#tpu.dimension_semantics<core_parallel>, #tpu.dimension_semantics<subcore_parallel>], iteration_bounds = array<i64: 2, 16>, scalar_prefetch = 0 : i64, scratch_operands = 16 : i64, tpu.core_type = #tpu.core_type<sc_vector_subcore>, window_params = [{transform_indices = #map}, {transform_indices = #map1}, {transform_indices = #map}, {transform_indices = #map}, {transform_indices = #map1}]} {
    "tpu.region"() ({
      %run_scoped3A = tpu.sem_alloc : memref<!tpu.dma_semaphore, #tpu.memory_space<semaphore_mem>>
      tpu.enqueue_dma source(%arg5 : memref<112x32xf32, #tpu.memory_space<hbm>>) target(%arg14 : memref<112x32xf32, #tpu.memory_space<vmem>>) target_semaphore(%run_scoped3A : memref<!tpu.dma_semaphore, #tpu.memory_space<semaphore_mem>>)
      tpu.wait_dma2 semaphore(%run_scoped3A : memref<!tpu.dma_semaphore, #tpu.memory_space<semaphore_mem>>) src(%arg5 : memref<112x32xf32, #tpu.memory_space<hbm>>) dst(%arg14 : memref<112x32xf32, #tpu.memory_space<vmem>>)
      tpu.yield
    }) : () -> ()
    %scan3A = arith.constant 0 : i32
    %scan3A_0 = arith.constant 0 : i32
    %scan3A_1 = arith.constant 28 : i32
    %scan3A_2 = arith.addi %scan3A_0, %scan3A_1 : i32
    %scan3A_3 = arith.constant 1 : i32
    scf.for %scan3A_19 = %scan3A_0 to %scan3A_2 step %scan3A_3  : i32 {
      %mul3A_20 = arith.constant 3136 : i32
      %mul3A_21 = arith.muli %arg1, %mul3A_20 : i32
      %mul3A_22 = arith.constant 112 : i32
      %mul3A_23 = arith.muli %scan3A_19, %mul3A_22 : i32
      %add3A = arith.addi %mul3A_21, %mul3A_23 : i32
      "tpu.region"() ({
        %run_scoped3A = tpu.sem_alloc : memref<!tpu.dma_semaphore, #tpu.memory_space<semaphore_mem>>
        %dma_start3A = arith.constant 0 : i32
        %dma_start3A_24 = tpu.memref_slice %arg7[%add3A, %dma_start3A] : memref<50176x32xf32, #tpu.memory_space<vmem_shared>> -> memref<112x32xf32, #tpu.memory_space<vmem_shared>>
        %dma_start3A_25 = arith.constant 0 : i32
        %dma_start3A_26 = tpu.memref_slice %arg7[%add3A, %dma_start3A_25] : memref<50176x32xf32, #tpu.memory_space<vmem_shared>> -> memref<112x32xf32, #tpu.memory_space<vmem_shared>>
        tpu.enqueue_dma source(%arg14 : memref<112x32xf32, #tpu.memory_space<vmem>>) target(%dma_start3A_26 : memref<112x32xf32, #tpu.memory_space<vmem_shared>>) target_semaphore(%run_scoped3A : memref<!tpu.dma_semaphore, #tpu.memory_space<semaphore_mem>>)
        %dma_wait3A = arith.constant 0 : i32
        %dma_wait3A_27 = tpu.memref_slice %arg7[%add3A, %dma_wait3A] : memref<50176x32xf32, #tpu.memory_space<vmem_shared>> -> memref<112x32xf32, #tpu.memory_space<vmem_shared>>
        %dma_wait3A_28 = arith.constant 0 : i32
        %dma_wait3A_29 = tpu.memref_slice %arg7[%add3A, %dma_wait3A_28] : memref<50176x32xf32, #tpu.memory_space<vmem_shared>> -> memref<112x32xf32, #tpu.memory_space<vmem_shared>>
        tpu.wait_dma2 semaphore(%run_scoped3A : memref<!tpu.dma_semaphore, #tpu.memory_space<semaphore_mem>>) src(%arg14 : memref<112x32xf32, #tpu.memory_space<vmem>>) dst(%dma_wait3A_29 : memref<112x32xf32, #tpu.memory_space<vmem_shared>>)
        tpu.yield
      }) : () -> ()
    }
    %scan3A_4 = arith.constant 28 : i32
    %barrier3A = arith.constant 0 : index
    tpu.barrier barrier_id(%barrier3A)
    %mul3A = arith.constant 400 : i32
    %mul3A_5 = arith.muli %arg1, %mul3A : i32
    %scan3A_6 = arith.constant 0 : i32
    %scan3A_7 = arith.constant 0 : i32
    %scan3A_8 = arith.constant 10 : i32
    %scan3A_9 = arith.addi %scan3A_7, %scan3A_8 : i32
    %scan3A_10 = arith.constant 1 : i32
    scf.for %scan3A_19 = %scan3A_7 to %scan3A_9 step %scan3A_10  : i32 {
      %mul3A_20 = arith.constant 40 : i32
      %mul3A_21 = arith.muli %scan3A_19, %mul3A_20 : i32
      %add3A = arith.addi %mul3A_5, %mul3A_21 : i32
      "tpu.region"() ({
        %run_scoped3A = tpu.sem_alloc : memref<!tpu.dma_semaphore, #tpu.memory_space<semaphore_mem>>
        %dma_start3A_55 = arith.constant 0 : i32
        %dma_start3A_56 = tpu.memref_slice %arg3[%arg0, %add3A, %dma_start3A_55] : memref<2x6400x128xi32, #tpu.memory_space<hbm>> -> memref<1x40x128xi32, #tpu.memory_space<hbm>>
        %dma_start3A_57 = tpu.memref_squeeze %dma_start3A_56 : memref<1x40x128xi32, #tpu.memory_space<hbm>> -> memref<40x128xi32, #tpu.memory_space<hbm>>
        %dma_start3A_58 = arith.constant 0 : i32
        %dma_start3A_59 = tpu.memref_slice %arg3[%arg0, %add3A, %dma_start3A_58] : memref<2x6400x128xi32, #tpu.memory_space<hbm>> -> memref<1x40x128xi32, #tpu.memory_space<hbm>>
        %dma_start3A_60 = tpu.memref_squeeze %dma_start3A_59 : memref<1x40x128xi32, #tpu.memory_space<hbm>> -> memref<40x128xi32, #tpu.memory_space<hbm>>
        tpu.enqueue_dma source(%dma_start3A_60 : memref<40x128xi32, #tpu.memory_space<hbm>>) target(%arg8 : memref<40x128xi32, #tpu.memory_space<vmem>>) target_semaphore(%run_scoped3A : memref<!tpu.dma_semaphore, #tpu.memory_space<semaphore_mem>>)
        %dma_wait3A = arith.constant 0 : i32
        %dma_wait3A_61 = tpu.memref_slice %arg3[%arg0, %add3A, %dma_wait3A] : memref<2x6400x128xi32, #tpu.memory_space<hbm>> -> memref<1x40x128xi32, #tpu.memory_space<hbm>>
        %dma_wait3A_62 = tpu.memref_squeeze %dma_wait3A_61 : memref<1x40x128xi32, #tpu.memory_space<hbm>> -> memref<40x128xi32, #tpu.memory_space<hbm>>
        %dma_wait3A_63 = arith.constant 0 : i32
        %dma_wait3A_64 = tpu.memref_slice %arg3[%arg0, %add3A, %dma_wait3A_63] : memref<2x6400x128xi32, #tpu.memory_space<hbm>> -> memref<1x40x128xi32, #tpu.memory_space<hbm>>
        %dma_wait3A_65 = tpu.memref_squeeze %dma_wait3A_64 : memref<1x40x128xi32, #tpu.memory_space<hbm>> -> memref<40x128xi32, #tpu.memory_space<hbm>>
        tpu.wait_dma2 semaphore(%run_scoped3A : memref<!tpu.dma_semaphore, #tpu.memory_space<semaphore_mem>>) src(%dma_wait3A_65 : memref<40x128xi32, #tpu.memory_space<hbm>>) dst(%arg8 : memref<40x128xi32, #tpu.memory_space<vmem>>)
        tpu.yield
      }) : () -> ()
      "tpu.region"() ({
        %run_scoped3A = tpu.sem_alloc : memref<!tpu.dma_semaphore, #tpu.memory_space<semaphore_mem>>
        %dma_start3A_55 = arith.constant 0 : i32
        %dma_start3A_56 = tpu.memref_slice %arg4[%add3A, %dma_start3A_55] : memref<6400x128xi32, #tpu.memory_space<hbm>> -> memref<40x128xi32, #tpu.memory_space<hbm>>
        %dma_start3A_57 = arith.constant 0 : i32
        %dma_start3A_58 = tpu.memref_slice %arg4[%add3A, %dma_start3A_57] : memref<6400x128xi32, #tpu.memory_space<hbm>> -> memref<40x128xi32, #tpu.memory_space<hbm>>
        tpu.enqueue_dma source(%dma_start3A_58 : memref<40x128xi32, #tpu.memory_space<hbm>>) target(%arg9 : memref<40x128xi32, #tpu.memory_space<vmem>>) target_semaphore(%run_scoped3A : memref<!tpu.dma_semaphore, #tpu.memory_space<semaphore_mem>>)
        %dma_wait3A = arith.constant 0 : i32
        %dma_wait3A_59 = tpu.memref_slice %arg4[%add3A, %dma_wait3A] : memref<6400x128xi32, #tpu.memory_space<hbm>> -> memref<40x128xi32, #tpu.memory_space<hbm>>
        %dma_wait3A_60 = arith.constant 0 : i32
        %dma_wait3A_61 = tpu.memref_slice %arg4[%add3A, %dma_wait3A_60] : memref<6400x128xi32, #tpu.memory_space<hbm>> -> memref<40x128xi32, #tpu.memory_space<hbm>>
        tpu.wait_dma2 semaphore(%run_scoped3A : memref<!tpu.dma_semaphore, #tpu.memory_space<semaphore_mem>>) src(%dma_wait3A_61 : memref<40x128xi32, #tpu.memory_space<hbm>>) dst(%arg9 : memref<40x128xi32, #tpu.memory_space<vmem>>)
        tpu.yield
      }) : () -> ()
      %dma_start3A = arith.constant 0 : i32
      %dma_start3A_22 = arith.constant 0 : i32
      %dma_start3A_23 = tpu.memref_slice %arg8[%dma_start3A, %dma_start3A_22] : memref<40x128xi32, #tpu.memory_space<vmem>> -> memref<1x128xi32, #tpu.memory_space<vmem>>
      %dma_start3A_24 = tpu.memref_squeeze %dma_start3A_23 : memref<1x128xi32, #tpu.memory_space<vmem>> -> memref<128xi32, #tpu.memory_space<vmem>>
      %dma_start3A_25 = arith.constant 0 : i32
      %dma_start3A_26 = arith.constant 0 : i32
      %dma_start3A_27 = tpu.memref_slice %arg2[%dma_start3A_25, %dma_start3A_26] : memref<100352x32xf32, #tpu.memory_space<hbm>> -> memref<100352x32xf32, #tpu.memory_space<hbm>>
      tpu.enqueue_indirect_dma source(%dma_start3A_27 : memref<100352x32xf32, #tpu.memory_space<hbm>>) target(%arg10 : memref<128x32xf32, #tpu.memory_space<vmem>>) offsets(%dma_start3A_24 : memref<128xi32, #tpu.memory_space<vmem>>) semaphore(%arg15 : memref<!tpu.dma_semaphore, #tpu.memory_space<semaphore_mem>>)
      %dma_start3A_28 = arith.constant 1 : i32
      %dma_start3A_29 = arith.constant 0 : i32
      %dma_start3A_30 = tpu.memref_slice %arg8[%dma_start3A_28, %dma_start3A_29] : memref<40x128xi32, #tpu.memory_space<vmem>> -> memref<1x128xi32, #tpu.memory_space<vmem>>
      %dma_start3A_31 = tpu.memref_squeeze %dma_start3A_30 : memref<1x128xi32, #tpu.memory_space<vmem>> -> memref<128xi32, #tpu.memory_space<vmem>>
      %dma_start3A_32 = arith.constant 0 : i32
      %dma_start3A_33 = arith.constant 0 : i32
      %dma_start3A_34 = tpu.memref_slice %arg2[%dma_start3A_32, %dma_start3A_33] : memref<100352x32xf32, #tpu.memory_space<hbm>> -> memref<100352x32xf32, #tpu.memory_space<hbm>>
      tpu.enqueue_indirect_dma source(%dma_start3A_34 : memref<100352x32xf32, #tpu.memory_space<hbm>>) target(%arg11 : memref<128x32xf32, #tpu.memory_space<vmem>>) offsets(%dma_start3A_31 : memref<128xi32, #tpu.memory_space<vmem>>) semaphore(%arg16 : memref<!tpu.dma_semaphore, #tpu.memory_space<semaphore_mem>>)
      %dma_start3A_35 = arith.constant 2 : i32
      %dma_start3A_36 = arith.constant 0 : i32
      %dma_start3A_37 = tpu.memref_slice %arg8[%dma_start3A_35, %dma_start3A_36] : memref<40x128xi32, #tpu.memory_space<vmem>> -> memref<1x128xi32, #tpu.memory_space<vmem>>
      %dma_start3A_38 = tpu.memref_squeeze %dma_start3A_37 : memref<1x128xi32, #tpu.memory_space<vmem>> -> memref<128xi32, #tpu.memory_space<vmem>>
      %dma_start3A_39 = arith.constant 0 : i32
      %dma_start3A_40 = arith.constant 0 : i32
      %dma_start3A_41 = tpu.memref_slice %arg2[%dma_start3A_39, %dma_start3A_40] : memref<100352x32xf32, #tpu.memory_space<hbm>> -> memref<100352x32xf32, #tpu.memory_space<hbm>>
      tpu.enqueue_indirect_dma source(%dma_start3A_41 : memref<100352x32xf32, #tpu.memory_space<hbm>>) target(%arg12 : memref<128x32xf32, #tpu.memory_space<vmem>>) offsets(%dma_start3A_38 : memref<128xi32, #tpu.memory_space<vmem>>) semaphore(%arg17 : memref<!tpu.dma_semaphore, #tpu.memory_space<semaphore_mem>>)
      %dma_start3A_42 = arith.constant 3 : i32
      %dma_start3A_43 = arith.constant 0 : i32
      %dma_start3A_44 = tpu.memref_slice %arg8[%dma_start3A_42, %dma_start3A_43] : memref<40x128xi32, #tpu.memory_space<vmem>> -> memref<1x128xi32, #tpu.memory_space<vmem>>
      %dma_start3A_45 = tpu.memref_squeeze %dma_start3A_44 : memref<1x128xi32, #tpu.memory_space<vmem>> -> memref<128xi32, #tpu.memory_space<vmem>>
      %dma_start3A_46 = arith.constant 0 : i32
      %dma_start3A_47 = arith.constant 0 : i32
      %dma_start3A_48 = tpu.memref_slice %arg2[%dma_start3A_46, %dma_start3A_47] : memref<100352x32xf32, #tpu.memory_space<hbm>> -> memref<100352x32xf32, #tpu.memory_space<hbm>>
      tpu.enqueue_indirect_dma source(%dma_start3A_48 : memref<100352x32xf32, #tpu.memory_space<hbm>>) target(%arg13 : memref<128x32xf32, #tpu.memory_space<vmem>>) offsets(%dma_start3A_45 : memref<128xi32, #tpu.memory_space<vmem>>) semaphore(%arg18 : memref<!tpu.dma_semaphore, #tpu.memory_space<semaphore_mem>>)
      %scan3A_49 = arith.constant 0 : i32
      %scan3A_50 = arith.constant 0 : i32
      %scan3A_51 = arith.constant 10 : i32
      %scan3A_52 = arith.addi %scan3A_50, %scan3A_51 : i32
      %scan3A_53 = arith.constant 1 : i32
      scf.for %scan3A_55 = %scan3A_50 to %scan3A_52 step %scan3A_53  : i32 {
        %mul3A_56 = arith.constant 4 : i32
        %mul3A_57 = arith.muli %scan3A_55, %mul3A_56 : i32
        %add3A_58 = arith.constant 0 : i32
        %add3A_59 = arith.addi %mul3A_57, %add3A_58 : i32
        %dma_wait3A = arith.constant 0 : i32
        %dma_wait3A_60 = tpu.memref_slice %arg8[%add3A_59, %dma_wait3A] : memref<40x128xi32, #tpu.memory_space<vmem>> -> memref<1x128xi32, #tpu.memory_space<vmem>>
        %dma_wait3A_61 = tpu.memref_squeeze %dma_wait3A_60 : memref<1x128xi32, #tpu.memory_space<vmem>> -> memref<128xi32, #tpu.memory_space<vmem>>
        %dma_wait3A_62 = arith.constant 0 : i32
        %dma_wait3A_63 = arith.constant 0 : i32
        %dma_wait3A_64 = tpu.memref_slice %arg2[%dma_wait3A_62, %dma_wait3A_63] : memref<100352x32xf32, #tpu.memory_space<hbm>> -> memref<100352x32xf32, #tpu.memory_space<hbm>>
        tpu.wait_indirect_dma semaphore(%arg15 : memref<!tpu.dma_semaphore, #tpu.memory_space<semaphore_mem>>) src(%dma_wait3A_64 : memref<100352x32xf32, #tpu.memory_space<hbm>>) dst(%arg10 : memref<128x32xf32, #tpu.memory_space<vmem>>)
        %dma_start3A_65 = arith.constant 0 : i32
        %dma_start3A_66 = tpu.memref_slice %arg9[%add3A_59, %dma_start3A_65] : memref<40x128xi32, #tpu.memory_space<vmem>> -> memref<1x128xi32, #tpu.memory_space<vmem>>
        %dma_start3A_67 = tpu.memref_squeeze %dma_start3A_66 : memref<1x128xi32, #tpu.memory_space<vmem>> -> memref<128xi32, #tpu.memory_space<vmem>>
        %dma_start3A_68 = arith.constant 0 : i32
        %dma_start3A_69 = arith.constant 0 : i32
        %dma_start3A_70 = tpu.memref_slice %arg7[%dma_start3A_68, %dma_start3A_69] : memref<50176x32xf32, #tpu.memory_space<vmem_shared>> -> memref<50176x32xf32, #tpu.memory_space<vmem_shared>>
        tpu.enqueue_indirect_dma source(%arg10 : memref<128x32xf32, #tpu.memory_space<vmem>>) target(%dma_start3A_70 : memref<50176x32xf32, #tpu.memory_space<vmem_shared>>) offsets(%dma_start3A_67 : memref<128xi32, #tpu.memory_space<vmem>>) semaphore(%arg19 : memref<!tpu.dma_semaphore, #tpu.memory_space<semaphore_mem>>) {add = true}
        %dma_wait3A_71 = arith.constant 0 : i32
        %dma_wait3A_72 = tpu.memref_slice %arg9[%add3A_59, %dma_wait3A_71] : memref<40x128xi32, #tpu.memory_space<vmem>> -> memref<1x128xi32, #tpu.memory_space<vmem>>
        %dma_wait3A_73 = tpu.memref_squeeze %dma_wait3A_72 : memref<1x128xi32, #tpu.memory_space<vmem>> -> memref<128xi32, #tpu.memory_space<vmem>>
        %dma_wait3A_74 = arith.constant 0 : i32
        %dma_wait3A_75 = arith.constant 0 : i32
        %dma_wait3A_76 = tpu.memref_slice %arg7[%dma_wait3A_74, %dma_wait3A_75] : memref<50176x32xf32, #tpu.memory_space<vmem_shared>> -> memref<50176x32xf32, #tpu.memory_space<vmem_shared>>
        tpu.wait_indirect_dma semaphore(%arg19 : memref<!tpu.dma_semaphore, #tpu.memory_space<semaphore_mem>>) src(%arg10 : memref<128x32xf32, #tpu.memory_space<vmem>>) dst(%dma_wait3A_76 : memref<50176x32xf32, #tpu.memory_space<vmem_shared>>)
        %add3A_77 = arith.constant 4 : i32
        %add3A_78 = arith.addi %add3A_59, %add3A_77 : i32
        %lt3A = arith.constant 40 : i32
        %lt3A_79 = arith.cmpi slt, %add3A_78, %lt3A : i32
        %convert_element_type3A = arith.extui %lt3A_79 : i1 to i32
        %cond3A = arith.constant 0 : i32
        %cond3A_80 = arith.cmpi ne, %convert_element_type3A, %cond3A : i32
        scf.if %cond3A_80 {
          %dma_start3A_168 = arith.constant 0 : i32
          %dma_start3A_169 = tpu.memref_slice %arg8[%add3A_78, %dma_start3A_168] : memref<40x128xi32, #tpu.memory_space<vmem>> -> memref<1x128xi32, #tpu.memory_space<vmem>>
          %dma_start3A_170 = tpu.memref_squeeze %dma_start3A_169 : memref<1x128xi32, #tpu.memory_space<vmem>> -> memref<128xi32, #tpu.memory_space<vmem>>
          %dma_start3A_171 = arith.constant 0 : i32
          %dma_start3A_172 = arith.constant 0 : i32
          %dma_start3A_173 = tpu.memref_slice %arg2[%dma_start3A_171, %dma_start3A_172] : memref<100352x32xf32, #tpu.memory_space<hbm>> -> memref<100352x32xf32, #tpu.memory_space<hbm>>
          tpu.enqueue_indirect_dma source(%dma_start3A_173 : memref<100352x32xf32, #tpu.memory_space<hbm>>) target(%arg10 : memref<128x32xf32, #tpu.memory_space<vmem>>) offsets(%dma_start3A_170 : memref<128xi32, #tpu.memory_space<vmem>>) semaphore(%arg15 : memref<!tpu.dma_semaphore, #tpu.memory_space<semaphore_mem>>)
        } else {
        }
        %mul3A_81 = arith.constant 4 : i32
        %mul3A_82 = arith.muli %scan3A_55, %mul3A_81 : i32
        %add3A_83 = arith.constant 1 : i32
        %add3A_84 = arith.addi %mul3A_82, %add3A_83 : i32
        %dma_wait3A_85 = arith.constant 0 : i32
        %dma_wait3A_86 = tpu.memref_slice %arg8[%add3A_84, %dma_wait3A_85] : memref<40x128xi32, #tpu.memory_space<vmem>> -> memref<1x128xi32, #tpu.memory_space<vmem>>
        %dma_wait3A_87 = tpu.memref_squeeze %dma_wait3A_86 : memref<1x128xi32, #tpu.memory_space<vmem>> -> memref<128xi32, #tpu.memory_space<vmem>>
        %dma_wait3A_88 = arith.constant 0 : i32
        %dma_wait3A_89 = arith.constant 0 : i32
        %dma_wait3A_90 = tpu.memref_slice %arg2[%dma_wait3A_88, %dma_wait3A_89] : memref<100352x32xf32, #tpu.memory_space<hbm>> -> memref<100352x32xf32, #tpu.memory_space<hbm>>
        tpu.wait_indirect_dma semaphore(%arg16 : memref<!tpu.dma_semaphore, #tpu.memory_space<semaphore_mem>>) src(%dma_wait3A_90 : memref<100352x32xf32, #tpu.memory_space<hbm>>) dst(%arg11 : memref<128x32xf32, #tpu.memory_space<vmem>>)
        %dma_start3A_91 = arith.constant 0 : i32
        %dma_start3A_92 = tpu.memref_slice %arg9[%add3A_84, %dma_start3A_91] : memref<40x128xi32, #tpu.memory_space<vmem>> -> memref<1x128xi32, #tpu.memory_space<vmem>>
        %dma_start3A_93 = tpu.memref_squeeze %dma_start3A_92 : memref<1x128xi32, #tpu.memory_space<vmem>> -> memref<128xi32, #tpu.memory_space<vmem>>
        %dma_start3A_94 = arith.constant 0 : i32
        %dma_start3A_95 = arith.constant 0 : i32
        %dma_start3A_96 = tpu.memref_slice %arg7[%dma_start3A_94, %dma_start3A_95] : memref<50176x32xf32, #tpu.memory_space<vmem_shared>> -> memref<50176x32xf32, #tpu.memory_space<vmem_shared>>
        tpu.enqueue_indirect_dma source(%arg11 : memref<128x32xf32, #tpu.memory_space<vmem>>) target(%dma_start3A_96 : memref<50176x32xf32, #tpu.memory_space<vmem_shared>>) offsets(%dma_start3A_93 : memref<128xi32, #tpu.memory_space<vmem>>) semaphore(%arg20 : memref<!tpu.dma_semaphore, #tpu.memory_space<semaphore_mem>>) {add = true}
        %dma_wait3A_97 = arith.constant 0 : i32
        %dma_wait3A_98 = tpu.memref_slice %arg9[%add3A_84, %dma_wait3A_97] : memref<40x128xi32, #tpu.memory_space<vmem>> -> memref<1x128xi32, #tpu.memory_space<vmem>>
        %dma_wait3A_99 = tpu.memref_squeeze %dma_wait3A_98 : memref<1x128xi32, #tpu.memory_space<vmem>> -> memref<128xi32, #tpu.memory_space<vmem>>
        %dma_wait3A_100 = arith.constant 0 : i32
        %dma_wait3A_101 = arith.constant 0 : i32
        %dma_wait3A_102 = tpu.memref_slice %arg7[%dma_wait3A_100, %dma_wait3A_101] : memref<50176x32xf32, #tpu.memory_space<vmem_shared>> -> memref<50176x32xf32, #tpu.memory_space<vmem_shared>>
        tpu.wait_indirect_dma semaphore(%arg20 : memref<!tpu.dma_semaphore, #tpu.memory_space<semaphore_mem>>) src(%arg11 : memref<128x32xf32, #tpu.memory_space<vmem>>) dst(%dma_wait3A_102 : memref<50176x32xf32, #tpu.memory_space<vmem_shared>>)
        %add3A_103 = arith.constant 4 : i32
        %add3A_104 = arith.addi %add3A_84, %add3A_103 : i32
        %lt3A_105 = arith.constant 40 : i32
        %lt3A_106 = arith.cmpi slt, %add3A_104, %lt3A_105 : i32
        %convert_element_type3A_107 = arith.extui %lt3A_106 : i1 to i32
        %cond3A_108 = arith.constant 0 : i32
        %cond3A_109 = arith.cmpi ne, %convert_element_type3A_107, %cond3A_108 : i32
        scf.if %cond3A_109 {
          %dma_start3A_168 = arith.constant 0 : i32
          %dma_start3A_169 = tpu.memref_slice %arg8[%add3A_104, %dma_start3A_168] : memref<40x128xi32, #tpu.memory_space<vmem>> -> memref<1x128xi32, #tpu.memory_space<vmem>>
          %dma_start3A_170 = tpu.memref_squeeze %dma_start3A_169 : memref<1x128xi32, #tpu.memory_space<vmem>> -> memref<128xi32, #tpu.memory_space<vmem>>
          %dma_start3A_171 = arith.constant 0 : i32
          %dma_start3A_172 = arith.constant 0 : i32
          %dma_start3A_173 = tpu.memref_slice %arg2[%dma_start3A_171, %dma_start3A_172] : memref<100352x32xf32, #tpu.memory_space<hbm>> -> memref<100352x32xf32, #tpu.memory_space<hbm>>
          tpu.enqueue_indirect_dma source(%dma_start3A_173 : memref<100352x32xf32, #tpu.memory_space<hbm>>) target(%arg11 : memref<128x32xf32, #tpu.memory_space<vmem>>) offsets(%dma_start3A_170 : memref<128xi32, #tpu.memory_space<vmem>>) semaphore(%arg16 : memref<!tpu.dma_semaphore, #tpu.memory_space<semaphore_mem>>)
        } else {
        }
        %mul3A_110 = arith.constant 4 : i32
        %mul3A_111 = arith.muli %scan3A_55, %mul3A_110 : i32
        %add3A_112 = arith.constant 2 : i32
        %add3A_113 = arith.addi %mul3A_111, %add3A_112 : i32
        %dma_wait3A_114 = arith.constant 0 : i32
        %dma_wait3A_115 = tpu.memref_slice %arg8[%add3A_113, %dma_wait3A_114] : memref<40x128xi32, #tpu.memory_space<vmem>> -> memref<1x128xi32, #tpu.memory_space<vmem>>
        %dma_wait3A_116 = tpu.memref_squeeze %dma_wait3A_115 : memref<1x128xi32, #tpu.memory_space<vmem>> -> memref<128xi32, #tpu.memory_space<vmem>>
        %dma_wait3A_117 = arith.constant 0 : i32
        %dma_wait3A_118 = arith.constant 0 : i32
        %dma_wait3A_119 = tpu.memref_slice %arg2[%dma_wait3A_117, %dma_wait3A_118] : memref<100352x32xf32, #tpu.memory_space<hbm>> -> memref<100352x32xf32, #tpu.memory_space<hbm>>
        tpu.wait_indirect_dma semaphore(%arg17 : memref<!tpu.dma_semaphore, #tpu.memory_space<semaphore_mem>>) src(%dma_wait3A_119 : memref<100352x32xf32, #tpu.memory_space<hbm>>) dst(%arg12 : memref<128x32xf32, #tpu.memory_space<vmem>>)
        %dma_start3A_120 = arith.constant 0 : i32
        %dma_start3A_121 = tpu.memref_slice %arg9[%add3A_113, %dma_start3A_120] : memref<40x128xi32, #tpu.memory_space<vmem>> -> memref<1x128xi32, #tpu.memory_space<vmem>>
        %dma_start3A_122 = tpu.memref_squeeze %dma_start3A_121 : memref<1x128xi32, #tpu.memory_space<vmem>> -> memref<128xi32, #tpu.memory_space<vmem>>
        %dma_start3A_123 = arith.constant 0 : i32
        %dma_start3A_124 = arith.constant 0 : i32
        %dma_start3A_125 = tpu.memref_slice %arg7[%dma_start3A_123, %dma_start3A_124] : memref<50176x32xf32, #tpu.memory_space<vmem_shared>> -> memref<50176x32xf32, #tpu.memory_space<vmem_shared>>
        tpu.enqueue_indirect_dma source(%arg12 : memref<128x32xf32, #tpu.memory_space<vmem>>) target(%dma_start3A_125 : memref<50176x32xf32, #tpu.memory_space<vmem_shared>>) offsets(%dma_start3A_122 : memref<128xi32, #tpu.memory_space<vmem>>) semaphore(%arg21 : memref<!tpu.dma_semaphore, #tpu.memory_space<semaphore_mem>>) {add = true}
        %dma_wait3A_126 = arith.constant 0 : i32
        %dma_wait3A_127 = tpu.memref_slice %arg9[%add3A_113, %dma_wait3A_126] : memref<40x128xi32, #tpu.memory_space<vmem>> -> memref<1x128xi32, #tpu.memory_space<vmem>>
        %dma_wait3A_128 = tpu.memref_squeeze %dma_wait3A_127 : memref<1x128xi32, #tpu.memory_space<vmem>> -> memref<128xi32, #tpu.memory_space<vmem>>
        %dma_wait3A_129 = arith.constant 0 : i32
        %dma_wait3A_130 = arith.constant 0 : i32
        %dma_wait3A_131 = tpu.memref_slice %arg7[%dma_wait3A_129, %dma_wait3A_130] : memref<50176x32xf32, #tpu.memory_space<vmem_shared>> -> memref<50176x32xf32, #tpu.memory_space<vmem_shared>>
        tpu.wait_indirect_dma semaphore(%arg21 : memref<!tpu.dma_semaphore, #tpu.memory_space<semaphore_mem>>) src(%arg12 : memref<128x32xf32, #tpu.memory_space<vmem>>) dst(%dma_wait3A_131 : memref<50176x32xf32, #tpu.memory_space<vmem_shared>>)
        %add3A_132 = arith.constant 4 : i32
        %add3A_133 = arith.addi %add3A_113, %add3A_132 : i32
        %lt3A_134 = arith.constant 40 : i32
        %lt3A_135 = arith.cmpi slt, %add3A_133, %lt3A_134 : i32
        %convert_element_type3A_136 = arith.extui %lt3A_135 : i1 to i32
        %cond3A_137 = arith.constant 0 : i32
        %cond3A_138 = arith.cmpi ne, %convert_element_type3A_136, %cond3A_137 : i32
        scf.if %cond3A_138 {
          %dma_start3A_168 = arith.constant 0 : i32
          %dma_start3A_169 = tpu.memref_slice %arg8[%add3A_133, %dma_start3A_168] : memref<40x128xi32, #tpu.memory_space<vmem>> -> memref<1x128xi32, #tpu.memory_space<vmem>>
          %dma_start3A_170 = tpu.memref_squeeze %dma_start3A_169 : memref<1x128xi32, #tpu.memory_space<vmem>> -> memref<128xi32, #tpu.memory_space<vmem>>
          %dma_start3A_171 = arith.constant 0 : i32
          %dma_start3A_172 = arith.constant 0 : i32
          %dma_start3A_173 = tpu.memref_slice %arg2[%dma_start3A_171, %dma_start3A_172] : memref<100352x32xf32, #tpu.memory_space<hbm>> -> memref<100352x32xf32, #tpu.memory_space<hbm>>
          tpu.enqueue_indirect_dma source(%dma_start3A_173 : memref<100352x32xf32, #tpu.memory_space<hbm>>) target(%arg12 : memref<128x32xf32, #tpu.memory_space<vmem>>) offsets(%dma_start3A_170 : memref<128xi32, #tpu.memory_space<vmem>>) semaphore(%arg17 : memref<!tpu.dma_semaphore, #tpu.memory_space<semaphore_mem>>)
        } else {
        }
        %mul3A_139 = arith.constant 4 : i32
        %mul3A_140 = arith.muli %scan3A_55, %mul3A_139 : i32
        %add3A_141 = arith.constant 3 : i32
        %add3A_142 = arith.addi %mul3A_140, %add3A_141 : i32
        %dma_wait3A_143 = arith.constant 0 : i32
        %dma_wait3A_144 = tpu.memref_slice %arg8[%add3A_142, %dma_wait3A_143] : memref<40x128xi32, #tpu.memory_space<vmem>> -> memref<1x128xi32, #tpu.memory_space<vmem>>
        %dma_wait3A_145 = tpu.memref_squeeze %dma_wait3A_144 : memref<1x128xi32, #tpu.memory_space<vmem>> -> memref<128xi32, #tpu.memory_space<vmem>>
        %dma_wait3A_146 = arith.constant 0 : i32
        %dma_wait3A_147 = arith.constant 0 : i32
        %dma_wait3A_148 = tpu.memref_slice %arg2[%dma_wait3A_146, %dma_wait3A_147] : memref<100352x32xf32, #tpu.memory_space<hbm>> -> memref<100352x32xf32, #tpu.memory_space<hbm>>
        tpu.wait_indirect_dma semaphore(%arg18 : memref<!tpu.dma_semaphore, #tpu.memory_space<semaphore_mem>>) src(%dma_wait3A_148 : memref<100352x32xf32, #tpu.memory_space<hbm>>) dst(%arg13 : memref<128x32xf32, #tpu.memory_space<vmem>>)
        %dma_start3A_149 = arith.constant 0 : i32
        %dma_start3A_150 = tpu.memref_slice %arg9[%add3A_142, %dma_start3A_149] : memref<40x128xi32, #tpu.memory_space<vmem>> -> memref<1x128xi32, #tpu.memory_space<vmem>>
        %dma_start3A_151 = tpu.memref_squeeze %dma_start3A_150 : memref<1x128xi32, #tpu.memory_space<vmem>> -> memref<128xi32, #tpu.memory_space<vmem>>
        %dma_start3A_152 = arith.constant 0 : i32
        %dma_start3A_153 = arith.constant 0 : i32
        %dma_start3A_154 = tpu.memref_slice %arg7[%dma_start3A_152, %dma_start3A_153] : memref<50176x32xf32, #tpu.memory_space<vmem_shared>> -> memref<50176x32xf32, #tpu.memory_space<vmem_shared>>
        tpu.enqueue_indirect_dma source(%arg13 : memref<128x32xf32, #tpu.memory_space<vmem>>) target(%dma_start3A_154 : memref<50176x32xf32, #tpu.memory_space<vmem_shared>>) offsets(%dma_start3A_151 : memref<128xi32, #tpu.memory_space<vmem>>) semaphore(%arg22 : memref<!tpu.dma_semaphore, #tpu.memory_space<semaphore_mem>>) {add = true}
        %dma_wait3A_155 = arith.constant 0 : i32
        %dma_wait3A_156 = tpu.memref_slice %arg9[%add3A_142, %dma_wait3A_155] : memref<40x128xi32, #tpu.memory_space<vmem>> -> memref<1x128xi32, #tpu.memory_space<vmem>>
        %dma_wait3A_157 = tpu.memref_squeeze %dma_wait3A_156 : memref<1x128xi32, #tpu.memory_space<vmem>> -> memref<128xi32, #tpu.memory_space<vmem>>
        %dma_wait3A_158 = arith.constant 0 : i32
        %dma_wait3A_159 = arith.constant 0 : i32
        %dma_wait3A_160 = tpu.memref_slice %arg7[%dma_wait3A_158, %dma_wait3A_159] : memref<50176x32xf32, #tpu.memory_space<vmem_shared>> -> memref<50176x32xf32, #tpu.memory_space<vmem_shared>>
        tpu.wait_indirect_dma semaphore(%arg22 : memref<!tpu.dma_semaphore, #tpu.memory_space<semaphore_mem>>) src(%arg13 : memref<128x32xf32, #tpu.memory_space<vmem>>) dst(%dma_wait3A_160 : memref<50176x32xf32, #tpu.memory_space<vmem_shared>>)
        %add3A_161 = arith.constant 4 : i32
        %add3A_162 = arith.addi %add3A_142, %add3A_161 : i32
        %lt3A_163 = arith.constant 40 : i32
        %lt3A_164 = arith.cmpi slt, %add3A_162, %lt3A_163 : i32
        %convert_element_type3A_165 = arith.extui %lt3A_164 : i1 to i32
        %cond3A_166 = arith.constant 0 : i32
        %cond3A_167 = arith.cmpi ne, %convert_element_type3A_165, %cond3A_166 : i32
        scf.if %cond3A_167 {
          %dma_start3A_168 = arith.constant 0 : i32
          %dma_start3A_169 = tpu.memref_slice %arg8[%add3A_162, %dma_start3A_168] : memref<40x128xi32, #tpu.memory_space<vmem>> -> memref<1x128xi32, #tpu.memory_space<vmem>>
          %dma_start3A_170 = tpu.memref_squeeze %dma_start3A_169 : memref<1x128xi32, #tpu.memory_space<vmem>> -> memref<128xi32, #tpu.memory_space<vmem>>
          %dma_start3A_171 = arith.constant 0 : i32
          %dma_start3A_172 = arith.constant 0 : i32
          %dma_start3A_173 = tpu.memref_slice %arg2[%dma_start3A_171, %dma_start3A_172] : memref<100352x32xf32, #tpu.memory_space<hbm>> -> memref<100352x32xf32, #tpu.memory_space<hbm>>
          tpu.enqueue_indirect_dma source(%dma_start3A_173 : memref<100352x32xf32, #tpu.memory_space<hbm>>) target(%arg13 : memref<128x32xf32, #tpu.memory_space<vmem>>) offsets(%dma_start3A_170 : memref<128xi32, #tpu.memory_space<vmem>>) semaphore(%arg18 : memref<!tpu.dma_semaphore, #tpu.memory_space<semaphore_mem>>)
        } else {
        }
      }
      %scan3A_54 = arith.constant 10 : i32
    }
    %scan3A_11 = arith.constant 10 : i32
    %barrier3A_12 = arith.constant 0 : index
    tpu.barrier barrier_id(%barrier3A_12)
    %scan3A_13 = arith.constant 0 : i32
    %scan3A_14 = arith.constant 0 : i32
    %scan3A_15 = arith.constant 28 : i32
    %scan3A_16 = arith.addi %scan3A_14, %scan3A_15 : i32
    %scan3A_17 = arith.constant 1 : i32
    scf.for %scan3A_19 = %scan3A_14 to %scan3A_16 step %scan3A_17  : i32 {
      %mul3A_20 = arith.constant 3136 : i32
      %mul3A_21 = arith.muli %arg1, %mul3A_20 : i32
      %mul3A_22 = arith.constant 112 : i32
      %mul3A_23 = arith.muli %scan3A_19, %mul3A_22 : i32
      %add3A = arith.addi %mul3A_21, %mul3A_23 : i32
      "tpu.region"() ({
        %run_scoped3A = tpu.sem_alloc : memref<!tpu.dma_semaphore, #tpu.memory_space<semaphore_mem>>
        %dma_start3A = arith.constant 0 : i32
        %dma_start3A_24 = tpu.memref_slice %arg7[%add3A, %dma_start3A] : memref<50176x32xf32, #tpu.memory_space<vmem_shared>> -> memref<112x32xf32, #tpu.memory_space<vmem_shared>>
        %dma_start3A_25 = arith.constant 0 : i32
        %dma_start3A_26 = tpu.memref_slice %arg7[%add3A, %dma_start3A_25] : memref<50176x32xf32, #tpu.memory_space<vmem_shared>> -> memref<112x32xf32, #tpu.memory_space<vmem_shared>>
        tpu.enqueue_dma source(%dma_start3A_26 : memref<112x32xf32, #tpu.memory_space<vmem_shared>>) target(%arg14 : memref<112x32xf32, #tpu.memory_space<vmem>>) target_semaphore(%run_scoped3A : memref<!tpu.dma_semaphore, #tpu.memory_space<semaphore_mem>>)
        %dma_wait3A = arith.constant 0 : i32
        %dma_wait3A_27 = tpu.memref_slice %arg7[%add3A, %dma_wait3A] : memref<50176x32xf32, #tpu.memory_space<vmem_shared>> -> memref<112x32xf32, #tpu.memory_space<vmem_shared>>
        %dma_wait3A_28 = arith.constant 0 : i32
        %dma_wait3A_29 = tpu.memref_slice %arg7[%add3A, %dma_wait3A_28] : memref<50176x32xf32, #tpu.memory_space<vmem_shared>> -> memref<112x32xf32, #tpu.memory_space<vmem_shared>>
        tpu.wait_dma2 semaphore(%run_scoped3A : memref<!tpu.dma_semaphore, #tpu.memory_space<semaphore_mem>>) src(%dma_wait3A_29 : memref<112x32xf32, #tpu.memory_space<vmem_shared>>) dst(%arg14 : memref<112x32xf32, #tpu.memory_space<vmem>>)
        tpu.yield
      }) : () -> ()
      "tpu.region"() ({
        %run_scoped3A = tpu.sem_alloc : memref<!tpu.dma_semaphore, #tpu.memory_space<semaphore_mem>>
        %dma_start3A = arith.constant 0 : i32
        %dma_start3A_24 = tpu.memref_slice %arg6[%arg0, %add3A, %dma_start3A] : memref<2x50176x32xf32, #tpu.memory_space<hbm>> -> memref<1x112x32xf32, #tpu.memory_space<hbm>>
        %dma_start3A_25 = tpu.memref_squeeze %dma_start3A_24 : memref<1x112x32xf32, #tpu.memory_space<hbm>> -> memref<112x32xf32, #tpu.memory_space<hbm>>
        %dma_start3A_26 = arith.constant 0 : i32
        %dma_start3A_27 = tpu.memref_slice %arg6[%arg0, %add3A, %dma_start3A_26] : memref<2x50176x32xf32, #tpu.memory_space<hbm>> -> memref<1x112x32xf32, #tpu.memory_space<hbm>>
        %dma_start3A_28 = tpu.memref_squeeze %dma_start3A_27 : memref<1x112x32xf32, #tpu.memory_space<hbm>> -> memref<112x32xf32, #tpu.memory_space<hbm>>
        tpu.enqueue_dma source(%arg14 : memref<112x32xf32, #tpu.memory_space<vmem>>) target(%dma_start3A_28 : memref<112x32xf32, #tpu.memory_space<hbm>>) target_semaphore(%run_scoped3A : memref<!tpu.dma_semaphore, #tpu.memory_space<semaphore_mem>>)
        %dma_wait3A = arith.constant 0 : i32
        %dma_wait3A_29 = tpu.memref_slice %arg6[%arg0, %add3A, %dma_wait3A] : memref<2x50176x32xf32, #tpu.memory_space<hbm>> -> memref<1x112x32xf32, #tpu.memory_space<hbm>>
        %dma_wait3A_30 = tpu.memref_squeeze %dma_wait3A_29 : memref<1x112x32xf32, #tpu.memory_space<hbm>> -> memref<112x32xf32, #tpu.memory_space<hbm>>
        %dma_wait3A_31 = arith.constant 0 : i32
        %dma_wait3A_32 = tpu.memref_slice %arg6[%arg0, %add3A, %dma_wait3A_31] : memref<2x50176x32xf32, #tpu.memory_space<hbm>> -> memref<1x112x32xf32, #tpu.memory_space<hbm>>
        %dma_wait3A_33 = tpu.memref_squeeze %dma_wait3A_32 : memref<1x112x32xf32, #tpu.memory_space<hbm>> -> memref<112x32xf32, #tpu.memory_space<hbm>>
        tpu.wait_dma2 semaphore(%run_scoped3A : memref<!tpu.dma_semaphore, #tpu.memory_space<semaphore_mem>>) src(%arg14 : memref<112x32xf32, #tpu.memory_space<vmem>>) dst(%dma_wait3A_33 : memref<112x32xf32, #tpu.memory_space<hbm>>)
        tpu.yield
      }) : () -> ()
    }
    %scan3A_18 = arith.constant 28 : i32
    return
  }
}

#map = affine_map<(d0, d1) -> (0, 0)>
#map1 = affine_map<(d0, d1) -> (0)>
module attributes {stable_mosaic.version = 14 : i64} {
  func.func @_deg_body(%arg0: i32, %arg1: i32, %arg2: memref<6400x128xi32, #tpu.memory_space<hbm>>, %arg3: memref<3136xf32, #tpu.memory_space<hbm>>, %arg4: memref<100352xf32, #tpu.memory_space<hbm>>, %arg5: memref<50176xf32, #tpu.memory_space<vmem_shared>>, %arg6: memref<200x128xi32, #tpu.memory_space<vmem>>, %arg7: memref<128xf32, #tpu.memory_space<vmem>>, %arg8: memref<3136xf32, #tpu.memory_space<vmem>>) attributes {dimension_semantics = [#tpu.dimension_semantics<core_parallel>, #tpu.dimension_semantics<subcore_parallel>], iteration_bounds = array<i64: 2, 16>, scalar_prefetch = 0 : i64, scratch_operands = 4 : i64, tpu.core_type = #tpu.core_type<sc_vector_subcore>, window_params = [{transform_indices = #map}, {transform_indices = #map1}, {transform_indices = #map1}]} {
    "tpu.region"() ({
      %run_scoped3A = tpu.sem_alloc : memref<!tpu.dma_semaphore, #tpu.memory_space<semaphore_mem>>
      tpu.enqueue_dma source(%arg3 : memref<3136xf32, #tpu.memory_space<hbm>>) target(%arg8 : memref<3136xf32, #tpu.memory_space<vmem>>) target_semaphore(%run_scoped3A : memref<!tpu.dma_semaphore, #tpu.memory_space<semaphore_mem>>)
      tpu.wait_dma2 semaphore(%run_scoped3A : memref<!tpu.dma_semaphore, #tpu.memory_space<semaphore_mem>>) src(%arg3 : memref<3136xf32, #tpu.memory_space<hbm>>) dst(%arg8 : memref<3136xf32, #tpu.memory_space<vmem>>)
      tpu.yield
    }) : () -> ()
    %mul3A = arith.constant 3136 : i32
    %mul3A_0 = arith.muli %arg1, %mul3A : i32
    "tpu.region"() ({
      %run_scoped3A = tpu.sem_alloc : memref<!tpu.dma_semaphore, #tpu.memory_space<semaphore_mem>>
      %dma_start3A = tpu.memref_slice %arg5[%mul3A_0] : memref<50176xf32, #tpu.memory_space<vmem_shared>> -> memref<3136xf32, #tpu.memory_space<vmem_shared>>
      %dma_start3A_64 = tpu.memref_slice %arg5[%mul3A_0] : memref<50176xf32, #tpu.memory_space<vmem_shared>> -> memref<3136xf32, #tpu.memory_space<vmem_shared>>
      tpu.enqueue_dma source(%arg8 : memref<3136xf32, #tpu.memory_space<vmem>>) target(%dma_start3A_64 : memref<3136xf32, #tpu.memory_space<vmem_shared>>) target_semaphore(%run_scoped3A : memref<!tpu.dma_semaphore, #tpu.memory_space<semaphore_mem>>)
      %dma_wait3A = tpu.memref_slice %arg5[%mul3A_0] : memref<50176xf32, #tpu.memory_space<vmem_shared>> -> memref<3136xf32, #tpu.memory_space<vmem_shared>>
      %dma_wait3A_65 = tpu.memref_slice %arg5[%mul3A_0] : memref<50176xf32, #tpu.memory_space<vmem_shared>> -> memref<3136xf32, #tpu.memory_space<vmem_shared>>
      tpu.wait_dma2 semaphore(%run_scoped3A : memref<!tpu.dma_semaphore, #tpu.memory_space<semaphore_mem>>) src(%arg8 : memref<3136xf32, #tpu.memory_space<vmem>>) dst(%dma_wait3A_65 : memref<3136xf32, #tpu.memory_space<vmem_shared>>)
      tpu.yield
    }) : () -> ()
    %broadcast_in_dim3A = arith.constant 1.000000e+00 : f32
    %broadcast_in_dim3A_1 = vector.broadcast %broadcast_in_dim3A : f32 to vector<16xf32>
    %swap3A = arith.constant 0 : index
    %swap3A_2 = tpu.vector_load %arg7[%swap3A] {strides = array<i32>} : memref<128xf32, #tpu.memory_space<vmem>>, vector<16xf32>,
    %swap3A_3 = vector.shape_cast %swap3A_2 : vector<16xf32> to vector<16xf32>
    %swap3A_4 = vector.shape_cast %broadcast_in_dim3A_1 : vector<16xf32> to vector<16xf32>
    tpu.vector_store %arg7[%swap3A], %swap3A_4 {strides = array<i32>} : memref<128xf32, #tpu.memory_space<vmem>>, vector<16xf32>,
    %broadcast_in_dim3A_5 = arith.constant 1.000000e+00 : f32
    %broadcast_in_dim3A_6 = vector.broadcast %broadcast_in_dim3A_5 : f32 to vector<16xf32>
    %swap3A_7 = arith.constant 16 : index
    %swap3A_8 = tpu.vector_load %arg7[%swap3A_7] {strides = array<i32>} : memref<128xf32, #tpu.memory_space<vmem>>, vector<16xf32>,
    %swap3A_9 = vector.shape_cast %swap3A_8 : vector<16xf32> to vector<16xf32>
    %swap3A_10 = vector.shape_cast %broadcast_in_dim3A_6 : vector<16xf32> to vector<16xf32>
    tpu.vector_store %arg7[%swap3A_7], %swap3A_10 {strides = array<i32>} : memref<128xf32, #tpu.memory_space<vmem>>, vector<16xf32>,
    %broadcast_in_dim3A_11 = arith.constant 1.000000e+00 : f32
    %broadcast_in_dim3A_12 = vector.broadcast %broadcast_in_dim3A_11 : f32 to vector<16xf32>
    %swap3A_13 = arith.constant 32 : index
    %swap3A_14 = tpu.vector_load %arg7[%swap3A_13] {strides = array<i32>} : memref<128xf32, #tpu.memory_space<vmem>>, vector<16xf32>,
    %swap3A_15 = vector.shape_cast %swap3A_14 : vector<16xf32> to vector<16xf32>
    %swap3A_16 = vector.shape_cast %broadcast_in_dim3A_12 : vector<16xf32> to vector<16xf32>
    tpu.vector_store %arg7[%swap3A_13], %swap3A_16 {strides = array<i32>} : memref<128xf32, #tpu.memory_space<vmem>>, vector<16xf32>,
    %broadcast_in_dim3A_17 = arith.constant 1.000000e+00 : f32
    %broadcast_in_dim3A_18 = vector.broadcast %broadcast_in_dim3A_17 : f32 to vector<16xf32>
    %swap3A_19 = arith.constant 48 : index
    %swap3A_20 = tpu.vector_load %arg7[%swap3A_19] {strides = array<i32>} : memref<128xf32, #tpu.memory_space<vmem>>, vector<16xf32>,
    %swap3A_21 = vector.shape_cast %swap3A_20 : vector<16xf32> to vector<16xf32>
    %swap3A_22 = vector.shape_cast %broadcast_in_dim3A_18 : vector<16xf32> to vector<16xf32>
    tpu.vector_store %arg7[%swap3A_19], %swap3A_22 {strides = array<i32>} : memref<128xf32, #tpu.memory_space<vmem>>, vector<16xf32>,
    %broadcast_in_dim3A_23 = arith.constant 1.000000e+00 : f32
    %broadcast_in_dim3A_24 = vector.broadcast %broadcast_in_dim3A_23 : f32 to vector<16xf32>
    %swap3A_25 = arith.constant 64 : index
    %swap3A_26 = tpu.vector_load %arg7[%swap3A_25] {strides = array<i32>} : memref<128xf32, #tpu.memory_space<vmem>>, vector<16xf32>,
    %swap3A_27 = vector.shape_cast %swap3A_26 : vector<16xf32> to vector<16xf32>
    %swap3A_28 = vector.shape_cast %broadcast_in_dim3A_24 : vector<16xf32> to vector<16xf32>
    tpu.vector_store %arg7[%swap3A_25], %swap3A_28 {strides = array<i32>} : memref<128xf32, #tpu.memory_space<vmem>>, vector<16xf32>,
    %broadcast_in_dim3A_29 = arith.constant 1.000000e+00 : f32
    %broadcast_in_dim3A_30 = vector.broadcast %broadcast_in_dim3A_29 : f32 to vector<16xf32>
    %swap3A_31 = arith.constant 80 : index
    %swap3A_32 = tpu.vector_load %arg7[%swap3A_31] {strides = array<i32>} : memref<128xf32, #tpu.memory_space<vmem>>, vector<16xf32>,
    %swap3A_33 = vector.shape_cast %swap3A_32 : vector<16xf32> to vector<16xf32>
    %swap3A_34 = vector.shape_cast %broadcast_in_dim3A_30 : vector<16xf32> to vector<16xf32>
    tpu.vector_store %arg7[%swap3A_31], %swap3A_34 {strides = array<i32>} : memref<128xf32, #tpu.memory_space<vmem>>, vector<16xf32>,
    %broadcast_in_dim3A_35 = arith.constant 1.000000e+00 : f32
    %broadcast_in_dim3A_36 = vector.broadcast %broadcast_in_dim3A_35 : f32 to vector<16xf32>
    %swap3A_37 = arith.constant 96 : index
    %swap3A_38 = tpu.vector_load %arg7[%swap3A_37] {strides = array<i32>} : memref<128xf32, #tpu.memory_space<vmem>>, vector<16xf32>,
    %swap3A_39 = vector.shape_cast %swap3A_38 : vector<16xf32> to vector<16xf32>
    %swap3A_40 = vector.shape_cast %broadcast_in_dim3A_36 : vector<16xf32> to vector<16xf32>
    tpu.vector_store %arg7[%swap3A_37], %swap3A_40 {strides = array<i32>} : memref<128xf32, #tpu.memory_space<vmem>>, vector<16xf32>,
    %broadcast_in_dim3A_41 = arith.constant 1.000000e+00 : f32
    %broadcast_in_dim3A_42 = vector.broadcast %broadcast_in_dim3A_41 : f32 to vector<16xf32>
    %swap3A_43 = arith.constant 112 : index
    %swap3A_44 = tpu.vector_load %arg7[%swap3A_43] {strides = array<i32>} : memref<128xf32, #tpu.memory_space<vmem>>, vector<16xf32>,
    %swap3A_45 = vector.shape_cast %swap3A_44 : vector<16xf32> to vector<16xf32>
    %swap3A_46 = vector.shape_cast %broadcast_in_dim3A_42 : vector<16xf32> to vector<16xf32>
    tpu.vector_store %arg7[%swap3A_43], %swap3A_46 {strides = array<i32>} : memref<128xf32, #tpu.memory_space<vmem>>, vector<16xf32>,
    %barrier3A = arith.constant 0 : index
    tpu.barrier barrier_id(%barrier3A)
    %mul3A_47 = arith.constant 2 : i32
    %mul3A_48 = arith.muli %arg1, %mul3A_47 : i32
    %add3A = arith.addi %mul3A_48, %arg0 : i32
    %mul3A_49 = arith.constant 200 : i32
    %mul3A_50 = arith.muli %add3A, %mul3A_49 : i32
    "tpu.region"() ({
      %run_scoped3A = tpu.sem_alloc : memref<!tpu.dma_semaphore, #tpu.memory_space<semaphore_mem>>
      %dma_start3A = arith.constant 0 : i32
      %dma_start3A_64 = tpu.memref_slice %arg2[%mul3A_50, %dma_start3A] : memref<6400x128xi32, #tpu.memory_space<hbm>> -> memref<200x128xi32, #tpu.memory_space<hbm>>
      %dma_start3A_65 = arith.constant 0 : i32
      %dma_start3A_66 = tpu.memref_slice %arg2[%mul3A_50, %dma_start3A_65] : memref<6400x128xi32, #tpu.memory_space<hbm>> -> memref<200x128xi32, #tpu.memory_space<hbm>>
      tpu.enqueue_dma source(%dma_start3A_66 : memref<200x128xi32, #tpu.memory_space<hbm>>) target(%arg6 : memref<200x128xi32, #tpu.memory_space<vmem>>) target_semaphore(%run_scoped3A : memref<!tpu.dma_semaphore, #tpu.memory_space<semaphore_mem>>)
      %dma_wait3A = arith.constant 0 : i32
      %dma_wait3A_67 = tpu.memref_slice %arg2[%mul3A_50, %dma_wait3A] : memref<6400x128xi32, #tpu.memory_space<hbm>> -> memref<200x128xi32, #tpu.memory_space<hbm>>
      %dma_wait3A_68 = arith.constant 0 : i32
      %dma_wait3A_69 = tpu.memref_slice %arg2[%mul3A_50, %dma_wait3A_68] : memref<6400x128xi32, #tpu.memory_space<hbm>> -> memref<200x128xi32, #tpu.memory_space<hbm>>
      tpu.wait_dma2 semaphore(%run_scoped3A : memref<!tpu.dma_semaphore, #tpu.memory_space<semaphore_mem>>) src(%dma_wait3A_69 : memref<200x128xi32, #tpu.memory_space<hbm>>) dst(%arg6 : memref<200x128xi32, #tpu.memory_space<vmem>>)
      tpu.yield
    }) : () -> ()
    %scan3A = arith.constant 0 : i32
    %scan3A_51 = arith.constant 0 : i32
    %scan3A_52 = arith.constant 200 : i32
    %scan3A_53 = arith.addi %scan3A_51, %scan3A_52 : i32
    %scan3A_54 = arith.constant 1 : i32
    scf.for %scan3A_64 = %scan3A_51 to %scan3A_53 step %scan3A_54  : i32 {
      "tpu.region"() ({
        %run_scoped3A = tpu.sem_alloc : memref<!tpu.dma_semaphore, #tpu.memory_space<semaphore_mem>>
        %dma_start3A = arith.constant 0 : i32
        %dma_start3A_65 = tpu.memref_slice %arg6[%scan3A_64, %dma_start3A] : memref<200x128xi32, #tpu.memory_space<vmem>> -> memref<1x128xi32, #tpu.memory_space<vmem>>
        %dma_start3A_66 = tpu.memref_squeeze %dma_start3A_65 : memref<1x128xi32, #tpu.memory_space<vmem>> -> memref<128xi32, #tpu.memory_space<vmem>>
        %dma_start3A_67 = arith.constant 0 : i32
        %dma_start3A_68 = tpu.memref_slice %arg5[%dma_start3A_67] : memref<50176xf32, #tpu.memory_space<vmem_shared>> -> memref<50176xf32, #tpu.memory_space<vmem_shared>>
        tpu.enqueue_indirect_dma source(%arg7 : memref<128xf32, #tpu.memory_space<vmem>>) target(%dma_start3A_68 : memref<50176xf32, #tpu.memory_space<vmem_shared>>) offsets(%dma_start3A_66 : memref<128xi32, #tpu.memory_space<vmem>>) semaphore(%run_scoped3A : memref<!tpu.dma_semaphore, #tpu.memory_space<semaphore_mem>>) {add = true}
        %dma_wait3A = arith.constant 0 : i32
        %dma_wait3A_69 = tpu.memref_slice %arg6[%scan3A_64, %dma_wait3A] : memref<200x128xi32, #tpu.memory_space<vmem>> -> memref<1x128xi32, #tpu.memory_space<vmem>>
        %dma_wait3A_70 = tpu.memref_squeeze %dma_wait3A_69 : memref<1x128xi32, #tpu.memory_space<vmem>> -> memref<128xi32, #tpu.memory_space<vmem>>
        %dma_wait3A_71 = arith.constant 0 : i32
        %dma_wait3A_72 = tpu.memref_slice %arg5[%dma_wait3A_71] : memref<50176xf32, #tpu.memory_space<vmem_shared>> -> memref<50176xf32, #tpu.memory_space<vmem_shared>>
        tpu.wait_indirect_dma semaphore(%run_scoped3A : memref<!tpu.dma_semaphore, #tpu.memory_space<semaphore_mem>>) src(%arg7 : memref<128xf32, #tpu.memory_space<vmem>>) dst(%dma_wait3A_72 : memref<50176xf32, #tpu.memory_space<vmem_shared>>)
        tpu.yield
      }) : () -> ()
    }
    %scan3A_55 = arith.constant 200 : i32
    %barrier3A_56 = arith.constant 0 : index
    tpu.barrier barrier_id(%barrier3A_56)
    %mul3A_57 = arith.constant 3136 : i32
    %mul3A_58 = arith.muli %arg1, %mul3A_57 : i32
    "tpu.region"() ({
      %run_scoped3A = tpu.sem_alloc : memref<!tpu.dma_semaphore, #tpu.memory_space<semaphore_mem>>
      %dma_start3A = tpu.memref_slice %arg5[%mul3A_58] : memref<50176xf32, #tpu.memory_space<vmem_shared>> -> memref<3136xf32, #tpu.memory_space<vmem_shared>>
      %dma_start3A_64 = tpu.memref_slice %arg5[%mul3A_58] : memref<50176xf32, #tpu.memory_space<vmem_shared>> -> memref<3136xf32, #tpu.memory_space<vmem_shared>>
      tpu.enqueue_dma source(%dma_start3A_64 : memref<3136xf32, #tpu.memory_space<vmem_shared>>) target(%arg8 : memref<3136xf32, #tpu.memory_space<vmem>>) target_semaphore(%run_scoped3A : memref<!tpu.dma_semaphore, #tpu.memory_space<semaphore_mem>>)
      %dma_wait3A = tpu.memref_slice %arg5[%mul3A_58] : memref<50176xf32, #tpu.memory_space<vmem_shared>> -> memref<3136xf32, #tpu.memory_space<vmem_shared>>
      %dma_wait3A_65 = tpu.memref_slice %arg5[%mul3A_58] : memref<50176xf32, #tpu.memory_space<vmem_shared>> -> memref<3136xf32, #tpu.memory_space<vmem_shared>>
      tpu.wait_dma2 semaphore(%run_scoped3A : memref<!tpu.dma_semaphore, #tpu.memory_space<semaphore_mem>>) src(%dma_wait3A_65 : memref<3136xf32, #tpu.memory_space<vmem_shared>>) dst(%arg8 : memref<3136xf32, #tpu.memory_space<vmem>>)
      tpu.yield
    }) : () -> ()
    %mul3A_59 = arith.constant 50176 : i32
    %mul3A_60 = arith.muli %arg0, %mul3A_59 : i32
    %mul3A_61 = arith.constant 3136 : i32
    %mul3A_62 = arith.muli %arg1, %mul3A_61 : i32
    %add3A_63 = arith.addi %mul3A_60, %mul3A_62 : i32
    "tpu.region"() ({
      %run_scoped3A = tpu.sem_alloc : memref<!tpu.dma_semaphore, #tpu.memory_space<semaphore_mem>>
      %dma_start3A = tpu.memref_slice %arg4[%add3A_63] : memref<100352xf32, #tpu.memory_space<hbm>> -> memref<3136xf32, #tpu.memory_space<hbm>>
      %dma_start3A_64 = tpu.memref_slice %arg4[%add3A_63] : memref<100352xf32, #tpu.memory_space<hbm>> -> memref<3136xf32, #tpu.memory_space<hbm>>
      tpu.enqueue_dma source(%arg8 : memref<3136xf32, #tpu.memory_space<vmem>>) target(%dma_start3A_64 : memref<3136xf32, #tpu.memory_space<hbm>>) target_semaphore(%run_scoped3A : memref<!tpu.dma_semaphore, #tpu.memory_space<semaphore_mem>>)
      %dma_wait3A = tpu.memref_slice %arg4[%add3A_63] : memref<100352xf32, #tpu.memory_space<hbm>> -> memref<3136xf32, #tpu.memory_space<hbm>>
      %dma_wait3A_65 = tpu.memref_slice %arg4[%add3A_63] : memref<100352xf32, #tpu.memory_space<hbm>> -> memref<3136xf32, #tpu.memory_space<hbm>>
      tpu.wait_dma2 semaphore(%run_scoped3A : memref<!tpu.dma_semaphore, #tpu.memory_space<semaphore_mem>>) src(%arg8 : memref<3136xf32, #tpu.memory_space<vmem>>) dst(%dma_wait3A_65 : memref<3136xf32, #tpu.memory_space<hbm>>)
      tpu.yield
    }) : () -> ()
    return
  }
}

#map = affine_map<(d0, d1) -> (0, 0)>
#map1 = affine_map<(d0, d1) -> (0, 0, 0)>
module attributes {stable_mosaic.version = 14 : i64} {
  func.func @_agg_body(%arg0: i32, %arg1: i32, %arg2: memref<100352x32xf32, #tpu.memory_space<hbm>>, %arg3: memref<2x6400x128xi32, #tpu.memory_space<hbm>>, %arg4: memref<6400x128xi32, #tpu.memory_space<hbm>>, %arg5: memref<112x32xf32, #tpu.memory_space<hbm>>, %arg6: memref<2x50176x32xf32, #tpu.memory_space<hbm>>, %arg7: memref<50176x32xf32, #tpu.memory_space<vmem_shared>>, %arg8: memref<40x128xi32, #tpu.memory_space<vmem>>, %arg9: memref<40x128xi32, #tpu.memory_space<vmem>>, %arg10: memref<128x32xf32, #tpu.memory_space<vmem>>, %arg11: memref<128x32xf32, #tpu.memory_space<vmem>>, %arg12: memref<128x32xf32, #tpu.memory_space<vmem>>, %arg13: memref<128x32xf32, #tpu.memory_space<vmem>>, %arg14: memref<112x32xf32, #tpu.memory_space<vmem>>, %arg15: memref<!tpu.dma_semaphore, #tpu.memory_space<semaphore_mem>>, %arg16: memref<!tpu.dma_semaphore, #tpu.memory_space<semaphore_mem>>, %arg17: memref<!tpu.dma_semaphore, #tpu.memory_space<semaphore_mem>>, %arg18: memref<!tpu.dma_semaphore, #tpu.memory_space<semaphore_mem>>, %arg19: memref<!tpu.dma_semaphore, #tpu.memory_space<semaphore_mem>>, %arg20: memref<!tpu.dma_semaphore, #tpu.memory_space<semaphore_mem>>, %arg21: memref<!tpu.dma_semaphore, #tpu.memory_space<semaphore_mem>>, %arg22: memref<!tpu.dma_semaphore, #tpu.memory_space<semaphore_mem>>) attributes {dimension_semantics = [#tpu.dimension_semantics<core_parallel>, #tpu.dimension_semantics<subcore_parallel>], iteration_bounds = array<i64: 2, 16>, scalar_prefetch = 0 : i64, scratch_operands = 16 : i64, tpu.core_type = #tpu.core_type<sc_vector_subcore>, window_params = [{transform_indices = #map}, {transform_indices = #map1}, {transform_indices = #map}, {transform_indices = #map}, {transform_indices = #map1}]} {
    "tpu.region"() ({
      %run_scoped3A = tpu.sem_alloc : memref<!tpu.dma_semaphore, #tpu.memory_space<semaphore_mem>>
      tpu.enqueue_dma source(%arg5 : memref<112x32xf32, #tpu.memory_space<hbm>>) target(%arg14 : memref<112x32xf32, #tpu.memory_space<vmem>>) target_semaphore(%run_scoped3A : memref<!tpu.dma_semaphore, #tpu.memory_space<semaphore_mem>>)
      tpu.wait_dma2 semaphore(%run_scoped3A : memref<!tpu.dma_semaphore, #tpu.memory_space<semaphore_mem>>) src(%arg5 : memref<112x32xf32, #tpu.memory_space<hbm>>) dst(%arg14 : memref<112x32xf32, #tpu.memory_space<vmem>>)
      tpu.yield
    }) : () -> ()
    %scan3A = arith.constant 0 : i32
    %scan3A_0 = arith.constant 0 : i32
    %scan3A_1 = arith.constant 28 : i32
    %scan3A_2 = arith.addi %scan3A_0, %scan3A_1 : i32
    %scan3A_3 = arith.constant 1 : i32
    scf.for %scan3A_19 = %scan3A_0 to %scan3A_2 step %scan3A_3  : i32 {
      %mul3A_20 = arith.constant 3136 : i32
      %mul3A_21 = arith.muli %arg1, %mul3A_20 : i32
      %mul3A_22 = arith.constant 112 : i32
      %mul3A_23 = arith.muli %scan3A_19, %mul3A_22 : i32
      %add3A = arith.addi %mul3A_21, %mul3A_23 : i32
      "tpu.region"() ({
        %run_scoped3A = tpu.sem_alloc : memref<!tpu.dma_semaphore, #tpu.memory_space<semaphore_mem>>
        %dma_start3A = arith.constant 0 : i32
        %dma_start3A_24 = tpu.memref_slice %arg7[%add3A, %dma_start3A] : memref<50176x32xf32, #tpu.memory_space<vmem_shared>> -> memref<112x32xf32, #tpu.memory_space<vmem_shared>>
        %dma_start3A_25 = arith.constant 0 : i32
        %dma_start3A_26 = tpu.memref_slice %arg7[%add3A, %dma_start3A_25] : memref<50176x32xf32, #tpu.memory_space<vmem_shared>> -> memref<112x32xf32, #tpu.memory_space<vmem_shared>>
        tpu.enqueue_dma source(%arg14 : memref<112x32xf32, #tpu.memory_space<vmem>>) target(%dma_start3A_26 : memref<112x32xf32, #tpu.memory_space<vmem_shared>>) target_semaphore(%run_scoped3A : memref<!tpu.dma_semaphore, #tpu.memory_space<semaphore_mem>>)
        %dma_wait3A = arith.constant 0 : i32
        %dma_wait3A_27 = tpu.memref_slice %arg7[%add3A, %dma_wait3A] : memref<50176x32xf32, #tpu.memory_space<vmem_shared>> -> memref<112x32xf32, #tpu.memory_space<vmem_shared>>
        %dma_wait3A_28 = arith.constant 0 : i32
        %dma_wait3A_29 = tpu.memref_slice %arg7[%add3A, %dma_wait3A_28] : memref<50176x32xf32, #tpu.memory_space<vmem_shared>> -> memref<112x32xf32, #tpu.memory_space<vmem_shared>>
        tpu.wait_dma2 semaphore(%run_scoped3A : memref<!tpu.dma_semaphore, #tpu.memory_space<semaphore_mem>>) src(%arg14 : memref<112x32xf32, #tpu.memory_space<vmem>>) dst(%dma_wait3A_29 : memref<112x32xf32, #tpu.memory_space<vmem_shared>>)
        tpu.yield
      }) : () -> ()
    }
    %scan3A_4 = arith.constant 28 : i32
    %barrier3A = arith.constant 0 : index
    tpu.barrier barrier_id(%barrier3A)
    %mul3A = arith.constant 400 : i32
    %mul3A_5 = arith.muli %arg1, %mul3A : i32
    %scan3A_6 = arith.constant 0 : i32
    %scan3A_7 = arith.constant 0 : i32
    %scan3A_8 = arith.constant 10 : i32
    %scan3A_9 = arith.addi %scan3A_7, %scan3A_8 : i32
    %scan3A_10 = arith.constant 1 : i32
    scf.for %scan3A_19 = %scan3A_7 to %scan3A_9 step %scan3A_10  : i32 {
      %mul3A_20 = arith.constant 40 : i32
      %mul3A_21 = arith.muli %scan3A_19, %mul3A_20 : i32
      %add3A = arith.addi %mul3A_5, %mul3A_21 : i32
      "tpu.region"() ({
        %run_scoped3A = tpu.sem_alloc : memref<!tpu.dma_semaphore, #tpu.memory_space<semaphore_mem>>
        %dma_start3A_55 = arith.constant 0 : i32
        %dma_start3A_56 = tpu.memref_slice %arg3[%arg0, %add3A, %dma_start3A_55] : memref<2x6400x128xi32, #tpu.memory_space<hbm>> -> memref<1x40x128xi32, #tpu.memory_space<hbm>>
        %dma_start3A_57 = tpu.memref_squeeze %dma_start3A_56 : memref<1x40x128xi32, #tpu.memory_space<hbm>> -> memref<40x128xi32, #tpu.memory_space<hbm>>
        %dma_start3A_58 = arith.constant 0 : i32
        %dma_start3A_59 = tpu.memref_slice %arg3[%arg0, %add3A, %dma_start3A_58] : memref<2x6400x128xi32, #tpu.memory_space<hbm>> -> memref<1x40x128xi32, #tpu.memory_space<hbm>>
        %dma_start3A_60 = tpu.memref_squeeze %dma_start3A_59 : memref<1x40x128xi32, #tpu.memory_space<hbm>> -> memref<40x128xi32, #tpu.memory_space<hbm>>
        tpu.enqueue_dma source(%dma_start3A_60 : memref<40x128xi32, #tpu.memory_space<hbm>>) target(%arg8 : memref<40x128xi32, #tpu.memory_space<vmem>>) target_semaphore(%run_scoped3A : memref<!tpu.dma_semaphore, #tpu.memory_space<semaphore_mem>>)
        %dma_wait3A = arith.constant 0 : i32
        %dma_wait3A_61 = tpu.memref_slice %arg3[%arg0, %add3A, %dma_wait3A] : memref<2x6400x128xi32, #tpu.memory_space<hbm>> -> memref<1x40x128xi32, #tpu.memory_space<hbm>>
        %dma_wait3A_62 = tpu.memref_squeeze %dma_wait3A_61 : memref<1x40x128xi32, #tpu.memory_space<hbm>> -> memref<40x128xi32, #tpu.memory_space<hbm>>
        %dma_wait3A_63 = arith.constant 0 : i32
        %dma_wait3A_64 = tpu.memref_slice %arg3[%arg0, %add3A, %dma_wait3A_63] : memref<2x6400x128xi32, #tpu.memory_space<hbm>> -> memref<1x40x128xi32, #tpu.memory_space<hbm>>
        %dma_wait3A_65 = tpu.memref_squeeze %dma_wait3A_64 : memref<1x40x128xi32, #tpu.memory_space<hbm>> -> memref<40x128xi32, #tpu.memory_space<hbm>>
        tpu.wait_dma2 semaphore(%run_scoped3A : memref<!tpu.dma_semaphore, #tpu.memory_space<semaphore_mem>>) src(%dma_wait3A_65 : memref<40x128xi32, #tpu.memory_space<hbm>>) dst(%arg8 : memref<40x128xi32, #tpu.memory_space<vmem>>)
        tpu.yield
      }) : () -> ()
      "tpu.region"() ({
        %run_scoped3A = tpu.sem_alloc : memref<!tpu.dma_semaphore, #tpu.memory_space<semaphore_mem>>
        %dma_start3A_55 = arith.constant 0 : i32
        %dma_start3A_56 = tpu.memref_slice %arg4[%add3A, %dma_start3A_55] : memref<6400x128xi32, #tpu.memory_space<hbm>> -> memref<40x128xi32, #tpu.memory_space<hbm>>
        %dma_start3A_57 = arith.constant 0 : i32
        %dma_start3A_58 = tpu.memref_slice %arg4[%add3A, %dma_start3A_57] : memref<6400x128xi32, #tpu.memory_space<hbm>> -> memref<40x128xi32, #tpu.memory_space<hbm>>
        tpu.enqueue_dma source(%dma_start3A_58 : memref<40x128xi32, #tpu.memory_space<hbm>>) target(%arg9 : memref<40x128xi32, #tpu.memory_space<vmem>>) target_semaphore(%run_scoped3A : memref<!tpu.dma_semaphore, #tpu.memory_space<semaphore_mem>>)
        %dma_wait3A = arith.constant 0 : i32
        %dma_wait3A_59 = tpu.memref_slice %arg4[%add3A, %dma_wait3A] : memref<6400x128xi32, #tpu.memory_space<hbm>> -> memref<40x128xi32, #tpu.memory_space<hbm>>
        %dma_wait3A_60 = arith.constant 0 : i32
        %dma_wait3A_61 = tpu.memref_slice %arg4[%add3A, %dma_wait3A_60] : memref<6400x128xi32, #tpu.memory_space<hbm>> -> memref<40x128xi32, #tpu.memory_space<hbm>>
        tpu.wait_dma2 semaphore(%run_scoped3A : memref<!tpu.dma_semaphore, #tpu.memory_space<semaphore_mem>>) src(%dma_wait3A_61 : memref<40x128xi32, #tpu.memory_space<hbm>>) dst(%arg9 : memref<40x128xi32, #tpu.memory_space<vmem>>)
        tpu.yield
      }) : () -> ()
      %dma_start3A = arith.constant 0 : i32
      %dma_start3A_22 = arith.constant 0 : i32
      %dma_start3A_23 = tpu.memref_slice %arg8[%dma_start3A, %dma_start3A_22] : memref<40x128xi32, #tpu.memory_space<vmem>> -> memref<1x128xi32, #tpu.memory_space<vmem>>
      %dma_start3A_24 = tpu.memref_squeeze %dma_start3A_23 : memref<1x128xi32, #tpu.memory_space<vmem>> -> memref<128xi32, #tpu.memory_space<vmem>>
      %dma_start3A_25 = arith.constant 0 : i32
      %dma_start3A_26 = arith.constant 0 : i32
      %dma_start3A_27 = tpu.memref_slice %arg2[%dma_start3A_25, %dma_start3A_26] : memref<100352x32xf32, #tpu.memory_space<hbm>> -> memref<100352x32xf32, #tpu.memory_space<hbm>>
      tpu.enqueue_indirect_dma source(%dma_start3A_27 : memref<100352x32xf32, #tpu.memory_space<hbm>>) target(%arg10 : memref<128x32xf32, #tpu.memory_space<vmem>>) offsets(%dma_start3A_24 : memref<128xi32, #tpu.memory_space<vmem>>) semaphore(%arg15 : memref<!tpu.dma_semaphore, #tpu.memory_space<semaphore_mem>>)
      %dma_start3A_28 = arith.constant 1 : i32
      %dma_start3A_29 = arith.constant 0 : i32
      %dma_start3A_30 = tpu.memref_slice %arg8[%dma_start3A_28, %dma_start3A_29] : memref<40x128xi32, #tpu.memory_space<vmem>> -> memref<1x128xi32, #tpu.memory_space<vmem>>
      %dma_start3A_31 = tpu.memref_squeeze %dma_start3A_30 : memref<1x128xi32, #tpu.memory_space<vmem>> -> memref<128xi32, #tpu.memory_space<vmem>>
      %dma_start3A_32 = arith.constant 0 : i32
      %dma_start3A_33 = arith.constant 0 : i32
      %dma_start3A_34 = tpu.memref_slice %arg2[%dma_start3A_32, %dma_start3A_33] : memref<100352x32xf32, #tpu.memory_space<hbm>> -> memref<100352x32xf32, #tpu.memory_space<hbm>>
      tpu.enqueue_indirect_dma source(%dma_start3A_34 : memref<100352x32xf32, #tpu.memory_space<hbm>>) target(%arg11 : memref<128x32xf32, #tpu.memory_space<vmem>>) offsets(%dma_start3A_31 : memref<128xi32, #tpu.memory_space<vmem>>) semaphore(%arg16 : memref<!tpu.dma_semaphore, #tpu.memory_space<semaphore_mem>>)
      %dma_start3A_35 = arith.constant 2 : i32
      %dma_start3A_36 = arith.constant 0 : i32
      %dma_start3A_37 = tpu.memref_slice %arg8[%dma_start3A_35, %dma_start3A_36] : memref<40x128xi32, #tpu.memory_space<vmem>> -> memref<1x128xi32, #tpu.memory_space<vmem>>
      %dma_start3A_38 = tpu.memref_squeeze %dma_start3A_37 : memref<1x128xi32, #tpu.memory_space<vmem>> -> memref<128xi32, #tpu.memory_space<vmem>>
      %dma_start3A_39 = arith.constant 0 : i32
      %dma_start3A_40 = arith.constant 0 : i32
      %dma_start3A_41 = tpu.memref_slice %arg2[%dma_start3A_39, %dma_start3A_40] : memref<100352x32xf32, #tpu.memory_space<hbm>> -> memref<100352x32xf32, #tpu.memory_space<hbm>>
      tpu.enqueue_indirect_dma source(%dma_start3A_41 : memref<100352x32xf32, #tpu.memory_space<hbm>>) target(%arg12 : memref<128x32xf32, #tpu.memory_space<vmem>>) offsets(%dma_start3A_38 : memref<128xi32, #tpu.memory_space<vmem>>) semaphore(%arg17 : memref<!tpu.dma_semaphore, #tpu.memory_space<semaphore_mem>>)
      %dma_start3A_42 = arith.constant 3 : i32
      %dma_start3A_43 = arith.constant 0 : i32
      %dma_start3A_44 = tpu.memref_slice %arg8[%dma_start3A_42, %dma_start3A_43] : memref<40x128xi32, #tpu.memory_space<vmem>> -> memref<1x128xi32, #tpu.memory_space<vmem>>
      %dma_start3A_45 = tpu.memref_squeeze %dma_start3A_44 : memref<1x128xi32, #tpu.memory_space<vmem>> -> memref<128xi32, #tpu.memory_space<vmem>>
      %dma_start3A_46 = arith.constant 0 : i32
      %dma_start3A_47 = arith.constant 0 : i32
      %dma_start3A_48 = tpu.memref_slice %arg2[%dma_start3A_46, %dma_start3A_47] : memref<100352x32xf32, #tpu.memory_space<hbm>> -> memref<100352x32xf32, #tpu.memory_space<hbm>>
      tpu.enqueue_indirect_dma source(%dma_start3A_48 : memref<100352x32xf32, #tpu.memory_space<hbm>>) target(%arg13 : memref<128x32xf32, #tpu.memory_space<vmem>>) offsets(%dma_start3A_45 : memref<128xi32, #tpu.memory_space<vmem>>) semaphore(%arg18 : memref<!tpu.dma_semaphore, #tpu.memory_space<semaphore_mem>>)
      %scan3A_49 = arith.constant 0 : i32
      %scan3A_50 = arith.constant 0 : i32
      %scan3A_51 = arith.constant 10 : i32
      %scan3A_52 = arith.addi %scan3A_50, %scan3A_51 : i32
      %scan3A_53 = arith.constant 1 : i32
      scf.for %scan3A_55 = %scan3A_50 to %scan3A_52 step %scan3A_53  : i32 {
        %mul3A_56 = arith.constant 4 : i32
        %mul3A_57 = arith.muli %scan3A_55, %mul3A_56 : i32
        %add3A_58 = arith.constant 0 : i32
        %add3A_59 = arith.addi %mul3A_57, %add3A_58 : i32
        %dma_wait3A = arith.constant 0 : i32
        %dma_wait3A_60 = tpu.memref_slice %arg8[%add3A_59, %dma_wait3A] : memref<40x128xi32, #tpu.memory_space<vmem>> -> memref<1x128xi32, #tpu.memory_space<vmem>>
        %dma_wait3A_61 = tpu.memref_squeeze %dma_wait3A_60 : memref<1x128xi32, #tpu.memory_space<vmem>> -> memref<128xi32, #tpu.memory_space<vmem>>
        %dma_wait3A_62 = arith.constant 0 : i32
        %dma_wait3A_63 = arith.constant 0 : i32
        %dma_wait3A_64 = tpu.memref_slice %arg2[%dma_wait3A_62, %dma_wait3A_63] : memref<100352x32xf32, #tpu.memory_space<hbm>> -> memref<100352x32xf32, #tpu.memory_space<hbm>>
        tpu.wait_indirect_dma semaphore(%arg15 : memref<!tpu.dma_semaphore, #tpu.memory_space<semaphore_mem>>) src(%dma_wait3A_64 : memref<100352x32xf32, #tpu.memory_space<hbm>>) dst(%arg10 : memref<128x32xf32, #tpu.memory_space<vmem>>)
        %dma_start3A_65 = arith.constant 0 : i32
        %dma_start3A_66 = tpu.memref_slice %arg9[%add3A_59, %dma_start3A_65] : memref<40x128xi32, #tpu.memory_space<vmem>> -> memref<1x128xi32, #tpu.memory_space<vmem>>
        %dma_start3A_67 = tpu.memref_squeeze %dma_start3A_66 : memref<1x128xi32, #tpu.memory_space<vmem>> -> memref<128xi32, #tpu.memory_space<vmem>>
        %dma_start3A_68 = arith.constant 0 : i32
        %dma_start3A_69 = arith.constant 0 : i32
        %dma_start3A_70 = tpu.memref_slice %arg7[%dma_start3A_68, %dma_start3A_69] : memref<50176x32xf32, #tpu.memory_space<vmem_shared>> -> memref<50176x32xf32, #tpu.memory_space<vmem_shared>>
        tpu.enqueue_indirect_dma source(%arg10 : memref<128x32xf32, #tpu.memory_space<vmem>>) target(%dma_start3A_70 : memref<50176x32xf32, #tpu.memory_space<vmem_shared>>) offsets(%dma_start3A_67 : memref<128xi32, #tpu.memory_space<vmem>>) semaphore(%arg19 : memref<!tpu.dma_semaphore, #tpu.memory_space<semaphore_mem>>) {add = true}
        %dma_wait3A_71 = arith.constant 0 : i32
        %dma_wait3A_72 = tpu.memref_slice %arg9[%add3A_59, %dma_wait3A_71] : memref<40x128xi32, #tpu.memory_space<vmem>> -> memref<1x128xi32, #tpu.memory_space<vmem>>
        %dma_wait3A_73 = tpu.memref_squeeze %dma_wait3A_72 : memref<1x128xi32, #tpu.memory_space<vmem>> -> memref<128xi32, #tpu.memory_space<vmem>>
        %dma_wait3A_74 = arith.constant 0 : i32
        %dma_wait3A_75 = arith.constant 0 : i32
        %dma_wait3A_76 = tpu.memref_slice %arg7[%dma_wait3A_74, %dma_wait3A_75] : memref<50176x32xf32, #tpu.memory_space<vmem_shared>> -> memref<50176x32xf32, #tpu.memory_space<vmem_shared>>
        tpu.wait_indirect_dma semaphore(%arg19 : memref<!tpu.dma_semaphore, #tpu.memory_space<semaphore_mem>>) src(%arg10 : memref<128x32xf32, #tpu.memory_space<vmem>>) dst(%dma_wait3A_76 : memref<50176x32xf32, #tpu.memory_space<vmem_shared>>)
        %add3A_77 = arith.constant 4 : i32
        %add3A_78 = arith.addi %add3A_59, %add3A_77 : i32
        %lt3A = arith.constant 40 : i32
        %lt3A_79 = arith.cmpi slt, %add3A_78, %lt3A : i32
        %convert_element_type3A = arith.extui %lt3A_79 : i1 to i32
        %cond3A = arith.constant 0 : i32
        %cond3A_80 = arith.cmpi ne, %convert_element_type3A, %cond3A : i32
        scf.if %cond3A_80 {
          %dma_start3A_168 = arith.constant 0 : i32
          %dma_start3A_169 = tpu.memref_slice %arg8[%add3A_78, %dma_start3A_168] : memref<40x128xi32, #tpu.memory_space<vmem>> -> memref<1x128xi32, #tpu.memory_space<vmem>>
          %dma_start3A_170 = tpu.memref_squeeze %dma_start3A_169 : memref<1x128xi32, #tpu.memory_space<vmem>> -> memref<128xi32, #tpu.memory_space<vmem>>
          %dma_start3A_171 = arith.constant 0 : i32
          %dma_start3A_172 = arith.constant 0 : i32
          %dma_start3A_173 = tpu.memref_slice %arg2[%dma_start3A_171, %dma_start3A_172] : memref<100352x32xf32, #tpu.memory_space<hbm>> -> memref<100352x32xf32, #tpu.memory_space<hbm>>
          tpu.enqueue_indirect_dma source(%dma_start3A_173 : memref<100352x32xf32, #tpu.memory_space<hbm>>) target(%arg10 : memref<128x32xf32, #tpu.memory_space<vmem>>) offsets(%dma_start3A_170 : memref<128xi32, #tpu.memory_space<vmem>>) semaphore(%arg15 : memref<!tpu.dma_semaphore, #tpu.memory_space<semaphore_mem>>)
        } else {
        }
        %mul3A_81 = arith.constant 4 : i32
        %mul3A_82 = arith.muli %scan3A_55, %mul3A_81 : i32
        %add3A_83 = arith.constant 1 : i32
        %add3A_84 = arith.addi %mul3A_82, %add3A_83 : i32
        %dma_wait3A_85 = arith.constant 0 : i32
        %dma_wait3A_86 = tpu.memref_slice %arg8[%add3A_84, %dma_wait3A_85] : memref<40x128xi32, #tpu.memory_space<vmem>> -> memref<1x128xi32, #tpu.memory_space<vmem>>
        %dma_wait3A_87 = tpu.memref_squeeze %dma_wait3A_86 : memref<1x128xi32, #tpu.memory_space<vmem>> -> memref<128xi32, #tpu.memory_space<vmem>>
        %dma_wait3A_88 = arith.constant 0 : i32
        %dma_wait3A_89 = arith.constant 0 : i32
        %dma_wait3A_90 = tpu.memref_slice %arg2[%dma_wait3A_88, %dma_wait3A_89] : memref<100352x32xf32, #tpu.memory_space<hbm>> -> memref<100352x32xf32, #tpu.memory_space<hbm>>
        tpu.wait_indirect_dma semaphore(%arg16 : memref<!tpu.dma_semaphore, #tpu.memory_space<semaphore_mem>>) src(%dma_wait3A_90 : memref<100352x32xf32, #tpu.memory_space<hbm>>) dst(%arg11 : memref<128x32xf32, #tpu.memory_space<vmem>>)
        %dma_start3A_91 = arith.constant 0 : i32
        %dma_start3A_92 = tpu.memref_slice %arg9[%add3A_84, %dma_start3A_91] : memref<40x128xi32, #tpu.memory_space<vmem>> -> memref<1x128xi32, #tpu.memory_space<vmem>>
        %dma_start3A_93 = tpu.memref_squeeze %dma_start3A_92 : memref<1x128xi32, #tpu.memory_space<vmem>> -> memref<128xi32, #tpu.memory_space<vmem>>
        %dma_start3A_94 = arith.constant 0 : i32
        %dma_start3A_95 = arith.constant 0 : i32
        %dma_start3A_96 = tpu.memref_slice %arg7[%dma_start3A_94, %dma_start3A_95] : memref<50176x32xf32, #tpu.memory_space<vmem_shared>> -> memref<50176x32xf32, #tpu.memory_space<vmem_shared>>
        tpu.enqueue_indirect_dma source(%arg11 : memref<128x32xf32, #tpu.memory_space<vmem>>) target(%dma_start3A_96 : memref<50176x32xf32, #tpu.memory_space<vmem_shared>>) offsets(%dma_start3A_93 : memref<128xi32, #tpu.memory_space<vmem>>) semaphore(%arg20 : memref<!tpu.dma_semaphore, #tpu.memory_space<semaphore_mem>>) {add = true}
        %dma_wait3A_97 = arith.constant 0 : i32
        %dma_wait3A_98 = tpu.memref_slice %arg9[%add3A_84, %dma_wait3A_97] : memref<40x128xi32, #tpu.memory_space<vmem>> -> memref<1x128xi32, #tpu.memory_space<vmem>>
        %dma_wait3A_99 = tpu.memref_squeeze %dma_wait3A_98 : memref<1x128xi32, #tpu.memory_space<vmem>> -> memref<128xi32, #tpu.memory_space<vmem>>
        %dma_wait3A_100 = arith.constant 0 : i32
        %dma_wait3A_101 = arith.constant 0 : i32
        %dma_wait3A_102 = tpu.memref_slice %arg7[%dma_wait3A_100, %dma_wait3A_101] : memref<50176x32xf32, #tpu.memory_space<vmem_shared>> -> memref<50176x32xf32, #tpu.memory_space<vmem_shared>>
        tpu.wait_indirect_dma semaphore(%arg20 : memref<!tpu.dma_semaphore, #tpu.memory_space<semaphore_mem>>) src(%arg11 : memref<128x32xf32, #tpu.memory_space<vmem>>) dst(%dma_wait3A_102 : memref<50176x32xf32, #tpu.memory_space<vmem_shared>>)
        %add3A_103 = arith.constant 4 : i32
        %add3A_104 = arith.addi %add3A_84, %add3A_103 : i32
        %lt3A_105 = arith.constant 40 : i32
        %lt3A_106 = arith.cmpi slt, %add3A_104, %lt3A_105 : i32
        %convert_element_type3A_107 = arith.extui %lt3A_106 : i1 to i32
        %cond3A_108 = arith.constant 0 : i32
        %cond3A_109 = arith.cmpi ne, %convert_element_type3A_107, %cond3A_108 : i32
        scf.if %cond3A_109 {
          %dma_start3A_168 = arith.constant 0 : i32
          %dma_start3A_169 = tpu.memref_slice %arg8[%add3A_104, %dma_start3A_168] : memref<40x128xi32, #tpu.memory_space<vmem>> -> memref<1x128xi32, #tpu.memory_space<vmem>>
          %dma_start3A_170 = tpu.memref_squeeze %dma_start3A_169 : memref<1x128xi32, #tpu.memory_space<vmem>> -> memref<128xi32, #tpu.memory_space<vmem>>
          %dma_start3A_171 = arith.constant 0 : i32
          %dma_start3A_172 = arith.constant 0 : i32
          %dma_start3A_173 = tpu.memref_slice %arg2[%dma_start3A_171, %dma_start3A_172] : memref<100352x32xf32, #tpu.memory_space<hbm>> -> memref<100352x32xf32, #tpu.memory_space<hbm>>
          tpu.enqueue_indirect_dma source(%dma_start3A_173 : memref<100352x32xf32, #tpu.memory_space<hbm>>) target(%arg11 : memref<128x32xf32, #tpu.memory_space<vmem>>) offsets(%dma_start3A_170 : memref<128xi32, #tpu.memory_space<vmem>>) semaphore(%arg16 : memref<!tpu.dma_semaphore, #tpu.memory_space<semaphore_mem>>)
        } else {
        }
        %mul3A_110 = arith.constant 4 : i32
        %mul3A_111 = arith.muli %scan3A_55, %mul3A_110 : i32
        %add3A_112 = arith.constant 2 : i32
        %add3A_113 = arith.addi %mul3A_111, %add3A_112 : i32
        %dma_wait3A_114 = arith.constant 0 : i32
        %dma_wait3A_115 = tpu.memref_slice %arg8[%add3A_113, %dma_wait3A_114] : memref<40x128xi32, #tpu.memory_space<vmem>> -> memref<1x128xi32, #tpu.memory_space<vmem>>
        %dma_wait3A_116 = tpu.memref_squeeze %dma_wait3A_115 : memref<1x128xi32, #tpu.memory_space<vmem>> -> memref<128xi32, #tpu.memory_space<vmem>>
        %dma_wait3A_117 = arith.constant 0 : i32
        %dma_wait3A_118 = arith.constant 0 : i32
        %dma_wait3A_119 = tpu.memref_slice %arg2[%dma_wait3A_117, %dma_wait3A_118] : memref<100352x32xf32, #tpu.memory_space<hbm>> -> memref<100352x32xf32, #tpu.memory_space<hbm>>
        tpu.wait_indirect_dma semaphore(%arg17 : memref<!tpu.dma_semaphore, #tpu.memory_space<semaphore_mem>>) src(%dma_wait3A_119 : memref<100352x32xf32, #tpu.memory_space<hbm>>) dst(%arg12 : memref<128x32xf32, #tpu.memory_space<vmem>>)
        %dma_start3A_120 = arith.constant 0 : i32
        %dma_start3A_121 = tpu.memref_slice %arg9[%add3A_113, %dma_start3A_120] : memref<40x128xi32, #tpu.memory_space<vmem>> -> memref<1x128xi32, #tpu.memory_space<vmem>>
        %dma_start3A_122 = tpu.memref_squeeze %dma_start3A_121 : memref<1x128xi32, #tpu.memory_space<vmem>> -> memref<128xi32, #tpu.memory_space<vmem>>
        %dma_start3A_123 = arith.constant 0 : i32
        %dma_start3A_124 = arith.constant 0 : i32
        %dma_start3A_125 = tpu.memref_slice %arg7[%dma_start3A_123, %dma_start3A_124] : memref<50176x32xf32, #tpu.memory_space<vmem_shared>> -> memref<50176x32xf32, #tpu.memory_space<vmem_shared>>
        tpu.enqueue_indirect_dma source(%arg12 : memref<128x32xf32, #tpu.memory_space<vmem>>) target(%dma_start3A_125 : memref<50176x32xf32, #tpu.memory_space<vmem_shared>>) offsets(%dma_start3A_122 : memref<128xi32, #tpu.memory_space<vmem>>) semaphore(%arg21 : memref<!tpu.dma_semaphore, #tpu.memory_space<semaphore_mem>>) {add = true}
        %dma_wait3A_126 = arith.constant 0 : i32
        %dma_wait3A_127 = tpu.memref_slice %arg9[%add3A_113, %dma_wait3A_126] : memref<40x128xi32, #tpu.memory_space<vmem>> -> memref<1x128xi32, #tpu.memory_space<vmem>>
        %dma_wait3A_128 = tpu.memref_squeeze %dma_wait3A_127 : memref<1x128xi32, #tpu.memory_space<vmem>> -> memref<128xi32, #tpu.memory_space<vmem>>
        %dma_wait3A_129 = arith.constant 0 : i32
        %dma_wait3A_130 = arith.constant 0 : i32
        %dma_wait3A_131 = tpu.memref_slice %arg7[%dma_wait3A_129, %dma_wait3A_130] : memref<50176x32xf32, #tpu.memory_space<vmem_shared>> -> memref<50176x32xf32, #tpu.memory_space<vmem_shared>>
        tpu.wait_indirect_dma semaphore(%arg21 : memref<!tpu.dma_semaphore, #tpu.memory_space<semaphore_mem>>) src(%arg12 : memref<128x32xf32, #tpu.memory_space<vmem>>) dst(%dma_wait3A_131 : memref<50176x32xf32, #tpu.memory_space<vmem_shared>>)
        %add3A_132 = arith.constant 4 : i32
        %add3A_133 = arith.addi %add3A_113, %add3A_132 : i32
        %lt3A_134 = arith.constant 40 : i32
        %lt3A_135 = arith.cmpi slt, %add3A_133, %lt3A_134 : i32
        %convert_element_type3A_136 = arith.extui %lt3A_135 : i1 to i32
        %cond3A_137 = arith.constant 0 : i32
        %cond3A_138 = arith.cmpi ne, %convert_element_type3A_136, %cond3A_137 : i32
        scf.if %cond3A_138 {
          %dma_start3A_168 = arith.constant 0 : i32
          %dma_start3A_169 = tpu.memref_slice %arg8[%add3A_133, %dma_start3A_168] : memref<40x128xi32, #tpu.memory_space<vmem>> -> memref<1x128xi32, #tpu.memory_space<vmem>>
          %dma_start3A_170 = tpu.memref_squeeze %dma_start3A_169 : memref<1x128xi32, #tpu.memory_space<vmem>> -> memref<128xi32, #tpu.memory_space<vmem>>
          %dma_start3A_171 = arith.constant 0 : i32
          %dma_start3A_172 = arith.constant 0 : i32
          %dma_start3A_173 = tpu.memref_slice %arg2[%dma_start3A_171, %dma_start3A_172] : memref<100352x32xf32, #tpu.memory_space<hbm>> -> memref<100352x32xf32, #tpu.memory_space<hbm>>
          tpu.enqueue_indirect_dma source(%dma_start3A_173 : memref<100352x32xf32, #tpu.memory_space<hbm>>) target(%arg12 : memref<128x32xf32, #tpu.memory_space<vmem>>) offsets(%dma_start3A_170 : memref<128xi32, #tpu.memory_space<vmem>>) semaphore(%arg17 : memref<!tpu.dma_semaphore, #tpu.memory_space<semaphore_mem>>)
        } else {
        }
        %mul3A_139 = arith.constant 4 : i32
        %mul3A_140 = arith.muli %scan3A_55, %mul3A_139 : i32
        %add3A_141 = arith.constant 3 : i32
        %add3A_142 = arith.addi %mul3A_140, %add3A_141 : i32
        %dma_wait3A_143 = arith.constant 0 : i32
        %dma_wait3A_144 = tpu.memref_slice %arg8[%add3A_142, %dma_wait3A_143] : memref<40x128xi32, #tpu.memory_space<vmem>> -> memref<1x128xi32, #tpu.memory_space<vmem>>
        %dma_wait3A_145 = tpu.memref_squeeze %dma_wait3A_144 : memref<1x128xi32, #tpu.memory_space<vmem>> -> memref<128xi32, #tpu.memory_space<vmem>>
        %dma_wait3A_146 = arith.constant 0 : i32
        %dma_wait3A_147 = arith.constant 0 : i32
        %dma_wait3A_148 = tpu.memref_slice %arg2[%dma_wait3A_146, %dma_wait3A_147] : memref<100352x32xf32, #tpu.memory_space<hbm>> -> memref<100352x32xf32, #tpu.memory_space<hbm>>
        tpu.wait_indirect_dma semaphore(%arg18 : memref<!tpu.dma_semaphore, #tpu.memory_space<semaphore_mem>>) src(%dma_wait3A_148 : memref<100352x32xf32, #tpu.memory_space<hbm>>) dst(%arg13 : memref<128x32xf32, #tpu.memory_space<vmem>>)
        %dma_start3A_149 = arith.constant 0 : i32
        %dma_start3A_150 = tpu.memref_slice %arg9[%add3A_142, %dma_start3A_149] : memref<40x128xi32, #tpu.memory_space<vmem>> -> memref<1x128xi32, #tpu.memory_space<vmem>>
        %dma_start3A_151 = tpu.memref_squeeze %dma_start3A_150 : memref<1x128xi32, #tpu.memory_space<vmem>> -> memref<128xi32, #tpu.memory_space<vmem>>
        %dma_start3A_152 = arith.constant 0 : i32
        %dma_start3A_153 = arith.constant 0 : i32
        %dma_start3A_154 = tpu.memref_slice %arg7[%dma_start3A_152, %dma_start3A_153] : memref<50176x32xf32, #tpu.memory_space<vmem_shared>> -> memref<50176x32xf32, #tpu.memory_space<vmem_shared>>
        tpu.enqueue_indirect_dma source(%arg13 : memref<128x32xf32, #tpu.memory_space<vmem>>) target(%dma_start3A_154 : memref<50176x32xf32, #tpu.memory_space<vmem_shared>>) offsets(%dma_start3A_151 : memref<128xi32, #tpu.memory_space<vmem>>) semaphore(%arg22 : memref<!tpu.dma_semaphore, #tpu.memory_space<semaphore_mem>>) {add = true}
        %dma_wait3A_155 = arith.constant 0 : i32
        %dma_wait3A_156 = tpu.memref_slice %arg9[%add3A_142, %dma_wait3A_155] : memref<40x128xi32, #tpu.memory_space<vmem>> -> memref<1x128xi32, #tpu.memory_space<vmem>>
        %dma_wait3A_157 = tpu.memref_squeeze %dma_wait3A_156 : memref<1x128xi32, #tpu.memory_space<vmem>> -> memref<128xi32, #tpu.memory_space<vmem>>
        %dma_wait3A_158 = arith.constant 0 : i32
        %dma_wait3A_159 = arith.constant 0 : i32
        %dma_wait3A_160 = tpu.memref_slice %arg7[%dma_wait3A_158, %dma_wait3A_159] : memref<50176x32xf32, #tpu.memory_space<vmem_shared>> -> memref<50176x32xf32, #tpu.memory_space<vmem_shared>>
        tpu.wait_indirect_dma semaphore(%arg22 : memref<!tpu.dma_semaphore, #tpu.memory_space<semaphore_mem>>) src(%arg13 : memref<128x32xf32, #tpu.memory_space<vmem>>) dst(%dma_wait3A_160 : memref<50176x32xf32, #tpu.memory_space<vmem_shared>>)
        %add3A_161 = arith.constant 4 : i32
        %add3A_162 = arith.addi %add3A_142, %add3A_161 : i32
        %lt3A_163 = arith.constant 40 : i32
        %lt3A_164 = arith.cmpi slt, %add3A_162, %lt3A_163 : i32
        %convert_element_type3A_165 = arith.extui %lt3A_164 : i1 to i32
        %cond3A_166 = arith.constant 0 : i32
        %cond3A_167 = arith.cmpi ne, %convert_element_type3A_165, %cond3A_166 : i32
        scf.if %cond3A_167 {
          %dma_start3A_168 = arith.constant 0 : i32
          %dma_start3A_169 = tpu.memref_slice %arg8[%add3A_162, %dma_start3A_168] : memref<40x128xi32, #tpu.memory_space<vmem>> -> memref<1x128xi32, #tpu.memory_space<vmem>>
          %dma_start3A_170 = tpu.memref_squeeze %dma_start3A_169 : memref<1x128xi32, #tpu.memory_space<vmem>> -> memref<128xi32, #tpu.memory_space<vmem>>
          %dma_start3A_171 = arith.constant 0 : i32
          %dma_start3A_172 = arith.constant 0 : i32
          %dma_start3A_173 = tpu.memref_slice %arg2[%dma_start3A_171, %dma_start3A_172] : memref<100352x32xf32, #tpu.memory_space<hbm>> -> memref<100352x32xf32, #tpu.memory_space<hbm>>
          tpu.enqueue_indirect_dma source(%dma_start3A_173 : memref<100352x32xf32, #tpu.memory_space<hbm>>) target(%arg13 : memref<128x32xf32, #tpu.memory_space<vmem>>) offsets(%dma_start3A_170 : memref<128xi32, #tpu.memory_space<vmem>>) semaphore(%arg18 : memref<!tpu.dma_semaphore, #tpu.memory_space<semaphore_mem>>)
        } else {
        }
      }
      %scan3A_54 = arith.constant 10 : i32
    }
    %scan3A_11 = arith.constant 10 : i32
    %barrier3A_12 = arith.constant 0 : index
    tpu.barrier barrier_id(%barrier3A_12)
    %scan3A_13 = arith.constant 0 : i32
    %scan3A_14 = arith.constant 0 : i32
    %scan3A_15 = arith.constant 28 : i32
    %scan3A_16 = arith.addi %scan3A_14, %scan3A_15 : i32
    %scan3A_17 = arith.constant 1 : i32
    scf.for %scan3A_19 = %scan3A_14 to %scan3A_16 step %scan3A_17  : i32 {
      %mul3A_20 = arith.constant 3136 : i32
      %mul3A_21 = arith.muli %arg1, %mul3A_20 : i32
      %mul3A_22 = arith.constant 112 : i32
      %mul3A_23 = arith.muli %scan3A_19, %mul3A_22 : i32
      %add3A = arith.addi %mul3A_21, %mul3A_23 : i32
      "tpu.region"() ({
        %run_scoped3A = tpu.sem_alloc : memref<!tpu.dma_semaphore, #tpu.memory_space<semaphore_mem>>
        %dma_start3A = arith.constant 0 : i32
        %dma_start3A_24 = tpu.memref_slice %arg7[%add3A, %dma_start3A] : memref<50176x32xf32, #tpu.memory_space<vmem_shared>> -> memref<112x32xf32, #tpu.memory_space<vmem_shared>>
        %dma_start3A_25 = arith.constant 0 : i32
        %dma_start3A_26 = tpu.memref_slice %arg7[%add3A, %dma_start3A_25] : memref<50176x32xf32, #tpu.memory_space<vmem_shared>> -> memref<112x32xf32, #tpu.memory_space<vmem_shared>>
        tpu.enqueue_dma source(%dma_start3A_26 : memref<112x32xf32, #tpu.memory_space<vmem_shared>>) target(%arg14 : memref<112x32xf32, #tpu.memory_space<vmem>>) target_semaphore(%run_scoped3A : memref<!tpu.dma_semaphore, #tpu.memory_space<semaphore_mem>>)
        %dma_wait3A = arith.constant 0 : i32
        %dma_wait3A_27 = tpu.memref_slice %arg7[%add3A, %dma_wait3A] : memref<50176x32xf32, #tpu.memory_space<vmem_shared>> -> memref<112x32xf32, #tpu.memory_space<vmem_shared>>
        %dma_wait3A_28 = arith.constant 0 : i32
        %dma_wait3A_29 = tpu.memref_slice %arg7[%add3A, %dma_wait3A_28] : memref<50176x32xf32, #tpu.memory_space<vmem_shared>> -> memref<112x32xf32, #tpu.memory_space<vmem_shared>>
        tpu.wait_dma2 semaphore(%run_scoped3A : memref<!tpu.dma_semaphore, #tpu.memory_space<semaphore_mem>>) src(%dma_wait3A_29 : memref<112x32xf32, #tpu.memory_space<vmem_shared>>) dst(%arg14 : memref<112x32xf32, #tpu.memory_space<vmem>>)
        tpu.yield
      }) : () -> ()
      "tpu.region"() ({
        %run_scoped3A = tpu.sem_alloc : memref<!tpu.dma_semaphore, #tpu.memory_space<semaphore_mem>>
        %dma_start3A = arith.constant 0 : i32
        %dma_start3A_24 = tpu.memref_slice %arg6[%arg0, %add3A, %dma_start3A] : memref<2x50176x32xf32, #tpu.memory_space<hbm>> -> memref<1x112x32xf32, #tpu.memory_space<hbm>>
        %dma_start3A_25 = tpu.memref_squeeze %dma_start3A_24 : memref<1x112x32xf32, #tpu.memory_space<hbm>> -> memref<112x32xf32, #tpu.memory_space<hbm>>
        %dma_start3A_26 = arith.constant 0 : i32
        %dma_start3A_27 = tpu.memref_slice %arg6[%arg0, %add3A, %dma_start3A_26] : memref<2x50176x32xf32, #tpu.memory_space<hbm>> -> memref<1x112x32xf32, #tpu.memory_space<hbm>>
        %dma_start3A_28 = tpu.memref_squeeze %dma_start3A_27 : memref<1x112x32xf32, #tpu.memory_space<hbm>> -> memref<112x32xf32, #tpu.memory_space<hbm>>
        tpu.enqueue_dma source(%arg14 : memref<112x32xf32, #tpu.memory_space<vmem>>) target(%dma_start3A_28 : memref<112x32xf32, #tpu.memory_space<hbm>>) target_semaphore(%run_scoped3A : memref<!tpu.dma_semaphore, #tpu.memory_space<semaphore_mem>>)
        %dma_wait3A = arith.constant 0 : i32
        %dma_wait3A_29 = tpu.memref_slice %arg6[%arg0, %add3A, %dma_wait3A] : memref<2x50176x32xf32, #tpu.memory_space<hbm>> -> memref<1x112x32xf32, #tpu.memory_space<hbm>>
        %dma_wait3A_30 = tpu.memref_squeeze %dma_wait3A_29 : memref<1x112x32xf32, #tpu.memory_space<hbm>> -> memref<112x32xf32, #tpu.memory_space<hbm>>
        %dma_wait3A_31 = arith.constant 0 : i32
        %dma_wait3A_32 = tpu.memref_slice %arg6[%arg0, %add3A, %dma_wait3A_31] : memref<2x50176x32xf32, #tpu.memory_space<hbm>> -> memref<1x112x32xf32, #tpu.memory_space<hbm>>
        %dma_wait3A_33 = tpu.memref_squeeze %dma_wait3A_32 : memref<1x112x32xf32, #tpu.memory_space<hbm>> -> memref<112x32xf32, #tpu.memory_space<hbm>>
        tpu.wait_dma2 semaphore(%run_scoped3A : memref<!tpu.dma_semaphore, #tpu.memory_space<semaphore_mem>>) src(%arg14 : memref<112x32xf32, #tpu.memory_space<vmem>>) dst(%dma_wait3A_33 : memref<112x32xf32, #tpu.memory_space<hbm>>)
        tpu.yield
      }) : () -> ()
    }
    %scan3A_18 = arith.constant 28 : i32
    return
  }
}

#map = affine_map<(d0, d1) -> (0, 0)>
#map1 = affine_map<(d0, d1) -> (0, 0, 0)>
module attributes {stable_mosaic.version = 14 : i64} {
  func.func @_agg_body(%arg0: i32, %arg1: i32, %arg2: memref<100352x32xf32, #tpu.memory_space<hbm>>, %arg3: memref<2x6400x128xi32, #tpu.memory_space<hbm>>, %arg4: memref<6400x128xi32, #tpu.memory_space<hbm>>, %arg5: memref<112x32xf32, #tpu.memory_space<hbm>>, %arg6: memref<2x50176x32xf32, #tpu.memory_space<hbm>>, %arg7: memref<50176x32xf32, #tpu.memory_space<vmem_shared>>, %arg8: memref<40x128xi32, #tpu.memory_space<vmem>>, %arg9: memref<40x128xi32, #tpu.memory_space<vmem>>, %arg10: memref<128x32xf32, #tpu.memory_space<vmem>>, %arg11: memref<128x32xf32, #tpu.memory_space<vmem>>, %arg12: memref<128x32xf32, #tpu.memory_space<vmem>>, %arg13: memref<128x32xf32, #tpu.memory_space<vmem>>, %arg14: memref<112x32xf32, #tpu.memory_space<vmem>>, %arg15: memref<!tpu.dma_semaphore, #tpu.memory_space<semaphore_mem>>, %arg16: memref<!tpu.dma_semaphore, #tpu.memory_space<semaphore_mem>>, %arg17: memref<!tpu.dma_semaphore, #tpu.memory_space<semaphore_mem>>, %arg18: memref<!tpu.dma_semaphore, #tpu.memory_space<semaphore_mem>>, %arg19: memref<!tpu.dma_semaphore, #tpu.memory_space<semaphore_mem>>, %arg20: memref<!tpu.dma_semaphore, #tpu.memory_space<semaphore_mem>>, %arg21: memref<!tpu.dma_semaphore, #tpu.memory_space<semaphore_mem>>, %arg22: memref<!tpu.dma_semaphore, #tpu.memory_space<semaphore_mem>>) attributes {dimension_semantics = [#tpu.dimension_semantics<core_parallel>, #tpu.dimension_semantics<subcore_parallel>], iteration_bounds = array<i64: 2, 16>, scalar_prefetch = 0 : i64, scratch_operands = 16 : i64, tpu.core_type = #tpu.core_type<sc_vector_subcore>, window_params = [{transform_indices = #map}, {transform_indices = #map1}, {transform_indices = #map}, {transform_indices = #map}, {transform_indices = #map1}]} {
    "tpu.region"() ({
      %run_scoped3A = tpu.sem_alloc : memref<!tpu.dma_semaphore, #tpu.memory_space<semaphore_mem>>
      tpu.enqueue_dma source(%arg5 : memref<112x32xf32, #tpu.memory_space<hbm>>) target(%arg14 : memref<112x32xf32, #tpu.memory_space<vmem>>) target_semaphore(%run_scoped3A : memref<!tpu.dma_semaphore, #tpu.memory_space<semaphore_mem>>)
      tpu.wait_dma2 semaphore(%run_scoped3A : memref<!tpu.dma_semaphore, #tpu.memory_space<semaphore_mem>>) src(%arg5 : memref<112x32xf32, #tpu.memory_space<hbm>>) dst(%arg14 : memref<112x32xf32, #tpu.memory_space<vmem>>)
      tpu.yield
    }) : () -> ()
    %scan3A = arith.constant 0 : i32
    %scan3A_0 = arith.constant 0 : i32
    %scan3A_1 = arith.constant 28 : i32
    %scan3A_2 = arith.addi %scan3A_0, %scan3A_1 : i32
    %scan3A_3 = arith.constant 1 : i32
    scf.for %scan3A_19 = %scan3A_0 to %scan3A_2 step %scan3A_3  : i32 {
      %mul3A_20 = arith.constant 3136 : i32
      %mul3A_21 = arith.muli %arg1, %mul3A_20 : i32
      %mul3A_22 = arith.constant 112 : i32
      %mul3A_23 = arith.muli %scan3A_19, %mul3A_22 : i32
      %add3A = arith.addi %mul3A_21, %mul3A_23 : i32
      "tpu.region"() ({
        %run_scoped3A = tpu.sem_alloc : memref<!tpu.dma_semaphore, #tpu.memory_space<semaphore_mem>>
        %dma_start3A = arith.constant 0 : i32
        %dma_start3A_24 = tpu.memref_slice %arg7[%add3A, %dma_start3A] : memref<50176x32xf32, #tpu.memory_space<vmem_shared>> -> memref<112x32xf32, #tpu.memory_space<vmem_shared>>
        %dma_start3A_25 = arith.constant 0 : i32
        %dma_start3A_26 = tpu.memref_slice %arg7[%add3A, %dma_start3A_25] : memref<50176x32xf32, #tpu.memory_space<vmem_shared>> -> memref<112x32xf32, #tpu.memory_space<vmem_shared>>
        tpu.enqueue_dma source(%arg14 : memref<112x32xf32, #tpu.memory_space<vmem>>) target(%dma_start3A_26 : memref<112x32xf32, #tpu.memory_space<vmem_shared>>) target_semaphore(%run_scoped3A : memref<!tpu.dma_semaphore, #tpu.memory_space<semaphore_mem>>)
        %dma_wait3A = arith.constant 0 : i32
        %dma_wait3A_27 = tpu.memref_slice %arg7[%add3A, %dma_wait3A] : memref<50176x32xf32, #tpu.memory_space<vmem_shared>> -> memref<112x32xf32, #tpu.memory_space<vmem_shared>>
        %dma_wait3A_28 = arith.constant 0 : i32
        %dma_wait3A_29 = tpu.memref_slice %arg7[%add3A, %dma_wait3A_28] : memref<50176x32xf32, #tpu.memory_space<vmem_shared>> -> memref<112x32xf32, #tpu.memory_space<vmem_shared>>
        tpu.wait_dma2 semaphore(%run_scoped3A : memref<!tpu.dma_semaphore, #tpu.memory_space<semaphore_mem>>) src(%arg14 : memref<112x32xf32, #tpu.memory_space<vmem>>) dst(%dma_wait3A_29 : memref<112x32xf32, #tpu.memory_space<vmem_shared>>)
        tpu.yield
      }) : () -> ()
    }
    %scan3A_4 = arith.constant 28 : i32
    %barrier3A = arith.constant 0 : index
    tpu.barrier barrier_id(%barrier3A)
    %mul3A = arith.constant 400 : i32
    %mul3A_5 = arith.muli %arg1, %mul3A : i32
    %scan3A_6 = arith.constant 0 : i32
    %scan3A_7 = arith.constant 0 : i32
    %scan3A_8 = arith.constant 10 : i32
    %scan3A_9 = arith.addi %scan3A_7, %scan3A_8 : i32
    %scan3A_10 = arith.constant 1 : i32
    scf.for %scan3A_19 = %scan3A_7 to %scan3A_9 step %scan3A_10  : i32 {
      %mul3A_20 = arith.constant 40 : i32
      %mul3A_21 = arith.muli %scan3A_19, %mul3A_20 : i32
      %add3A = arith.addi %mul3A_5, %mul3A_21 : i32
      "tpu.region"() ({
        %run_scoped3A = tpu.sem_alloc : memref<!tpu.dma_semaphore, #tpu.memory_space<semaphore_mem>>
        %dma_start3A_55 = arith.constant 0 : i32
        %dma_start3A_56 = tpu.memref_slice %arg3[%arg0, %add3A, %dma_start3A_55] : memref<2x6400x128xi32, #tpu.memory_space<hbm>> -> memref<1x40x128xi32, #tpu.memory_space<hbm>>
        %dma_start3A_57 = tpu.memref_squeeze %dma_start3A_56 : memref<1x40x128xi32, #tpu.memory_space<hbm>> -> memref<40x128xi32, #tpu.memory_space<hbm>>
        %dma_start3A_58 = arith.constant 0 : i32
        %dma_start3A_59 = tpu.memref_slice %arg3[%arg0, %add3A, %dma_start3A_58] : memref<2x6400x128xi32, #tpu.memory_space<hbm>> -> memref<1x40x128xi32, #tpu.memory_space<hbm>>
        %dma_start3A_60 = tpu.memref_squeeze %dma_start3A_59 : memref<1x40x128xi32, #tpu.memory_space<hbm>> -> memref<40x128xi32, #tpu.memory_space<hbm>>
        tpu.enqueue_dma source(%dma_start3A_60 : memref<40x128xi32, #tpu.memory_space<hbm>>) target(%arg8 : memref<40x128xi32, #tpu.memory_space<vmem>>) target_semaphore(%run_scoped3A : memref<!tpu.dma_semaphore, #tpu.memory_space<semaphore_mem>>)
        %dma_wait3A = arith.constant 0 : i32
        %dma_wait3A_61 = tpu.memref_slice %arg3[%arg0, %add3A, %dma_wait3A] : memref<2x6400x128xi32, #tpu.memory_space<hbm>> -> memref<1x40x128xi32, #tpu.memory_space<hbm>>
        %dma_wait3A_62 = tpu.memref_squeeze %dma_wait3A_61 : memref<1x40x128xi32, #tpu.memory_space<hbm>> -> memref<40x128xi32, #tpu.memory_space<hbm>>
        %dma_wait3A_63 = arith.constant 0 : i32
        %dma_wait3A_64 = tpu.memref_slice %arg3[%arg0, %add3A, %dma_wait3A_63] : memref<2x6400x128xi32, #tpu.memory_space<hbm>> -> memref<1x40x128xi32, #tpu.memory_space<hbm>>
        %dma_wait3A_65 = tpu.memref_squeeze %dma_wait3A_64 : memref<1x40x128xi32, #tpu.memory_space<hbm>> -> memref<40x128xi32, #tpu.memory_space<hbm>>
        tpu.wait_dma2 semaphore(%run_scoped3A : memref<!tpu.dma_semaphore, #tpu.memory_space<semaphore_mem>>) src(%dma_wait3A_65 : memref<40x128xi32, #tpu.memory_space<hbm>>) dst(%arg8 : memref<40x128xi32, #tpu.memory_space<vmem>>)
        tpu.yield
      }) : () -> ()
      "tpu.region"() ({
        %run_scoped3A = tpu.sem_alloc : memref<!tpu.dma_semaphore, #tpu.memory_space<semaphore_mem>>
        %dma_start3A_55 = arith.constant 0 : i32
        %dma_start3A_56 = tpu.memref_slice %arg4[%add3A, %dma_start3A_55] : memref<6400x128xi32, #tpu.memory_space<hbm>> -> memref<40x128xi32, #tpu.memory_space<hbm>>
        %dma_start3A_57 = arith.constant 0 : i32
        %dma_start3A_58 = tpu.memref_slice %arg4[%add3A, %dma_start3A_57] : memref<6400x128xi32, #tpu.memory_space<hbm>> -> memref<40x128xi32, #tpu.memory_space<hbm>>
        tpu.enqueue_dma source(%dma_start3A_58 : memref<40x128xi32, #tpu.memory_space<hbm>>) target(%arg9 : memref<40x128xi32, #tpu.memory_space<vmem>>) target_semaphore(%run_scoped3A : memref<!tpu.dma_semaphore, #tpu.memory_space<semaphore_mem>>)
        %dma_wait3A = arith.constant 0 : i32
        %dma_wait3A_59 = tpu.memref_slice %arg4[%add3A, %dma_wait3A] : memref<6400x128xi32, #tpu.memory_space<hbm>> -> memref<40x128xi32, #tpu.memory_space<hbm>>
        %dma_wait3A_60 = arith.constant 0 : i32
        %dma_wait3A_61 = tpu.memref_slice %arg4[%add3A, %dma_wait3A_60] : memref<6400x128xi32, #tpu.memory_space<hbm>> -> memref<40x128xi32, #tpu.memory_space<hbm>>
        tpu.wait_dma2 semaphore(%run_scoped3A : memref<!tpu.dma_semaphore, #tpu.memory_space<semaphore_mem>>) src(%dma_wait3A_61 : memref<40x128xi32, #tpu.memory_space<hbm>>) dst(%arg9 : memref<40x128xi32, #tpu.memory_space<vmem>>)
        tpu.yield
      }) : () -> ()
      %dma_start3A = arith.constant 0 : i32
      %dma_start3A_22 = arith.constant 0 : i32
      %dma_start3A_23 = tpu.memref_slice %arg8[%dma_start3A, %dma_start3A_22] : memref<40x128xi32, #tpu.memory_space<vmem>> -> memref<1x128xi32, #tpu.memory_space<vmem>>
      %dma_start3A_24 = tpu.memref_squeeze %dma_start3A_23 : memref<1x128xi32, #tpu.memory_space<vmem>> -> memref<128xi32, #tpu.memory_space<vmem>>
      %dma_start3A_25 = arith.constant 0 : i32
      %dma_start3A_26 = arith.constant 0 : i32
      %dma_start3A_27 = tpu.memref_slice %arg2[%dma_start3A_25, %dma_start3A_26] : memref<100352x32xf32, #tpu.memory_space<hbm>> -> memref<100352x32xf32, #tpu.memory_space<hbm>>
      tpu.enqueue_indirect_dma source(%dma_start3A_27 : memref<100352x32xf32, #tpu.memory_space<hbm>>) target(%arg10 : memref<128x32xf32, #tpu.memory_space<vmem>>) offsets(%dma_start3A_24 : memref<128xi32, #tpu.memory_space<vmem>>) semaphore(%arg15 : memref<!tpu.dma_semaphore, #tpu.memory_space<semaphore_mem>>)
      %dma_start3A_28 = arith.constant 1 : i32
      %dma_start3A_29 = arith.constant 0 : i32
      %dma_start3A_30 = tpu.memref_slice %arg8[%dma_start3A_28, %dma_start3A_29] : memref<40x128xi32, #tpu.memory_space<vmem>> -> memref<1x128xi32, #tpu.memory_space<vmem>>
      %dma_start3A_31 = tpu.memref_squeeze %dma_start3A_30 : memref<1x128xi32, #tpu.memory_space<vmem>> -> memref<128xi32, #tpu.memory_space<vmem>>
      %dma_start3A_32 = arith.constant 0 : i32
      %dma_start3A_33 = arith.constant 0 : i32
      %dma_start3A_34 = tpu.memref_slice %arg2[%dma_start3A_32, %dma_start3A_33] : memref<100352x32xf32, #tpu.memory_space<hbm>> -> memref<100352x32xf32, #tpu.memory_space<hbm>>
      tpu.enqueue_indirect_dma source(%dma_start3A_34 : memref<100352x32xf32, #tpu.memory_space<hbm>>) target(%arg11 : memref<128x32xf32, #tpu.memory_space<vmem>>) offsets(%dma_start3A_31 : memref<128xi32, #tpu.memory_space<vmem>>) semaphore(%arg16 : memref<!tpu.dma_semaphore, #tpu.memory_space<semaphore_mem>>)
      %dma_start3A_35 = arith.constant 2 : i32
      %dma_start3A_36 = arith.constant 0 : i32
      %dma_start3A_37 = tpu.memref_slice %arg8[%dma_start3A_35, %dma_start3A_36] : memref<40x128xi32, #tpu.memory_space<vmem>> -> memref<1x128xi32, #tpu.memory_space<vmem>>
      %dma_start3A_38 = tpu.memref_squeeze %dma_start3A_37 : memref<1x128xi32, #tpu.memory_space<vmem>> -> memref<128xi32, #tpu.memory_space<vmem>>
      %dma_start3A_39 = arith.constant 0 : i32
      %dma_start3A_40 = arith.constant 0 : i32
      %dma_start3A_41 = tpu.memref_slice %arg2[%dma_start3A_39, %dma_start3A_40] : memref<100352x32xf32, #tpu.memory_space<hbm>> -> memref<100352x32xf32, #tpu.memory_space<hbm>>
      tpu.enqueue_indirect_dma source(%dma_start3A_41 : memref<100352x32xf32, #tpu.memory_space<hbm>>) target(%arg12 : memref<128x32xf32, #tpu.memory_space<vmem>>) offsets(%dma_start3A_38 : memref<128xi32, #tpu.memory_space<vmem>>) semaphore(%arg17 : memref<!tpu.dma_semaphore, #tpu.memory_space<semaphore_mem>>)
      %dma_start3A_42 = arith.constant 3 : i32
      %dma_start3A_43 = arith.constant 0 : i32
      %dma_start3A_44 = tpu.memref_slice %arg8[%dma_start3A_42, %dma_start3A_43] : memref<40x128xi32, #tpu.memory_space<vmem>> -> memref<1x128xi32, #tpu.memory_space<vmem>>
      %dma_start3A_45 = tpu.memref_squeeze %dma_start3A_44 : memref<1x128xi32, #tpu.memory_space<vmem>> -> memref<128xi32, #tpu.memory_space<vmem>>
      %dma_start3A_46 = arith.constant 0 : i32
      %dma_start3A_47 = arith.constant 0 : i32
      %dma_start3A_48 = tpu.memref_slice %arg2[%dma_start3A_46, %dma_start3A_47] : memref<100352x32xf32, #tpu.memory_space<hbm>> -> memref<100352x32xf32, #tpu.memory_space<hbm>>
      tpu.enqueue_indirect_dma source(%dma_start3A_48 : memref<100352x32xf32, #tpu.memory_space<hbm>>) target(%arg13 : memref<128x32xf32, #tpu.memory_space<vmem>>) offsets(%dma_start3A_45 : memref<128xi32, #tpu.memory_space<vmem>>) semaphore(%arg18 : memref<!tpu.dma_semaphore, #tpu.memory_space<semaphore_mem>>)
      %scan3A_49 = arith.constant 0 : i32
      %scan3A_50 = arith.constant 0 : i32
      %scan3A_51 = arith.constant 10 : i32
      %scan3A_52 = arith.addi %scan3A_50, %scan3A_51 : i32
      %scan3A_53 = arith.constant 1 : i32
      scf.for %scan3A_55 = %scan3A_50 to %scan3A_52 step %scan3A_53  : i32 {
        %mul3A_56 = arith.constant 4 : i32
        %mul3A_57 = arith.muli %scan3A_55, %mul3A_56 : i32
        %add3A_58 = arith.constant 0 : i32
        %add3A_59 = arith.addi %mul3A_57, %add3A_58 : i32
        %dma_wait3A = arith.constant 0 : i32
        %dma_wait3A_60 = tpu.memref_slice %arg8[%add3A_59, %dma_wait3A] : memref<40x128xi32, #tpu.memory_space<vmem>> -> memref<1x128xi32, #tpu.memory_space<vmem>>
        %dma_wait3A_61 = tpu.memref_squeeze %dma_wait3A_60 : memref<1x128xi32, #tpu.memory_space<vmem>> -> memref<128xi32, #tpu.memory_space<vmem>>
        %dma_wait3A_62 = arith.constant 0 : i32
        %dma_wait3A_63 = arith.constant 0 : i32
        %dma_wait3A_64 = tpu.memref_slice %arg2[%dma_wait3A_62, %dma_wait3A_63] : memref<100352x32xf32, #tpu.memory_space<hbm>> -> memref<100352x32xf32, #tpu.memory_space<hbm>>
        tpu.wait_indirect_dma semaphore(%arg15 : memref<!tpu.dma_semaphore, #tpu.memory_space<semaphore_mem>>) src(%dma_wait3A_64 : memref<100352x32xf32, #tpu.memory_space<hbm>>) dst(%arg10 : memref<128x32xf32, #tpu.memory_space<vmem>>)
        %dma_start3A_65 = arith.constant 0 : i32
        %dma_start3A_66 = tpu.memref_slice %arg9[%add3A_59, %dma_start3A_65] : memref<40x128xi32, #tpu.memory_space<vmem>> -> memref<1x128xi32, #tpu.memory_space<vmem>>
        %dma_start3A_67 = tpu.memref_squeeze %dma_start3A_66 : memref<1x128xi32, #tpu.memory_space<vmem>> -> memref<128xi32, #tpu.memory_space<vmem>>
        %dma_start3A_68 = arith.constant 0 : i32
        %dma_start3A_69 = arith.constant 0 : i32
        %dma_start3A_70 = tpu.memref_slice %arg7[%dma_start3A_68, %dma_start3A_69] : memref<50176x32xf32, #tpu.memory_space<vmem_shared>> -> memref<50176x32xf32, #tpu.memory_space<vmem_shared>>
        tpu.enqueue_indirect_dma source(%arg10 : memref<128x32xf32, #tpu.memory_space<vmem>>) target(%dma_start3A_70 : memref<50176x32xf32, #tpu.memory_space<vmem_shared>>) offsets(%dma_start3A_67 : memref<128xi32, #tpu.memory_space<vmem>>) semaphore(%arg19 : memref<!tpu.dma_semaphore, #tpu.memory_space<semaphore_mem>>) {add = true}
        %dma_wait3A_71 = arith.constant 0 : i32
        %dma_wait3A_72 = tpu.memref_slice %arg9[%add3A_59, %dma_wait3A_71] : memref<40x128xi32, #tpu.memory_space<vmem>> -> memref<1x128xi32, #tpu.memory_space<vmem>>
        %dma_wait3A_73 = tpu.memref_squeeze %dma_wait3A_72 : memref<1x128xi32, #tpu.memory_space<vmem>> -> memref<128xi32, #tpu.memory_space<vmem>>
        %dma_wait3A_74 = arith.constant 0 : i32
        %dma_wait3A_75 = arith.constant 0 : i32
        %dma_wait3A_76 = tpu.memref_slice %arg7[%dma_wait3A_74, %dma_wait3A_75] : memref<50176x32xf32, #tpu.memory_space<vmem_shared>> -> memref<50176x32xf32, #tpu.memory_space<vmem_shared>>
        tpu.wait_indirect_dma semaphore(%arg19 : memref<!tpu.dma_semaphore, #tpu.memory_space<semaphore_mem>>) src(%arg10 : memref<128x32xf32, #tpu.memory_space<vmem>>) dst(%dma_wait3A_76 : memref<50176x32xf32, #tpu.memory_space<vmem_shared>>)
        %add3A_77 = arith.constant 4 : i32
        %add3A_78 = arith.addi %add3A_59, %add3A_77 : i32
        %lt3A = arith.constant 40 : i32
        %lt3A_79 = arith.cmpi slt, %add3A_78, %lt3A : i32
        %convert_element_type3A = arith.extui %lt3A_79 : i1 to i32
        %cond3A = arith.constant 0 : i32
        %cond3A_80 = arith.cmpi ne, %convert_element_type3A, %cond3A : i32
        scf.if %cond3A_80 {
          %dma_start3A_168 = arith.constant 0 : i32
          %dma_start3A_169 = tpu.memref_slice %arg8[%add3A_78, %dma_start3A_168] : memref<40x128xi32, #tpu.memory_space<vmem>> -> memref<1x128xi32, #tpu.memory_space<vmem>>
          %dma_start3A_170 = tpu.memref_squeeze %dma_start3A_169 : memref<1x128xi32, #tpu.memory_space<vmem>> -> memref<128xi32, #tpu.memory_space<vmem>>
          %dma_start3A_171 = arith.constant 0 : i32
          %dma_start3A_172 = arith.constant 0 : i32
          %dma_start3A_173 = tpu.memref_slice %arg2[%dma_start3A_171, %dma_start3A_172] : memref<100352x32xf32, #tpu.memory_space<hbm>> -> memref<100352x32xf32, #tpu.memory_space<hbm>>
          tpu.enqueue_indirect_dma source(%dma_start3A_173 : memref<100352x32xf32, #tpu.memory_space<hbm>>) target(%arg10 : memref<128x32xf32, #tpu.memory_space<vmem>>) offsets(%dma_start3A_170 : memref<128xi32, #tpu.memory_space<vmem>>) semaphore(%arg15 : memref<!tpu.dma_semaphore, #tpu.memory_space<semaphore_mem>>)
        } else {
        }
        %mul3A_81 = arith.constant 4 : i32
        %mul3A_82 = arith.muli %scan3A_55, %mul3A_81 : i32
        %add3A_83 = arith.constant 1 : i32
        %add3A_84 = arith.addi %mul3A_82, %add3A_83 : i32
        %dma_wait3A_85 = arith.constant 0 : i32
        %dma_wait3A_86 = tpu.memref_slice %arg8[%add3A_84, %dma_wait3A_85] : memref<40x128xi32, #tpu.memory_space<vmem>> -> memref<1x128xi32, #tpu.memory_space<vmem>>
        %dma_wait3A_87 = tpu.memref_squeeze %dma_wait3A_86 : memref<1x128xi32, #tpu.memory_space<vmem>> -> memref<128xi32, #tpu.memory_space<vmem>>
        %dma_wait3A_88 = arith.constant 0 : i32
        %dma_wait3A_89 = arith.constant 0 : i32
        %dma_wait3A_90 = tpu.memref_slice %arg2[%dma_wait3A_88, %dma_wait3A_89] : memref<100352x32xf32, #tpu.memory_space<hbm>> -> memref<100352x32xf32, #tpu.memory_space<hbm>>
        tpu.wait_indirect_dma semaphore(%arg16 : memref<!tpu.dma_semaphore, #tpu.memory_space<semaphore_mem>>) src(%dma_wait3A_90 : memref<100352x32xf32, #tpu.memory_space<hbm>>) dst(%arg11 : memref<128x32xf32, #tpu.memory_space<vmem>>)
        %dma_start3A_91 = arith.constant 0 : i32
        %dma_start3A_92 = tpu.memref_slice %arg9[%add3A_84, %dma_start3A_91] : memref<40x128xi32, #tpu.memory_space<vmem>> -> memref<1x128xi32, #tpu.memory_space<vmem>>
        %dma_start3A_93 = tpu.memref_squeeze %dma_start3A_92 : memref<1x128xi32, #tpu.memory_space<vmem>> -> memref<128xi32, #tpu.memory_space<vmem>>
        %dma_start3A_94 = arith.constant 0 : i32
        %dma_start3A_95 = arith.constant 0 : i32
        %dma_start3A_96 = tpu.memref_slice %arg7[%dma_start3A_94, %dma_start3A_95] : memref<50176x32xf32, #tpu.memory_space<vmem_shared>> -> memref<50176x32xf32, #tpu.memory_space<vmem_shared>>
        tpu.enqueue_indirect_dma source(%arg11 : memref<128x32xf32, #tpu.memory_space<vmem>>) target(%dma_start3A_96 : memref<50176x32xf32, #tpu.memory_space<vmem_shared>>) offsets(%dma_start3A_93 : memref<128xi32, #tpu.memory_space<vmem>>) semaphore(%arg20 : memref<!tpu.dma_semaphore, #tpu.memory_space<semaphore_mem>>) {add = true}
        %dma_wait3A_97 = arith.constant 0 : i32
        %dma_wait3A_98 = tpu.memref_slice %arg9[%add3A_84, %dma_wait3A_97] : memref<40x128xi32, #tpu.memory_space<vmem>> -> memref<1x128xi32, #tpu.memory_space<vmem>>
        %dma_wait3A_99 = tpu.memref_squeeze %dma_wait3A_98 : memref<1x128xi32, #tpu.memory_space<vmem>> -> memref<128xi32, #tpu.memory_space<vmem>>
        %dma_wait3A_100 = arith.constant 0 : i32
        %dma_wait3A_101 = arith.constant 0 : i32
        %dma_wait3A_102 = tpu.memref_slice %arg7[%dma_wait3A_100, %dma_wait3A_101] : memref<50176x32xf32, #tpu.memory_space<vmem_shared>> -> memref<50176x32xf32, #tpu.memory_space<vmem_shared>>
        tpu.wait_indirect_dma semaphore(%arg20 : memref<!tpu.dma_semaphore, #tpu.memory_space<semaphore_mem>>) src(%arg11 : memref<128x32xf32, #tpu.memory_space<vmem>>) dst(%dma_wait3A_102 : memref<50176x32xf32, #tpu.memory_space<vmem_shared>>)
        %add3A_103 = arith.constant 4 : i32
        %add3A_104 = arith.addi %add3A_84, %add3A_103 : i32
        %lt3A_105 = arith.constant 40 : i32
        %lt3A_106 = arith.cmpi slt, %add3A_104, %lt3A_105 : i32
        %convert_element_type3A_107 = arith.extui %lt3A_106 : i1 to i32
        %cond3A_108 = arith.constant 0 : i32
        %cond3A_109 = arith.cmpi ne, %convert_element_type3A_107, %cond3A_108 : i32
        scf.if %cond3A_109 {
          %dma_start3A_168 = arith.constant 0 : i32
          %dma_start3A_169 = tpu.memref_slice %arg8[%add3A_104, %dma_start3A_168] : memref<40x128xi32, #tpu.memory_space<vmem>> -> memref<1x128xi32, #tpu.memory_space<vmem>>
          %dma_start3A_170 = tpu.memref_squeeze %dma_start3A_169 : memref<1x128xi32, #tpu.memory_space<vmem>> -> memref<128xi32, #tpu.memory_space<vmem>>
          %dma_start3A_171 = arith.constant 0 : i32
          %dma_start3A_172 = arith.constant 0 : i32
          %dma_start3A_173 = tpu.memref_slice %arg2[%dma_start3A_171, %dma_start3A_172] : memref<100352x32xf32, #tpu.memory_space<hbm>> -> memref<100352x32xf32, #tpu.memory_space<hbm>>
          tpu.enqueue_indirect_dma source(%dma_start3A_173 : memref<100352x32xf32, #tpu.memory_space<hbm>>) target(%arg11 : memref<128x32xf32, #tpu.memory_space<vmem>>) offsets(%dma_start3A_170 : memref<128xi32, #tpu.memory_space<vmem>>) semaphore(%arg16 : memref<!tpu.dma_semaphore, #tpu.memory_space<semaphore_mem>>)
        } else {
        }
        %mul3A_110 = arith.constant 4 : i32
        %mul3A_111 = arith.muli %scan3A_55, %mul3A_110 : i32
        %add3A_112 = arith.constant 2 : i32
        %add3A_113 = arith.addi %mul3A_111, %add3A_112 : i32
        %dma_wait3A_114 = arith.constant 0 : i32
        %dma_wait3A_115 = tpu.memref_slice %arg8[%add3A_113, %dma_wait3A_114] : memref<40x128xi32, #tpu.memory_space<vmem>> -> memref<1x128xi32, #tpu.memory_space<vmem>>
        %dma_wait3A_116 = tpu.memref_squeeze %dma_wait3A_115 : memref<1x128xi32, #tpu.memory_space<vmem>> -> memref<128xi32, #tpu.memory_space<vmem>>
        %dma_wait3A_117 = arith.constant 0 : i32
        %dma_wait3A_118 = arith.constant 0 : i32
        %dma_wait3A_119 = tpu.memref_slice %arg2[%dma_wait3A_117, %dma_wait3A_118] : memref<100352x32xf32, #tpu.memory_space<hbm>> -> memref<100352x32xf32, #tpu.memory_space<hbm>>
        tpu.wait_indirect_dma semaphore(%arg17 : memref<!tpu.dma_semaphore, #tpu.memory_space<semaphore_mem>>) src(%dma_wait3A_119 : memref<100352x32xf32, #tpu.memory_space<hbm>>) dst(%arg12 : memref<128x32xf32, #tpu.memory_space<vmem>>)
        %dma_start3A_120 = arith.constant 0 : i32
        %dma_start3A_121 = tpu.memref_slice %arg9[%add3A_113, %dma_start3A_120] : memref<40x128xi32, #tpu.memory_space<vmem>> -> memref<1x128xi32, #tpu.memory_space<vmem>>
        %dma_start3A_122 = tpu.memref_squeeze %dma_start3A_121 : memref<1x128xi32, #tpu.memory_space<vmem>> -> memref<128xi32, #tpu.memory_space<vmem>>
        %dma_start3A_123 = arith.constant 0 : i32
        %dma_start3A_124 = arith.constant 0 : i32
        %dma_start3A_125 = tpu.memref_slice %arg7[%dma_start3A_123, %dma_start3A_124] : memref<50176x32xf32, #tpu.memory_space<vmem_shared>> -> memref<50176x32xf32, #tpu.memory_space<vmem_shared>>
        tpu.enqueue_indirect_dma source(%arg12 : memref<128x32xf32, #tpu.memory_space<vmem>>) target(%dma_start3A_125 : memref<50176x32xf32, #tpu.memory_space<vmem_shared>>) offsets(%dma_start3A_122 : memref<128xi32, #tpu.memory_space<vmem>>) semaphore(%arg21 : memref<!tpu.dma_semaphore, #tpu.memory_space<semaphore_mem>>) {add = true}
        %dma_wait3A_126 = arith.constant 0 : i32
        %dma_wait3A_127 = tpu.memref_slice %arg9[%add3A_113, %dma_wait3A_126] : memref<40x128xi32, #tpu.memory_space<vmem>> -> memref<1x128xi32, #tpu.memory_space<vmem>>
        %dma_wait3A_128 = tpu.memref_squeeze %dma_wait3A_127 : memref<1x128xi32, #tpu.memory_space<vmem>> -> memref<128xi32, #tpu.memory_space<vmem>>
        %dma_wait3A_129 = arith.constant 0 : i32
        %dma_wait3A_130 = arith.constant 0 : i32
        %dma_wait3A_131 = tpu.memref_slice %arg7[%dma_wait3A_129, %dma_wait3A_130] : memref<50176x32xf32, #tpu.memory_space<vmem_shared>> -> memref<50176x32xf32, #tpu.memory_space<vmem_shared>>
        tpu.wait_indirect_dma semaphore(%arg21 : memref<!tpu.dma_semaphore, #tpu.memory_space<semaphore_mem>>) src(%arg12 : memref<128x32xf32, #tpu.memory_space<vmem>>) dst(%dma_wait3A_131 : memref<50176x32xf32, #tpu.memory_space<vmem_shared>>)
        %add3A_132 = arith.constant 4 : i32
        %add3A_133 = arith.addi %add3A_113, %add3A_132 : i32
        %lt3A_134 = arith.constant 40 : i32
        %lt3A_135 = arith.cmpi slt, %add3A_133, %lt3A_134 : i32
        %convert_element_type3A_136 = arith.extui %lt3A_135 : i1 to i32
        %cond3A_137 = arith.constant 0 : i32
        %cond3A_138 = arith.cmpi ne, %convert_element_type3A_136, %cond3A_137 : i32
        scf.if %cond3A_138 {
          %dma_start3A_168 = arith.constant 0 : i32
          %dma_start3A_169 = tpu.memref_slice %arg8[%add3A_133, %dma_start3A_168] : memref<40x128xi32, #tpu.memory_space<vmem>> -> memref<1x128xi32, #tpu.memory_space<vmem>>
          %dma_start3A_170 = tpu.memref_squeeze %dma_start3A_169 : memref<1x128xi32, #tpu.memory_space<vmem>> -> memref<128xi32, #tpu.memory_space<vmem>>
          %dma_start3A_171 = arith.constant 0 : i32
          %dma_start3A_172 = arith.constant 0 : i32
          %dma_start3A_173 = tpu.memref_slice %arg2[%dma_start3A_171, %dma_start3A_172] : memref<100352x32xf32, #tpu.memory_space<hbm>> -> memref<100352x32xf32, #tpu.memory_space<hbm>>
          tpu.enqueue_indirect_dma source(%dma_start3A_173 : memref<100352x32xf32, #tpu.memory_space<hbm>>) target(%arg12 : memref<128x32xf32, #tpu.memory_space<vmem>>) offsets(%dma_start3A_170 : memref<128xi32, #tpu.memory_space<vmem>>) semaphore(%arg17 : memref<!tpu.dma_semaphore, #tpu.memory_space<semaphore_mem>>)
        } else {
        }
        %mul3A_139 = arith.constant 4 : i32
        %mul3A_140 = arith.muli %scan3A_55, %mul3A_139 : i32
        %add3A_141 = arith.constant 3 : i32
        %add3A_142 = arith.addi %mul3A_140, %add3A_141 : i32
        %dma_wait3A_143 = arith.constant 0 : i32
        %dma_wait3A_144 = tpu.memref_slice %arg8[%add3A_142, %dma_wait3A_143] : memref<40x128xi32, #tpu.memory_space<vmem>> -> memref<1x128xi32, #tpu.memory_space<vmem>>
        %dma_wait3A_145 = tpu.memref_squeeze %dma_wait3A_144 : memref<1x128xi32, #tpu.memory_space<vmem>> -> memref<128xi32, #tpu.memory_space<vmem>>
        %dma_wait3A_146 = arith.constant 0 : i32
        %dma_wait3A_147 = arith.constant 0 : i32
        %dma_wait3A_148 = tpu.memref_slice %arg2[%dma_wait3A_146, %dma_wait3A_147] : memref<100352x32xf32, #tpu.memory_space<hbm>> -> memref<100352x32xf32, #tpu.memory_space<hbm>>
        tpu.wait_indirect_dma semaphore(%arg18 : memref<!tpu.dma_semaphore, #tpu.memory_space<semaphore_mem>>) src(%dma_wait3A_148 : memref<100352x32xf32, #tpu.memory_space<hbm>>) dst(%arg13 : memref<128x32xf32, #tpu.memory_space<vmem>>)
        %dma_start3A_149 = arith.constant 0 : i32
        %dma_start3A_150 = tpu.memref_slice %arg9[%add3A_142, %dma_start3A_149] : memref<40x128xi32, #tpu.memory_space<vmem>> -> memref<1x128xi32, #tpu.memory_space<vmem>>
        %dma_start3A_151 = tpu.memref_squeeze %dma_start3A_150 : memref<1x128xi32, #tpu.memory_space<vmem>> -> memref<128xi32, #tpu.memory_space<vmem>>
        %dma_start3A_152 = arith.constant 0 : i32
        %dma_start3A_153 = arith.constant 0 : i32
        %dma_start3A_154 = tpu.memref_slice %arg7[%dma_start3A_152, %dma_start3A_153] : memref<50176x32xf32, #tpu.memory_space<vmem_shared>> -> memref<50176x32xf32, #tpu.memory_space<vmem_shared>>
        tpu.enqueue_indirect_dma source(%arg13 : memref<128x32xf32, #tpu.memory_space<vmem>>) target(%dma_start3A_154 : memref<50176x32xf32, #tpu.memory_space<vmem_shared>>) offsets(%dma_start3A_151 : memref<128xi32, #tpu.memory_space<vmem>>) semaphore(%arg22 : memref<!tpu.dma_semaphore, #tpu.memory_space<semaphore_mem>>) {add = true}
        %dma_wait3A_155 = arith.constant 0 : i32
        %dma_wait3A_156 = tpu.memref_slice %arg9[%add3A_142, %dma_wait3A_155] : memref<40x128xi32, #tpu.memory_space<vmem>> -> memref<1x128xi32, #tpu.memory_space<vmem>>
        %dma_wait3A_157 = tpu.memref_squeeze %dma_wait3A_156 : memref<1x128xi32, #tpu.memory_space<vmem>> -> memref<128xi32, #tpu.memory_space<vmem>>
        %dma_wait3A_158 = arith.constant 0 : i32
        %dma_wait3A_159 = arith.constant 0 : i32
        %dma_wait3A_160 = tpu.memref_slice %arg7[%dma_wait3A_158, %dma_wait3A_159] : memref<50176x32xf32, #tpu.memory_space<vmem_shared>> -> memref<50176x32xf32, #tpu.memory_space<vmem_shared>>
        tpu.wait_indirect_dma semaphore(%arg22 : memref<!tpu.dma_semaphore, #tpu.memory_space<semaphore_mem>>) src(%arg13 : memref<128x32xf32, #tpu.memory_space<vmem>>) dst(%dma_wait3A_160 : memref<50176x32xf32, #tpu.memory_space<vmem_shared>>)
        %add3A_161 = arith.constant 4 : i32
        %add3A_162 = arith.addi %add3A_142, %add3A_161 : i32
        %lt3A_163 = arith.constant 40 : i32
        %lt3A_164 = arith.cmpi slt, %add3A_162, %lt3A_163 : i32
        %convert_element_type3A_165 = arith.extui %lt3A_164 : i1 to i32
        %cond3A_166 = arith.constant 0 : i32
        %cond3A_167 = arith.cmpi ne, %convert_element_type3A_165, %cond3A_166 : i32
        scf.if %cond3A_167 {
          %dma_start3A_168 = arith.constant 0 : i32
          %dma_start3A_169 = tpu.memref_slice %arg8[%add3A_162, %dma_start3A_168] : memref<40x128xi32, #tpu.memory_space<vmem>> -> memref<1x128xi32, #tpu.memory_space<vmem>>
          %dma_start3A_170 = tpu.memref_squeeze %dma_start3A_169 : memref<1x128xi32, #tpu.memory_space<vmem>> -> memref<128xi32, #tpu.memory_space<vmem>>
          %dma_start3A_171 = arith.constant 0 : i32
          %dma_start3A_172 = arith.constant 0 : i32
          %dma_start3A_173 = tpu.memref_slice %arg2[%dma_start3A_171, %dma_start3A_172] : memref<100352x32xf32, #tpu.memory_space<hbm>> -> memref<100352x32xf32, #tpu.memory_space<hbm>>
          tpu.enqueue_indirect_dma source(%dma_start3A_173 : memref<100352x32xf32, #tpu.memory_space<hbm>>) target(%arg13 : memref<128x32xf32, #tpu.memory_space<vmem>>) offsets(%dma_start3A_170 : memref<128xi32, #tpu.memory_space<vmem>>) semaphore(%arg18 : memref<!tpu.dma_semaphore, #tpu.memory_space<semaphore_mem>>)
        } else {
        }
      }
      %scan3A_54 = arith.constant 10 : i32
    }
    %scan3A_11 = arith.constant 10 : i32
    %barrier3A_12 = arith.constant 0 : index
    tpu.barrier barrier_id(%barrier3A_12)
    %scan3A_13 = arith.constant 0 : i32
    %scan3A_14 = arith.constant 0 : i32
    %scan3A_15 = arith.constant 28 : i32
    %scan3A_16 = arith.addi %scan3A_14, %scan3A_15 : i32
    %scan3A_17 = arith.constant 1 : i32
    scf.for %scan3A_19 = %scan3A_14 to %scan3A_16 step %scan3A_17  : i32 {
      %mul3A_20 = arith.constant 3136 : i32
      %mul3A_21 = arith.muli %arg1, %mul3A_20 : i32
      %mul3A_22 = arith.constant 112 : i32
      %mul3A_23 = arith.muli %scan3A_19, %mul3A_22 : i32
      %add3A = arith.addi %mul3A_21, %mul3A_23 : i32
      "tpu.region"() ({
        %run_scoped3A = tpu.sem_alloc : memref<!tpu.dma_semaphore, #tpu.memory_space<semaphore_mem>>
        %dma_start3A = arith.constant 0 : i32
        %dma_start3A_24 = tpu.memref_slice %arg7[%add3A, %dma_start3A] : memref<50176x32xf32, #tpu.memory_space<vmem_shared>> -> memref<112x32xf32, #tpu.memory_space<vmem_shared>>
        %dma_start3A_25 = arith.constant 0 : i32
        %dma_start3A_26 = tpu.memref_slice %arg7[%add3A, %dma_start3A_25] : memref<50176x32xf32, #tpu.memory_space<vmem_shared>> -> memref<112x32xf32, #tpu.memory_space<vmem_shared>>
        tpu.enqueue_dma source(%dma_start3A_26 : memref<112x32xf32, #tpu.memory_space<vmem_shared>>) target(%arg14 : memref<112x32xf32, #tpu.memory_space<vmem>>) target_semaphore(%run_scoped3A : memref<!tpu.dma_semaphore, #tpu.memory_space<semaphore_mem>>)
        %dma_wait3A = arith.constant 0 : i32
        %dma_wait3A_27 = tpu.memref_slice %arg7[%add3A, %dma_wait3A] : memref<50176x32xf32, #tpu.memory_space<vmem_shared>> -> memref<112x32xf32, #tpu.memory_space<vmem_shared>>
        %dma_wait3A_28 = arith.constant 0 : i32
        %dma_wait3A_29 = tpu.memref_slice %arg7[%add3A, %dma_wait3A_28] : memref<50176x32xf32, #tpu.memory_space<vmem_shared>> -> memref<112x32xf32, #tpu.memory_space<vmem_shared>>
        tpu.wait_dma2 semaphore(%run_scoped3A : memref<!tpu.dma_semaphore, #tpu.memory_space<semaphore_mem>>) src(%dma_wait3A_29 : memref<112x32xf32, #tpu.memory_space<vmem_shared>>) dst(%arg14 : memref<112x32xf32, #tpu.memory_space<vmem>>)
        tpu.yield
      }) : () -> ()
      "tpu.region"() ({
        %run_scoped3A = tpu.sem_alloc : memref<!tpu.dma_semaphore, #tpu.memory_space<semaphore_mem>>
        %dma_start3A = arith.constant 0 : i32
        %dma_start3A_24 = tpu.memref_slice %arg6[%arg0, %add3A, %dma_start3A] : memref<2x50176x32xf32, #tpu.memory_space<hbm>> -> memref<1x112x32xf32, #tpu.memory_space<hbm>>
        %dma_start3A_25 = tpu.memref_squeeze %dma_start3A_24 : memref<1x112x32xf32, #tpu.memory_space<hbm>> -> memref<112x32xf32, #tpu.memory_space<hbm>>
        %dma_start3A_26 = arith.constant 0 : i32
        %dma_start3A_27 = tpu.memref_slice %arg6[%arg0, %add3A, %dma_start3A_26] : memref<2x50176x32xf32, #tpu.memory_space<hbm>> -> memref<1x112x32xf32, #tpu.memory_space<hbm>>
        %dma_start3A_28 = tpu.memref_squeeze %dma_start3A_27 : memref<1x112x32xf32, #tpu.memory_space<hbm>> -> memref<112x32xf32, #tpu.memory_space<hbm>>
        tpu.enqueue_dma source(%arg14 : memref<112x32xf32, #tpu.memory_space<vmem>>) target(%dma_start3A_28 : memref<112x32xf32, #tpu.memory_space<hbm>>) target_semaphore(%run_scoped3A : memref<!tpu.dma_semaphore, #tpu.memory_space<semaphore_mem>>)
        %dma_wait3A = arith.constant 0 : i32
        %dma_wait3A_29 = tpu.memref_slice %arg6[%arg0, %add3A, %dma_wait3A] : memref<2x50176x32xf32, #tpu.memory_space<hbm>> -> memref<1x112x32xf32, #tpu.memory_space<hbm>>
        %dma_wait3A_30 = tpu.memref_squeeze %dma_wait3A_29 : memref<1x112x32xf32, #tpu.memory_space<hbm>> -> memref<112x32xf32, #tpu.memory_space<hbm>>
        %dma_wait3A_31 = arith.constant 0 : i32
        %dma_wait3A_32 = tpu.memref_slice %arg6[%arg0, %add3A, %dma_wait3A_31] : memref<2x50176x32xf32, #tpu.memory_space<hbm>> -> memref<1x112x32xf32, #tpu.memory_space<hbm>>
        %dma_wait3A_33 = tpu.memref_squeeze %dma_wait3A_32 : memref<1x112x32xf32, #tpu.memory_space<hbm>> -> memref<112x32xf32, #tpu.memory_space<hbm>>
        tpu.wait_dma2 semaphore(%run_scoped3A : memref<!tpu.dma_semaphore, #tpu.memory_space<semaphore_mem>>) src(%arg14 : memref<112x32xf32, #tpu.memory_space<vmem>>) dst(%dma_wait3A_33 : memref<112x32xf32, #tpu.memory_space<hbm>>)
        tpu.yield
      }) : () -> ()
    }
    %scan3A_18 = arith.constant 28 : i32
    return
  }
}

module attributes {stable_mosaic.version = 14 : i64} {
  func.func @_kin_body(%arg0: i32, %arg1: memref<1792x2xf32, #tpu.memory_space<vmem>>, %arg2: memref<1792x1xf32, #tpu.memory_space<vmem>>, %arg3: memref<2x64xf32, #tpu.memory_space<vmem>>, %arg4: memref<1x64xf32, #tpu.memory_space<vmem>>, %arg5: memref<64x32xf32, #tpu.memory_space<vmem>>, %arg6: memref<64x32xf32, #tpu.memory_space<vmem>>, %arg7: memref<2x1792x32xf32, #tpu.memory_space<vmem>>) attributes {dimension_semantics = [#tpu.dimension_semantics<arbitrary>], iteration_bounds = array<i64: 28>, scalar_prefetch = 0 : i64, scratch_operands = 0 : i64, tpu.core_type = #tpu.core_type<tc>, window_params = [{transform_indices = @transform_0, window_bounds = array<i64: 1792, 2>}, {transform_indices = @transform_1, window_bounds = array<i64: 1792, 1>}, {pipeline_mode = #tpu.pipeline_mode<synchronous>, transform_indices = @transform_2, window_bounds = array<i64: 2, 64>}, {pipeline_mode = #tpu.pipeline_mode<synchronous>, transform_indices = @transform_3, window_bounds = array<i64: 1, 64>}, {pipeline_mode = #tpu.pipeline_mode<synchronous>, transform_indices = @transform_4, window_bounds = array<i64: 64, 32>}, {pipeline_mode = #tpu.pipeline_mode<synchronous>, transform_indices = @transform_5, window_bounds = array<i64: 64, 32>}, {transform_indices = @transform_6, window_bounds = array<i64: 2, 1792, 32>}]} {
    %get3A = arith.constant 0 : index
    %get3A_0 = arith.constant 0 : index
    %get3A_1 = vector.load %arg2[%get3A, %get3A_0] : memref<1792x1xf32, #tpu.memory_space<vmem>>, vector<1792x1xf32>
    %get3A_2 = arith.constant 0 : index
    %get3A_3 = arith.constant 0 : index
    %get3A_4 = vector.load %arg1[%get3A_2, %get3A_3] : memref<1792x2xf32, #tpu.memory_space<vmem>>, vector<1792x2xf32>
    %get3A_5 = arith.constant 0 : index
    %get3A_6 = arith.constant 0 : index
    %get3A_7 = vector.load %arg3[%get3A_5, %get3A_6] : memref<2x64xf32, #tpu.memory_space<vmem>>, vector<2x64xf32>
    %dot_general3A = arith.constant dense<0.000000e+00> : vector<1792x64xf32>
    %dot_general3A_8 = tpu.matmul %get3A_4, %get3A_7, %dot_general3A {dimension_numbers = #tpu.dot_dimension_numbers<[1], [0], [0], [1], [0, 0, 1, 1], [], []>, transpose_lhs_hint = false} : vector<1792x2xf32>, vector<2x64xf32>, vector<1792x64xf32> -> vector<1792x64xf32>
    %get3A_9 = arith.constant 0 : index
    %get3A_10 = arith.constant 0 : index
    %get3A_11 = vector.load %arg4[%get3A_9, %get3A_10] : memref<1x64xf32, #tpu.memory_space<vmem>>, vector<1x64xf32>
    %add3A = vector.broadcast %get3A_11 : vector<1x64xf32> to vector<1792x64xf32>
    %add3A_12 = arith.addf %dot_general3A_8, %add3A : vector<1792x64xf32>
    %get3A_13 = arith.constant 0 : index
    %get3A_14 = arith.constant 0 : index
    %get3A_15 = vector.load %arg5[%get3A_13, %get3A_14] : memref<64x32xf32, #tpu.memory_space<vmem>>, vector<64x32xf32>
    %dot_general3A_16 = arith.constant dense<0.000000e+00> : vector<1792x32xf32>
    %dot_general3A_17 = tpu.matmul %add3A_12, %get3A_15, %dot_general3A_16 {dimension_numbers = #tpu.dot_dimension_numbers<[1], [0], [0], [1], [0, 0, 1, 1], [], []>, transpose_lhs_hint = false} : vector<1792x64xf32>, vector<64x32xf32>, vector<1792x32xf32> -> vector<1792x32xf32>
    %mul3A = vector.broadcast %get3A_1 : vector<1792x1xf32> to vector<1792x32xf32>
    %mul3A_18 = arith.mulf %dot_general3A_17, %mul3A : vector<1792x32xf32>
    %swap3A = arith.constant 0 : index
    %swap3A_19 = arith.constant 0 : index
    %swap3A_20 = arith.constant 0 : index
    %swap3A_21 = vector.load %arg7[%swap3A, %swap3A_19, %swap3A_20] : memref<2x1792x32xf32, #tpu.memory_space<vmem>>, vector<1x1792x32xf32>
    %swap3A_22 = vector.shape_cast %swap3A_21 : vector<1x1792x32xf32> to vector<1792x32xf32>
    %swap3A_23 = vector.shape_cast %mul3A_18 : vector<1792x32xf32> to vector<1x1792x32xf32>
    tpu.vector_store %arg7[%swap3A, %swap3A_19, %swap3A_20], %swap3A_23 {strides = array<i32>} : memref<2x1792x32xf32, #tpu.memory_space<vmem>>, vector<1x1792x32xf32>,
    %get3A_24 = arith.constant 0 : index
    %get3A_25 = arith.constant 0 : index
    %get3A_26 = vector.load %arg6[%get3A_24, %get3A_25] : memref<64x32xf32, #tpu.memory_space<vmem>>, vector<64x32xf32>
    %dot_general3A_27 = arith.constant dense<0.000000e+00> : vector<1792x32xf32>
    %dot_general3A_28 = tpu.matmul %add3A_12, %get3A_26, %dot_general3A_27 {dimension_numbers = #tpu.dot_dimension_numbers<[1], [0], [0], [1], [0, 0, 1, 1], [], []>, transpose_lhs_hint = false} : vector<1792x64xf32>, vector<64x32xf32>, vector<1792x32xf32> -> vector<1792x32xf32>
    %mul3A_29 = vector.broadcast %get3A_1 : vector<1792x1xf32> to vector<1792x32xf32>
    %mul3A_30 = arith.mulf %dot_general3A_28, %mul3A_29 : vector<1792x32xf32>
    %swap3A_31 = arith.constant 1 : index
    %swap3A_32 = arith.constant 0 : index
    %swap3A_33 = arith.constant 0 : index
    %swap3A_34 = vector.load %arg7[%swap3A_31, %swap3A_32, %swap3A_33] : memref<2x1792x32xf32, #tpu.memory_space<vmem>>, vector<1x1792x32xf32>
    %swap3A_35 = vector.shape_cast %swap3A_34 : vector<1x1792x32xf32> to vector<1792x32xf32>
    %swap3A_36 = vector.shape_cast %mul3A_30 : vector<1792x32xf32> to vector<1x1792x32xf32>
    tpu.vector_store %arg7[%swap3A_31, %swap3A_32, %swap3A_33], %swap3A_36 {strides = array<i32>} : memref<2x1792x32xf32, #tpu.memory_space<vmem>>, vector<1x1792x32xf32>,
    return
  }
  func.func @transform_0(%arg0: i32) -> (i32, i32) {
    %c0_i32 = arith.constant 0 : i32
    %c0_i32_0 = arith.constant 0 : i32
    return %arg0, %c0_i32 : i32, i32
  }
  func.func @transform_1(%arg0: i32) -> (i32, i32) {
    %c0_i32 = arith.constant 0 : i32
    %c0_i32_0 = arith.constant 0 : i32
    return %arg0, %c0_i32 : i32, i32
  }
  func.func @transform_2(%arg0: i32) -> (i32, i32) {
    %c0_i32 = arith.constant 0 : i32
    %c0_i32_0 = arith.constant 0 : i32
    %c0_i32_1 = arith.constant 0 : i32
    return %c0_i32, %c0_i32_0 : i32, i32
  }
  func.func @transform_3(%arg0: i32) -> (i32, i32) {
    %c0_i32 = arith.constant 0 : i32
    %c0_i32_0 = arith.constant 0 : i32
    %c0_i32_1 = arith.constant 0 : i32
    return %c0_i32, %c0_i32_0 : i32, i32
  }
  func.func @transform_4(%arg0: i32) -> (i32, i32) {
    %c0_i32 = arith.constant 0 : i32
    %c0_i32_0 = arith.constant 0 : i32
    %c0_i32_1 = arith.constant 0 : i32
    return %c0_i32, %c0_i32_0 : i32, i32
  }
  func.func @transform_5(%arg0: i32) -> (i32, i32) {
    %c0_i32 = arith.constant 0 : i32
    %c0_i32_0 = arith.constant 0 : i32
    %c0_i32_1 = arith.constant 0 : i32
    return %c0_i32, %c0_i32_0 : i32, i32
  }
  func.func @transform_6(%arg0: i32) -> (i32, i32, i32) {
    %c0_i32 = arith.constant 0 : i32
    %c0_i32_0 = arith.constant 0 : i32
    %c0_i32_1 = arith.constant 0 : i32
    return %c0_i32, %arg0, %c0_i32_0 : i32, i32, i32
  }
}

module attributes {stable_mosaic.version = 14 : i64} {
  func.func @_kmid_body(%arg0: i32, %arg1: memref<2x1568x128xf32, #tpu.memory_space<vmem>>, %arg2: memref<2x1568x128xf32, #tpu.memory_space<vmem>>, %arg3: memref<1568x128xf32, #tpu.memory_space<vmem>>, %arg4: memref<2x128xf32, #tpu.memory_space<vmem>>, %arg5: memref<128x128xf32, #tpu.memory_space<vmem>>, %arg6: memref<128x128xf32, #tpu.memory_space<vmem>>, %arg7: memref<128x128xf32, #tpu.memory_space<vmem>>, %arg8: memref<128x128xf32, #tpu.memory_space<vmem>>, %arg9: memref<2x1568x128xf32, #tpu.memory_space<vmem>>) attributes {dimension_semantics = [#tpu.dimension_semantics<arbitrary>], iteration_bounds = array<i64: 8>, scalar_prefetch = 0 : i64, scratch_operands = 0 : i64, tpu.core_type = #tpu.core_type<tc>, window_params = [{transform_indices = @transform_0, window_bounds = array<i64: 2, 1568, 128>}, {transform_indices = @transform_1, window_bounds = array<i64: 2, 1568, 128>}, {transform_indices = @transform_2, window_bounds = array<i64: 1568, 128>}, {pipeline_mode = #tpu.pipeline_mode<synchronous>, transform_indices = @transform_3, window_bounds = array<i64: 2, 128>}, {pipeline_mode = #tpu.pipeline_mode<synchronous>, transform_indices = @transform_4, window_bounds = array<i64: 128, 128>}, {pipeline_mode = #tpu.pipeline_mode<synchronous>, transform_indices = @transform_5, window_bounds = array<i64: 128, 128>}, {pipeline_mode = #tpu.pipeline_mode<synchronous>, transform_indices = @transform_6, window_bounds = array<i64: 128, 128>}, {pipeline_mode = #tpu.pipeline_mode<synchronous>, transform_indices = @transform_7, window_bounds = array<i64: 128, 128>}, {transform_indices = @transform_8, window_bounds = array<i64: 2, 1568, 128>}]} {
    %get3A = arith.constant 0 : index
    %get3A_0 = arith.constant 0 : index
    %get3A_1 = vector.load %arg3[%get3A, %get3A_0] : memref<1568x128xf32, #tpu.memory_space<vmem>>, vector<1568x128xf32>
    %get3A_2 = arith.constant 0 : index
    %get3A_3 = arith.constant 0 : index
    %get3A_4 = arith.constant 0 : index
    %get3A_5 = vector.load %arg1[%get3A_2, %get3A_3, %get3A_4] : memref<2x1568x128xf32, #tpu.memory_space<vmem>>, vector<1x1568x128xf32>
    %get3A_6 = vector.shape_cast %get3A_5 : vector<1x1568x128xf32> to vector<1568x128xf32>
    %get3A_7 = arith.constant 0 : index
    %get3A_8 = arith.constant 0 : index
    %get3A_9 = arith.constant 0 : index
    %get3A_10 = vector.load %arg2[%get3A_7, %get3A_8, %get3A_9] : memref<2x1568x128xf32, #tpu.memory_space<vmem>>, vector<1x1568x128xf32>
    %get3A_11 = vector.shape_cast %get3A_10 : vector<1x1568x128xf32> to vector<1568x128xf32>
    %add3A = arith.addf %get3A_6, %get3A_11 : vector<1568x128xf32>
    %mul3A = arith.mulf %get3A_1, %add3A : vector<1568x128xf32>
    %get3A_12 = arith.constant 0 : index
    %get3A_13 = arith.constant 0 : index
    %get3A_14 = vector.load %arg4[%get3A_12, %get3A_13] : memref<2x128xf32, #tpu.memory_space<vmem>>, vector<1x128xf32>
    %add3A_15 = vector.broadcast %get3A_14 : vector<1x128xf32> to vector<1568x128xf32>
    %add3A_16 = arith.addf %mul3A, %add3A_15 : vector<1568x128xf32>
    %max3A = arith.constant 0.000000e+00 : f32
    %max3A_17 = vector.broadcast %max3A : f32 to vector<1568x128xf32>
    %max3A_18 = arith.maximumf %add3A_16, %max3A_17 : vector<1568x128xf32>
    %get3A_19 = arith.constant 1 : index
    %get3A_20 = arith.constant 0 : index
    %get3A_21 = arith.constant 0 : index
    %get3A_22 = vector.load %arg1[%get3A_19, %get3A_20, %get3A_21] : memref<2x1568x128xf32, #tpu.memory_space<vmem>>, vector<1x1568x128xf32>
    %get3A_23 = vector.shape_cast %get3A_22 : vector<1x1568x128xf32> to vector<1568x128xf32>
    %get3A_24 = arith.constant 1 : index
    %get3A_25 = arith.constant 0 : index
    %get3A_26 = arith.constant 0 : index
    %get3A_27 = vector.load %arg2[%get3A_24, %get3A_25, %get3A_26] : memref<2x1568x128xf32, #tpu.memory_space<vmem>>, vector<1x1568x128xf32>
    %get3A_28 = vector.shape_cast %get3A_27 : vector<1x1568x128xf32> to vector<1568x128xf32>
    %add3A_29 = arith.addf %get3A_23, %get3A_28 : vector<1568x128xf32>
    %mul3A_30 = arith.mulf %get3A_1, %add3A_29 : vector<1568x128xf32>
    %get3A_31 = arith.constant 1 : index
    %get3A_32 = arith.constant 0 : index
    %get3A_33 = vector.load %arg4[%get3A_31, %get3A_32] : memref<2x128xf32, #tpu.memory_space<vmem>>, vector<1x128xf32>
    %add3A_34 = vector.broadcast %get3A_33 : vector<1x128xf32> to vector<1568x128xf32>
    %add3A_35 = arith.addf %mul3A_30, %add3A_34 : vector<1568x128xf32>
    %max3A_36 = arith.constant 0.000000e+00 : f32
    %max3A_37 = vector.broadcast %max3A_36 : f32 to vector<1568x128xf32>
    %max3A_38 = arith.maximumf %add3A_35, %max3A_37 : vector<1568x128xf32>
    %get3A_39 = arith.constant 0 : index
    %get3A_40 = arith.constant 0 : index
    %get3A_41 = vector.load %arg5[%get3A_39, %get3A_40] : memref<128x128xf32, #tpu.memory_space<vmem>>, vector<128x128xf32>
    %dot_general3A = arith.constant dense<0.000000e+00> : vector<1568x128xf32>
    %dot_general3A_42 = tpu.matmul %max3A_18, %get3A_41, %dot_general3A {dimension_numbers = #tpu.dot_dimension_numbers<[1], [0], [0], [1], [0, 0, 1, 1], [], []>, transpose_lhs_hint = false} : vector<1568x128xf32>, vector<128x128xf32>, vector<1568x128xf32> -> vector<1568x128xf32>
    %get3A_43 = arith.constant 0 : index
    %get3A_44 = arith.constant 0 : index
    %get3A_45 = vector.load %arg7[%get3A_43, %get3A_44] : memref<128x128xf32, #tpu.memory_space<vmem>>, vector<128x128xf32>
    %dot_general3A_46 = arith.constant dense<0.000000e+00> : vector<1568x128xf32>
    %dot_general3A_47 = tpu.matmul %max3A_38, %get3A_45, %dot_general3A_46 {dimension_numbers = #tpu.dot_dimension_numbers<[1], [0], [0], [1], [0, 0, 1, 1], [], []>, transpose_lhs_hint = false} : vector<1568x128xf32>, vector<128x128xf32>, vector<1568x128xf32> -> vector<1568x128xf32>
    %add3A_48 = arith.addf %dot_general3A_42, %dot_general3A_47 : vector<1568x128xf32>
    %get3A_49 = arith.constant 0 : index
    %get3A_50 = arith.constant 0 : index
    %get3A_51 = vector.load %arg6[%get3A_49, %get3A_50] : memref<128x128xf32, #tpu.memory_space<vmem>>, vector<128x128xf32>
    %dot_general3A_52 = arith.constant dense<0.000000e+00> : vector<1568x128xf32>
    %dot_general3A_53 = tpu.matmul %max3A_18, %get3A_51, %dot_general3A_52 {dimension_numbers = #tpu.dot_dimension_numbers<[1], [0], [0], [1], [0, 0, 1, 1], [], []>, transpose_lhs_hint = false} : vector<1568x128xf32>, vector<128x128xf32>, vector<1568x128xf32> -> vector<1568x128xf32>
    %get3A_54 = arith.constant 0 : index
    %get3A_55 = arith.constant 0 : index
    %get3A_56 = vector.load %arg8[%get3A_54, %get3A_55] : memref<128x128xf32, #tpu.memory_space<vmem>>, vector<128x128xf32>
    %dot_general3A_57 = arith.constant dense<0.000000e+00> : vector<1568x128xf32>
    %dot_general3A_58 = tpu.matmul %max3A_38, %get3A_56, %dot_general3A_57 {dimension_numbers = #tpu.dot_dimension_numbers<[1], [0], [0], [1], [0, 0, 1, 1], [], []>, transpose_lhs_hint = false} : vector<1568x128xf32>, vector<128x128xf32>, vector<1568x128xf32> -> vector<1568x128xf32>
    %add3A_59 = arith.addf %dot_general3A_53, %dot_general3A_58 : vector<1568x128xf32>
    %mul3A_60 = arith.mulf %add3A_48, %get3A_1 : vector<1568x128xf32>
    %swap3A = arith.constant 0 : index
    %swap3A_61 = arith.constant 0 : index
    %swap3A_62 = arith.constant 0 : index
    %swap3A_63 = vector.load %arg9[%swap3A, %swap3A_61, %swap3A_62] : memref<2x1568x128xf32, #tpu.memory_space<vmem>>, vector<1x1568x128xf32>
    %swap3A_64 = vector.shape_cast %swap3A_63 : vector<1x1568x128xf32> to vector<1568x128xf32>
    %swap3A_65 = vector.shape_cast %mul3A_60 : vector<1568x128xf32> to vector<1x1568x128xf32>
    tpu.vector_store %arg9[%swap3A, %swap3A_61, %swap3A_62], %swap3A_65 {strides = array<i32>} : memref<2x1568x128xf32, #tpu.memory_space<vmem>>, vector<1x1568x128xf32>,
    %mul3A_66 = arith.mulf %add3A_59, %get3A_1 : vector<1568x128xf32>
    %swap3A_67 = arith.constant 1 : index
    %swap3A_68 = arith.constant 0 : index
    %swap3A_69 = arith.constant 0 : index
    %swap3A_70 = vector.load %arg9[%swap3A_67, %swap3A_68, %swap3A_69] : memref<2x1568x128xf32, #tpu.memory_space<vmem>>, vector<1x1568x128xf32>
    %swap3A_71 = vector.shape_cast %swap3A_70 : vector<1x1568x128xf32> to vector<1568x128xf32>
    %swap3A_72 = vector.shape_cast %mul3A_66 : vector<1568x128xf32> to vector<1x1568x128xf32>
    tpu.vector_store %arg9[%swap3A_67, %swap3A_68, %swap3A_69], %swap3A_72 {strides = array<i32>} : memref<2x1568x128xf32, #tpu.memory_space<vmem>>, vector<1x1568x128xf32>,
    return
  }
  func.func @transform_0(%arg0: i32) -> (i32, i32, i32) {
    %c0_i32 = arith.constant 0 : i32
    %c0_i32_0 = arith.constant 0 : i32
    %c0_i32_1 = arith.constant 0 : i32
    return %c0_i32, %arg0, %c0_i32_0 : i32, i32, i32
  }
  func.func @transform_1(%arg0: i32) -> (i32, i32, i32) {
    %c0_i32 = arith.constant 0 : i32
    %c0_i32_0 = arith.constant 0 : i32
    %c0_i32_1 = arith.constant 0 : i32
    return %c0_i32, %arg0, %c0_i32_0 : i32, i32, i32
  }
  func.func @transform_2(%arg0: i32) -> (i32, i32) {
    %c0_i32 = arith.constant 0 : i32
    %c0_i32_0 = arith.constant 0 : i32
    return %arg0, %c0_i32 : i32, i32
  }
  func.func @transform_3(%arg0: i32) -> (i32, i32) {
    %c0_i32 = arith.constant 0 : i32
    %c0_i32_0 = arith.constant 0 : i32
    %c0_i32_1 = arith.constant 0 : i32
    return %c0_i32, %c0_i32_0 : i32, i32
  }
  func.func @transform_4(%arg0: i32) -> (i32, i32) {
    %c0_i32 = arith.constant 0 : i32
    %c0_i32_0 = arith.constant 0 : i32
    %c0_i32_1 = arith.constant 0 : i32
    return %c0_i32, %c0_i32_0 : i32, i32
  }
  func.func @transform_5(%arg0: i32) -> (i32, i32) {
    %c0_i32 = arith.constant 0 : i32
    %c0_i32_0 = arith.constant 0 : i32
    %c0_i32_1 = arith.constant 0 : i32
    return %c0_i32, %c0_i32_0 : i32, i32
  }
  func.func @transform_6(%arg0: i32) -> (i32, i32) {
    %c0_i32 = arith.constant 0 : i32
    %c0_i32_0 = arith.constant 0 : i32
    %c0_i32_1 = arith.constant 0 : i32
    return %c0_i32, %c0_i32_0 : i32, i32
  }
  func.func @transform_7(%arg0: i32) -> (i32, i32) {
    %c0_i32 = arith.constant 0 : i32
    %c0_i32_0 = arith.constant 0 : i32
    %c0_i32_1 = arith.constant 0 : i32
    return %c0_i32, %c0_i32_0 : i32, i32
  }
  func.func @transform_8(%arg0: i32) -> (i32, i32, i32) {
    %c0_i32 = arith.constant 0 : i32
    %c0_i32_0 = arith.constant 0 : i32
    %c0_i32_1 = arith.constant 0 : i32
    return %c0_i32, %arg0, %c0_i32_0 : i32, i32, i32
  }
}

module attributes {stable_mosaic.version = 14 : i64} {
  func.func @_kfin_body(%arg0: i32, %arg1: memref<2x1792x32xf32, #tpu.memory_space<vmem>>, %arg2: memref<2x1792x32xf32, #tpu.memory_space<vmem>>, %arg3: memref<1792x1xf32, #tpu.memory_space<vmem>>, %arg4: memref<2x32xf32, #tpu.memory_space<vmem>>, %arg5: memref<32x64xf32, #tpu.memory_space<vmem>>, %arg6: memref<32x64xf32, #tpu.memory_space<vmem>>, %arg7: memref<1x64xf32, #tpu.memory_space<vmem>>, %arg8: memref<64x1xf32, #tpu.memory_space<vmem>>, %arg9: memref<1x1xf32, #tpu.memory_space<vmem>>, %arg10: memref<32x64xf32, #tpu.memory_space<vmem>>, %arg11: memref<32x64xf32, #tpu.memory_space<vmem>>, %arg12: memref<1x64xf32, #tpu.memory_space<vmem>>, %arg13: memref<64x1xf32, #tpu.memory_space<vmem>>, %arg14: memref<1x1xf32, #tpu.memory_space<vmem>>, %arg15: memref<1x1x1792xi32, #tpu.memory_space<vmem>>, %arg16: memref<2x1792x32xf32, #tpu.memory_space<vmem>>, %arg17: memref<1792x1xf32, #tpu.memory_space<vmem>>, %arg18: memref<2x8x32xf32, #tpu.memory_space<vmem>>, %arg19: memref<8x1xf32, #tpu.memory_space<vmem>>, %arg20: memref<2x8x32xf32, #tpu.memory_space<vmem>>, %arg21: memref<8x1xf32, #tpu.memory_space<vmem>>) attributes {dimension_semantics = [#tpu.dimension_semantics<arbitrary>], iteration_bounds = array<i64: 28>, scalar_prefetch = 0 : i64, scratch_operands = 2 : i64, tpu.core_type = #tpu.core_type<tc>, window_params = [{transform_indices = @transform_0, window_bounds = array<i64: 2, 1792, 32>}, {transform_indices = @transform_1, window_bounds = array<i64: 2, 1792, 32>}, {transform_indices = @transform_2, window_bounds = array<i64: 1792, 1>}, {pipeline_mode = #tpu.pipeline_mode<synchronous>, transform_indices = @transform_3, window_bounds = array<i64: 2, 32>}, {pipeline_mode = #tpu.pipeline_mode<synchronous>, transform_indices = @transform_4, window_bounds = array<i64: 32, 64>}, {pipeline_mode = #tpu.pipeline_mode<synchronous>, transform_indices = @transform_5, window_bounds = array<i64: 32, 64>}, {pipeline_mode = #tpu.pipeline_mode<synchronous>, transform_indices = @transform_6, window_bounds = array<i64: 1, 64>}, {pipeline_mode = #tpu.pipeline_mode<synchronous>, transform_indices = @transform_7, window_bounds = array<i64: 64, 1>}, {pipeline_mode = #tpu.pipeline_mode<synchronous>, transform_indices = @transform_8, window_bounds = array<i64: 1, 1>}, {pipeline_mode = #tpu.pipeline_mode<synchronous>, transform_indices = @transform_9, window_bounds = array<i64: 32, 64>}, {pipeline_mode = #tpu.pipeline_mode<synchronous>, transform_indices = @transform_10, window_bounds = array<i64: 32, 64>}, {pipeline_mode = #tpu.pipeline_mode<synchronous>, transform_indices = @transform_11, window_bounds = array<i64: 1, 64>}, {pipeline_mode = #tpu.pipeline_mode<synchronous>, transform_indices = @transform_12, window_bounds = array<i64: 64, 1>}, {pipeline_mode = #tpu.pipeline_mode<synchronous>, transform_indices = @transform_13, window_bounds = array<i64: 1, 1>}, {transform_indices = @transform_14, window_bounds = array<i64: 1, 1, 1792>}, {transform_indices = @transform_15, window_bounds = array<i64: 2, 1792, 32>}, {transform_indices = @transform_16, window_bounds = array<i64: 1792, 1>}, {pipeline_mode = #tpu.pipeline_mode<synchronous>, transform_indices = @transform_17, window_bounds = array<i64: 2, 8, 32>}, {pipeline_mode = #tpu.pipeline_mode<synchronous>, transform_indices = @transform_18, window_bounds = array<i64: 8, 1>}]} {
    %get3A = arith.constant 0 : index
    %get3A_0 = arith.constant 0 : index
    %get3A_1 = vector.load %arg3[%get3A, %get3A_0] : memref<1792x1xf32, #tpu.memory_space<vmem>>, vector<1792x1xf32>
    %get3A_2 = arith.constant 0 : index
    %get3A_3 = arith.constant 0 : index
    %get3A_4 = arith.constant 0 : index
    %get3A_5 = vector.load %arg1[%get3A_2, %get3A_3, %get3A_4] : memref<2x1792x32xf32, #tpu.memory_space<vmem>>, vector<1x1792x32xf32>
    %get3A_6 = vector.shape_cast %get3A_5 : vector<1x1792x32xf32> to vector<1792x32xf32>
    %get3A_7 = arith.constant 0 : index
    %get3A_8 = arith.constant 0 : index
    %get3A_9 = arith.constant 0 : index
    %get3A_10 = vector.load %arg2[%get3A_7, %get3A_8, %get3A_9] : memref<2x1792x32xf32, #tpu.memory_space<vmem>>, vector<1x1792x32xf32>
    %get3A_11 = vector.shape_cast %get3A_10 : vector<1x1792x32xf32> to vector<1792x32xf32>
    %add3A = arith.addf %get3A_6, %get3A_11 : vector<1792x32xf32>
    %mul3A = vector.broadcast %get3A_1 : vector<1792x1xf32> to vector<1792x32xf32>
    %mul3A_12 = arith.mulf %mul3A, %add3A : vector<1792x32xf32>
    %get3A_13 = arith.constant 0 : index
    %get3A_14 = arith.constant 0 : index
    %get3A_15 = vector.load %arg4[%get3A_13, %get3A_14] : memref<2x32xf32, #tpu.memory_space<vmem>>, vector<1x32xf32>
    %add3A_16 = vector.broadcast %get3A_15 : vector<1x32xf32> to vector<1792x32xf32>
    %add3A_17 = arith.addf %mul3A_12, %add3A_16 : vector<1792x32xf32>
    %max3A = arith.constant 0.000000e+00 : f32
    %max3A_18 = vector.broadcast %max3A : f32 to vector<1792x32xf32>
    %max3A_19 = arith.maximumf %add3A_17, %max3A_18 : vector<1792x32xf32>
    %get3A_20 = arith.constant 1 : index
    %get3A_21 = arith.constant 0 : index
    %get3A_22 = arith.constant 0 : index
    %get3A_23 = vector.load %arg1[%get3A_20, %get3A_21, %get3A_22] : memref<2x1792x32xf32, #tpu.memory_space<vmem>>, vector<1x1792x32xf32>
    %get3A_24 = vector.shape_cast %get3A_23 : vector<1x1792x32xf32> to vector<1792x32xf32>
    %get3A_25 = arith.constant 1 : index
    %get3A_26 = arith.constant 0 : index
    %get3A_27 = arith.constant 0 : index
    %get3A_28 = vector.load %arg2[%get3A_25, %get3A_26, %get3A_27] : memref<2x1792x32xf32, #tpu.memory_space<vmem>>, vector<1x1792x32xf32>
    %get3A_29 = vector.shape_cast %get3A_28 : vector<1x1792x32xf32> to vector<1792x32xf32>
    %add3A_30 = arith.addf %get3A_24, %get3A_29 : vector<1792x32xf32>
    %mul3A_31 = vector.broadcast %get3A_1 : vector<1792x1xf32> to vector<1792x32xf32>
    %mul3A_32 = arith.mulf %mul3A_31, %add3A_30 : vector<1792x32xf32>
    %get3A_33 = arith.constant 1 : index
    %get3A_34 = arith.constant 0 : index
    %get3A_35 = vector.load %arg4[%get3A_33, %get3A_34] : memref<2x32xf32, #tpu.memory_space<vmem>>, vector<1x32xf32>
    %add3A_36 = vector.broadcast %get3A_35 : vector<1x32xf32> to vector<1792x32xf32>
    %add3A_37 = arith.addf %mul3A_32, %add3A_36 : vector<1792x32xf32>
    %max3A_38 = arith.constant 0.000000e+00 : f32
    %max3A_39 = vector.broadcast %max3A_38 : f32 to vector<1792x32xf32>
    %max3A_40 = arith.maximumf %add3A_37, %max3A_39 : vector<1792x32xf32>
    %swap3A = arith.constant 0 : index
    %swap3A_41 = arith.constant 0 : index
    %swap3A_42 = arith.constant 0 : index
    %swap3A_43 = vector.load %arg16[%swap3A, %swap3A_41, %swap3A_42] : memref<2x1792x32xf32, #tpu.memory_space<vmem>>, vector<1x1792x32xf32>
    %swap3A_44 = vector.shape_cast %swap3A_43 : vector<1x1792x32xf32> to vector<1792x32xf32>
    %swap3A_45 = vector.shape_cast %max3A_19 : vector<1792x32xf32> to vector<1x1792x32xf32>
    tpu.vector_store %arg16[%swap3A, %swap3A_41, %swap3A_42], %swap3A_45 {strides = array<i32>} : memref<2x1792x32xf32, #tpu.memory_space<vmem>>, vector<1x1792x32xf32>,
    %swap3A_46 = arith.constant 1 : index
    %swap3A_47 = arith.constant 0 : index
    %swap3A_48 = arith.constant 0 : index
    %swap3A_49 = vector.load %arg16[%swap3A_46, %swap3A_47, %swap3A_48] : memref<2x1792x32xf32, #tpu.memory_space<vmem>>, vector<1x1792x32xf32>
    %swap3A_50 = vector.shape_cast %swap3A_49 : vector<1x1792x32xf32> to vector<1792x32xf32>
    %swap3A_51 = vector.shape_cast %max3A_40 : vector<1792x32xf32> to vector<1x1792x32xf32>
    tpu.vector_store %arg16[%swap3A_46, %swap3A_47, %swap3A_48], %swap3A_51 {strides = array<i32>} : memref<2x1792x32xf32, #tpu.memory_space<vmem>>, vector<1x1792x32xf32>,
    %get3A_52 = arith.constant 0 : index
    %get3A_53 = arith.constant 0 : index
    %get3A_54 = vector.load %arg5[%get3A_52, %get3A_53] : memref<32x64xf32, #tpu.memory_space<vmem>>, vector<32x64xf32>
    %dot_general3A = arith.constant dense<0.000000e+00> : vector<1792x64xf32>
    %dot_general3A_55 = tpu.matmul %max3A_19, %get3A_54, %dot_general3A {dimension_numbers = #tpu.dot_dimension_numbers<[1], [0], [0], [1], [0, 0, 1, 1], [], []>, transpose_lhs_hint = false} : vector<1792x32xf32>, vector<32x64xf32>, vector<1792x64xf32> -> vector<1792x64xf32>
    %get3A_56 = arith.constant 0 : index
    %get3A_57 = arith.constant 0 : index
    %get3A_58 = vector.load %arg6[%get3A_56, %get3A_57] : memref<32x64xf32, #tpu.memory_space<vmem>>, vector<32x64xf32>
    %dot_general3A_59 = arith.constant dense<0.000000e+00> : vector<1792x64xf32>
    %dot_general3A_60 = tpu.matmul %max3A_40, %get3A_58, %dot_general3A_59 {dimension_numbers = #tpu.dot_dimension_numbers<[1], [0], [0], [1], [0, 0, 1, 1], [], []>, transpose_lhs_hint = false} : vector<1792x32xf32>, vector<32x64xf32>, vector<1792x64xf32> -> vector<1792x64xf32>
    %add3A_61 = arith.addf %dot_general3A_55, %dot_general3A_60 : vector<1792x64xf32>
    %get3A_62 = arith.constant 0 : index
    %get3A_63 = arith.constant 0 : index
    %get3A_64 = vector.load %arg7[%get3A_62, %get3A_63] : memref<1x64xf32, #tpu.memory_space<vmem>>, vector<1x64xf32>
    %add3A_65 = vector.broadcast %get3A_64 : vector<1x64xf32> to vector<1792x64xf32>
    %add3A_66 = arith.addf %add3A_61, %add3A_65 : vector<1792x64xf32>
    %max3A_67 = arith.constant 0.000000e+00 : f32
    %max3A_68 = vector.broadcast %max3A_67 : f32 to vector<1792x64xf32>
    %max3A_69 = arith.maximumf %add3A_66, %max3A_68 : vector<1792x64xf32>
    %get3A_70 = arith.constant 0 : index
    %get3A_71 = arith.constant 0 : index
    %get3A_72 = vector.load %arg8[%get3A_70, %get3A_71] : memref<64x1xf32, #tpu.memory_space<vmem>>, vector<64x1xf32>
    %dot_general3A_73 = arith.constant dense<0.000000e+00> : vector<1792x1xf32>
    %dot_general3A_74 = tpu.matmul %max3A_69, %get3A_72, %dot_general3A_73 {dimension_numbers = #tpu.dot_dimension_numbers<[1], [0], [0], [1], [0, 0, 1, 1], [], []>, transpose_lhs_hint = false} : vector<1792x64xf32>, vector<64x1xf32>, vector<1792x1xf32> -> vector<1792x1xf32>
    %get3A_75 = arith.constant 0 : index
    %get3A_76 = arith.constant 0 : index
    %get3A_77 = vector.load %arg9[%get3A_75, %get3A_76] : memref<1x1xf32, #tpu.memory_space<vmem>>, vector<1x1xf32>
    %add3A_78 = vector.broadcast %get3A_77 : vector<1x1xf32> to vector<1792x1xf32>
    %add3A_79 = arith.addf %dot_general3A_74, %add3A_78 : vector<1792x1xf32>
    %swap3A_80 = arith.constant 0 : index
    %swap3A_81 = arith.constant 0 : index
    %swap3A_82 = vector.load %arg17[%swap3A_80, %swap3A_81] : memref<1792x1xf32, #tpu.memory_space<vmem>>, vector<1792x1xf32>
    tpu.vector_store %arg17[%swap3A_80, %swap3A_81], %add3A_79 {strides = array<i32>} : memref<1792x1xf32, #tpu.memory_space<vmem>>, vector<1792x1xf32>,
    %get3A_83 = arith.constant 0 : index
    %get3A_84 = arith.constant 0 : index
    %get3A_85 = arith.constant 0 : index
    %get3A_86 = vector.load %arg15[%get3A_83, %get3A_84, %get3A_85] : memref<1x1x1792xi32, #tpu.memory_space<vmem>>, vector<1x1x1792xi32>
    %get3A_87 = vector.shape_cast %get3A_86 : vector<1x1x1792xi32> to vector<1x1792xi32>
    %iota3A = tpu.iota {dimensions = array<i32: 0>} : vector<8x1792xi32>
    %eq3A = vector.broadcast %get3A_87 : vector<1x1792xi32> to vector<8x1792xi32>
    %eq3A_88 = arith.cmpi eq, %eq3A, %iota3A : vector<8x1792xi32>
    %convert_element_type3A = arith.extui %eq3A_88 : vector<8x1792xi1> to vector<8x1792xi32>
    %convert_element_type3A_89 = arith.sitofp %convert_element_type3A : vector<8x1792xi32> to vector<8x1792xf32>
    %dot_general3A_90 = arith.constant dense<0.000000e+00> : vector<8x32xf32>
    %dot_general3A_91 = tpu.matmul %convert_element_type3A_89, %max3A_19, %dot_general3A_90 {dimension_numbers = #tpu.dot_dimension_numbers<[1], [0], [0], [1], [0, 0, 1, 1], [], []>, transpose_lhs_hint = false} : vector<8x1792xf32>, vector<1792x32xf32>, vector<8x32xf32> -> vector<8x32xf32>
    %dot_general3A_92 = arith.constant dense<0.000000e+00> : vector<8x32xf32>
    %dot_general3A_93 = tpu.matmul %convert_element_type3A_89, %max3A_40, %dot_general3A_92 {dimension_numbers = #tpu.dot_dimension_numbers<[1], [0], [0], [1], [0, 0, 1, 1], [], []>, transpose_lhs_hint = false} : vector<8x1792xf32>, vector<1792x32xf32>, vector<8x32xf32> -> vector<8x32xf32>
    %reduce_sum3A = arith.constant dense<0.000000e+00> : vector<8xf32>
    %reduce_sum3A_94 = vector.multi_reduction <add>, %convert_element_type3A_89, %reduce_sum3A [1] : vector<8x1792xf32> to vector<8xf32>
    %broadcast_in_dim3A = vector.shape_cast %reduce_sum3A_94 : vector<8xf32> to vector<8x1xf32>
    %eq3A_95 = arith.constant 0 : i32
    %eq3A_96 = arith.cmpi eq, %arg0, %eq3A_95 : i32
    %convert_element_type3A_97 = arith.extui %eq3A_96 : i1 to i32
    %cond3A = arith.constant 0 : i32
    %cond3A_98 = arith.cmpi ne, %convert_element_type3A_97, %cond3A : i32
    scf.if %cond3A_98 {
      %swap3A_108 = arith.constant 0 : index
      %swap3A_109 = arith.constant 0 : index
      %swap3A_110 = arith.constant 0 : index
      %swap3A_111 = vector.load %arg20[%swap3A_108, %swap3A_109, %swap3A_110] : memref<2x8x32xf32, #tpu.memory_space<vmem>>, vector<1x8x32xf32>
      %swap3A_112 = vector.shape_cast %swap3A_111 : vector<1x8x32xf32> to vector<8x32xf32>
      %swap3A_113 = vector.shape_cast %dot_general3A_91 : vector<8x32xf32> to vector<1x8x32xf32>
      tpu.vector_store %arg20[%swap3A_108, %swap3A_109, %swap3A_110], %swap3A_113 {strides = array<i32>} : memref<2x8x32xf32, #tpu.memory_space<vmem>>, vector<1x8x32xf32>,
      %swap3A_114 = arith.constant 1 : index
      %swap3A_115 = arith.constant 0 : index
      %swap3A_116 = arith.constant 0 : index
      %swap3A_117 = vector.load %arg20[%swap3A_114, %swap3A_115, %swap3A_116] : memref<2x8x32xf32, #tpu.memory_space<vmem>>, vector<1x8x32xf32>
      %swap3A_118 = vector.shape_cast %swap3A_117 : vector<1x8x32xf32> to vector<8x32xf32>
      %swap3A_119 = vector.shape_cast %dot_general3A_93 : vector<8x32xf32> to vector<1x8x32xf32>
      tpu.vector_store %arg20[%swap3A_114, %swap3A_115, %swap3A_116], %swap3A_119 {strides = array<i32>} : memref<2x8x32xf32, #tpu.memory_space<vmem>>, vector<1x8x32xf32>,
      %swap3A_120 = arith.constant 0 : index
      %swap3A_121 = arith.constant 0 : index
      %swap3A_122 = vector.load %arg21[%swap3A_120, %swap3A_121] : memref<8x1xf32, #tpu.memory_space<vmem>>, vector<8x1xf32>
      tpu.vector_store %arg21[%swap3A_120, %swap3A_121], %broadcast_in_dim3A {strides = array<i32>} : memref<8x1xf32, #tpu.memory_space<vmem>>, vector<8x1xf32>,
    } else {
    }
    %gt3A = arith.constant 0 : i32
    %gt3A_99 = arith.cmpi sgt, %arg0, %gt3A : i32
    %convert_element_type3A_100 = arith.extui %gt3A_99 : i1 to i32
    %cond3A_101 = arith.constant 0 : i32
    %cond3A_102 = arith.cmpi ne, %convert_element_type3A_100, %cond3A_101 : i32
    scf.if %cond3A_102 {
      %get3A_108 = arith.constant 0 : index
      %get3A_109 = arith.constant 0 : index
      %get3A_110 = arith.constant 0 : index
      %get3A_111 = vector.load %arg20[%get3A_108, %get3A_109, %get3A_110] : memref<2x8x32xf32, #tpu.memory_space<vmem>>, vector<1x8x32xf32>
      %get3A_112 = vector.shape_cast %get3A_111 : vector<1x8x32xf32> to vector<8x32xf32>
      %add3A_113 = arith.addf %get3A_112, %dot_general3A_91 : vector<8x32xf32>
      %swap3A_114 = arith.constant 0 : index
      %swap3A_115 = arith.constant 0 : index
      %swap3A_116 = arith.constant 0 : index
      %swap3A_117 = vector.load %arg20[%swap3A_114, %swap3A_115, %swap3A_116] : memref<2x8x32xf32, #tpu.memory_space<vmem>>, vector<1x8x32xf32>
      %swap3A_118 = vector.shape_cast %swap3A_117 : vector<1x8x32xf32> to vector<8x32xf32>
      %swap3A_119 = vector.shape_cast %add3A_113 : vector<8x32xf32> to vector<1x8x32xf32>
      tpu.vector_store %arg20[%swap3A_114, %swap3A_115, %swap3A_116], %swap3A_119 {strides = array<i32>} : memref<2x8x32xf32, #tpu.memory_space<vmem>>, vector<1x8x32xf32>,
      %get3A_120 = arith.constant 1 : index
      %get3A_121 = arith.constant 0 : index
      %get3A_122 = arith.constant 0 : index
      %get3A_123 = vector.load %arg20[%get3A_120, %get3A_121, %get3A_122] : memref<2x8x32xf32, #tpu.memory_space<vmem>>, vector<1x8x32xf32>
      %get3A_124 = vector.shape_cast %get3A_123 : vector<1x8x32xf32> to vector<8x32xf32>
      %add3A_125 = arith.addf %get3A_124, %dot_general3A_93 : vector<8x32xf32>
      %swap3A_126 = arith.constant 1 : index
      %swap3A_127 = arith.constant 0 : index
      %swap3A_128 = arith.constant 0 : index
      %swap3A_129 = vector.load %arg20[%swap3A_126, %swap3A_127, %swap3A_128] : memref<2x8x32xf32, #tpu.memory_space<vmem>>, vector<1x8x32xf32>
      %swap3A_130 = vector.shape_cast %swap3A_129 : vector<1x8x32xf32> to vector<8x32xf32>
      %swap3A_131 = vector.shape_cast %add3A_125 : vector<8x32xf32> to vector<1x8x32xf32>
      tpu.vector_store %arg20[%swap3A_126, %swap3A_127, %swap3A_128], %swap3A_131 {strides = array<i32>} : memref<2x8x32xf32, #tpu.memory_space<vmem>>, vector<1x8x32xf32>,
      %get3A_132 = arith.constant 0 : index
      %get3A_133 = arith.constant 0 : index
      %get3A_134 = vector.load %arg21[%get3A_132, %get3A_133] : memref<8x1xf32, #tpu.memory_space<vmem>>, vector<8x1xf32>
      %add3A_135 = arith.addf %get3A_134, %broadcast_in_dim3A : vector<8x1xf32>
      %swap3A_136 = arith.constant 0 : index
      %swap3A_137 = arith.constant 0 : index
      %swap3A_138 = vector.load %arg21[%swap3A_136, %swap3A_137] : memref<8x1xf32, #tpu.memory_space<vmem>>, vector<8x1xf32>
      tpu.vector_store %arg21[%swap3A_136, %swap3A_137], %add3A_135 {strides = array<i32>} : memref<8x1xf32, #tpu.memory_space<vmem>>, vector<8x1xf32>,
    } else {
    }
    %eq3A_103 = arith.constant 27 : i32
    %eq3A_104 = arith.cmpi eq, %arg0, %eq3A_103 : i32
    %convert_element_type3A_105 = arith.extui %eq3A_104 : i1 to i32
    %cond3A_106 = arith.constant 0 : i32
    %cond3A_107 = arith.cmpi ne, %convert_element_type3A_105, %cond3A_106 : i32
    scf.if %cond3A_107 {
      %get3A_108 = arith.constant 0 : index
      %get3A_109 = arith.constant 0 : index
      %get3A_110 = vector.load %arg21[%get3A_108, %get3A_109] : memref<8x1xf32, #tpu.memory_space<vmem>>, vector<8x1xf32>
      %max3A_111 = arith.constant 1.000000e+00 : f32
      %max3A_112 = vector.broadcast %max3A_111 : f32 to vector<8x1xf32>
      %max3A_113 = arith.maximumf %get3A_110, %max3A_112 : vector<8x1xf32>
      %div3A = arith.constant 1.000000e+00 : f32
      %div3A_114 = vector.broadcast %div3A : f32 to vector<8x1xf32>
      %div3A_115 = arith.divf %div3A_114, %max3A_113 : vector<8x1xf32>
      %get3A_116 = arith.constant 0 : index
      %get3A_117 = arith.constant 0 : index
      %get3A_118 = arith.constant 0 : index
      %get3A_119 = vector.load %arg20[%get3A_116, %get3A_117, %get3A_118] : memref<2x8x32xf32, #tpu.memory_space<vmem>>, vector<1x8x32xf32>
      %get3A_120 = vector.shape_cast %get3A_119 : vector<1x8x32xf32> to vector<8x32xf32>
      %mul3A_121 = vector.broadcast %div3A_115 : vector<8x1xf32> to vector<8x32xf32>
      %mul3A_122 = arith.mulf %get3A_120, %mul3A_121 : vector<8x32xf32>
      %get3A_123 = arith.constant 1 : index
      %get3A_124 = arith.constant 0 : index
      %get3A_125 = arith.constant 0 : index
      %get3A_126 = vector.load %arg20[%get3A_123, %get3A_124, %get3A_125] : memref<2x8x32xf32, #tpu.memory_space<vmem>>, vector<1x8x32xf32>
      %get3A_127 = vector.shape_cast %get3A_126 : vector<1x8x32xf32> to vector<8x32xf32>
      %mul3A_128 = vector.broadcast %div3A_115 : vector<8x1xf32> to vector<8x32xf32>
      %mul3A_129 = arith.mulf %get3A_127, %mul3A_128 : vector<8x32xf32>
      %swap3A_130 = arith.constant 0 : index
      %swap3A_131 = arith.constant 0 : index
      %swap3A_132 = arith.constant 0 : index
      %swap3A_133 = vector.load %arg18[%swap3A_130, %swap3A_131, %swap3A_132] : memref<2x8x32xf32, #tpu.memory_space<vmem>>, vector<1x8x32xf32>
      %swap3A_134 = vector.shape_cast %swap3A_133 : vector<1x8x32xf32> to vector<8x32xf32>
      %swap3A_135 = vector.shape_cast %mul3A_122 : vector<8x32xf32> to vector<1x8x32xf32>
      tpu.vector_store %arg18[%swap3A_130, %swap3A_131, %swap3A_132], %swap3A_135 {strides = array<i32>} : memref<2x8x32xf32, #tpu.memory_space<vmem>>, vector<1x8x32xf32>,
      %swap3A_136 = arith.constant 1 : index
      %swap3A_137 = arith.constant 0 : index
      %swap3A_138 = arith.constant 0 : index
      %swap3A_139 = vector.load %arg18[%swap3A_136, %swap3A_137, %swap3A_138] : memref<2x8x32xf32, #tpu.memory_space<vmem>>, vector<1x8x32xf32>
      %swap3A_140 = vector.shape_cast %swap3A_139 : vector<1x8x32xf32> to vector<8x32xf32>
      %swap3A_141 = vector.shape_cast %mul3A_129 : vector<8x32xf32> to vector<1x8x32xf32>
      tpu.vector_store %arg18[%swap3A_136, %swap3A_137, %swap3A_138], %swap3A_141 {strides = array<i32>} : memref<2x8x32xf32, #tpu.memory_space<vmem>>, vector<1x8x32xf32>,
      %get3A_142 = arith.constant 0 : index
      %get3A_143 = arith.constant 0 : index
      %get3A_144 = vector.load %arg10[%get3A_142, %get3A_143] : memref<32x64xf32, #tpu.memory_space<vmem>>, vector<32x64xf32>
      %dot_general3A_145 = arith.constant dense<0.000000e+00> : vector<8x64xf32>
      %dot_general3A_146 = tpu.matmul %mul3A_122, %get3A_144, %dot_general3A_145 {dimension_numbers = #tpu.dot_dimension_numbers<[1], [0], [0], [1], [0, 0, 1, 1], [], []>, transpose_lhs_hint = false} : vector<8x32xf32>, vector<32x64xf32>, vector<8x64xf32> -> vector<8x64xf32>
      %get3A_147 = arith.constant 0 : index
      %get3A_148 = arith.constant 0 : index
      %get3A_149 = vector.load %arg11[%get3A_147, %get3A_148] : memref<32x64xf32, #tpu.memory_space<vmem>>, vector<32x64xf32>
      %dot_general3A_150 = arith.constant dense<0.000000e+00> : vector<8x64xf32>
      %dot_general3A_151 = tpu.matmul %mul3A_129, %get3A_149, %dot_general3A_150 {dimension_numbers = #tpu.dot_dimension_numbers<[1], [0], [0], [1], [0, 0, 1, 1], [], []>, transpose_lhs_hint = false} : vector<8x32xf32>, vector<32x64xf32>, vector<8x64xf32> -> vector<8x64xf32>
      %add3A_152 = arith.addf %dot_general3A_146, %dot_general3A_151 : vector<8x64xf32>
      %get3A_153 = arith.constant 0 : index
      %get3A_154 = arith.constant 0 : index
      %get3A_155 = vector.load %arg12[%get3A_153, %get3A_154] : memref<1x64xf32, #tpu.memory_space<vmem>>, vector<1x64xf32>
      %add3A_156 = vector.broadcast %get3A_155 : vector<1x64xf32> to vector<8x64xf32>
      %add3A_157 = arith.addf %add3A_152, %add3A_156 : vector<8x64xf32>
      %max3A_158 = arith.constant 0.000000e+00 : f32
      %max3A_159 = vector.broadcast %max3A_158 : f32 to vector<8x64xf32>
      %max3A_160 = arith.maximumf %add3A_157, %max3A_159 : vector<8x64xf32>
      %get3A_161 = arith.constant 0 : index
      %get3A_162 = arith.constant 0 : index
      %get3A_163 = vector.load %arg13[%get3A_161, %get3A_162] : memref<64x1xf32, #tpu.memory_space<vmem>>, vector<64x1xf32>
      %dot_general3A_164 = arith.constant dense<0.000000e+00> : vector<8x1xf32>
      %dot_general3A_165 = tpu.matmul %max3A_160, %get3A_163, %dot_general3A_164 {dimension_numbers = #tpu.dot_dimension_numbers<[1], [0], [0], [1], [0, 0, 1, 1], [], []>, transpose_lhs_hint = false} : vector<8x64xf32>, vector<64x1xf32>, vector<8x1xf32> -> vector<8x1xf32>
      %get3A_166 = arith.constant 0 : index
      %get3A_167 = arith.constant 0 : index
      %get3A_168 = vector.load %arg14[%get3A_166, %get3A_167] : memref<1x1xf32, #tpu.memory_space<vmem>>, vector<1x1xf32>
      %add3A_169 = vector.broadcast %get3A_168 : vector<1x1xf32> to vector<8x1xf32>
      %add3A_170 = arith.addf %dot_general3A_165, %add3A_169 : vector<8x1xf32>
      %swap3A_171 = arith.constant 0 : index
      %swap3A_172 = arith.constant 0 : index
      %swap3A_173 = vector.load %arg19[%swap3A_171, %swap3A_172] : memref<8x1xf32, #tpu.memory_space<vmem>>, vector<8x1xf32>
      tpu.vector_store %arg19[%swap3A_171, %swap3A_172], %add3A_170 {strides = array<i32>} : memref<8x1xf32, #tpu.memory_space<vmem>>, vector<8x1xf32>,
    } else {
    }
    return
  }
  func.func @transform_0(%arg0: i32) -> (i32, i32, i32) {
    %c0_i32 = arith.constant 0 : i32
    %c0_i32_0 = arith.constant 0 : i32
    %c0_i32_1 = arith.constant 0 : i32
    return %c0_i32, %arg0, %c0_i32_0 : i32, i32, i32
  }
  func.func @transform_1(%arg0: i32) -> (i32, i32, i32) {
    %c0_i32 = arith.constant 0 : i32
    %c0_i32_0 = arith.constant 0 : i32
    %c0_i32_1 = arith.constant 0 : i32
    return %c0_i32, %arg0, %c0_i32_0 : i32, i32, i32
  }
  func.func @transform_2(%arg0: i32) -> (i32, i32) {
    %c0_i32 = arith.constant 0 : i32
    %c0_i32_0 = arith.constant 0 : i32
    return %arg0, %c0_i32 : i32, i32
  }
  func.func @transform_3(%arg0: i32) -> (i32, i32) {
    %c0_i32 = arith.constant 0 : i32
    %c0_i32_0 = arith.constant 0 : i32
    %c0_i32_1 = arith.constant 0 : i32
    return %c0_i32, %c0_i32_0 : i32, i32
  }
  func.func @transform_4(%arg0: i32) -> (i32, i32) {
    %c0_i32 = arith.constant 0 : i32
    %c0_i32_0 = arith.constant 0 : i32
    %c0_i32_1 = arith.constant 0 : i32
    return %c0_i32, %c0_i32_0 : i32, i32
  }
  func.func @transform_5(%arg0: i32) -> (i32, i32) {
    %c0_i32 = arith.constant 0 : i32
    %c0_i32_0 = arith.constant 0 : i32
    %c0_i32_1 = arith.constant 0 : i32
    return %c0_i32, %c0_i32_0 : i32, i32
  }
  func.func @transform_6(%arg0: i32) -> (i32, i32) {
    %c0_i32 = arith.constant 0 : i32
    %c0_i32_0 = arith.constant 0 : i32
    %c0_i32_1 = arith.constant 0 : i32
    return %c0_i32, %c0_i32_0 : i32, i32
  }
  func.func @transform_7(%arg0: i32) -> (i32, i32) {
    %c0_i32 = arith.constant 0 : i32
    %c0_i32_0 = arith.constant 0 : i32
    %c0_i32_1 = arith.constant 0 : i32
    return %c0_i32, %c0_i32_0 : i32, i32
  }
  func.func @transform_8(%arg0: i32) -> (i32, i32) {
    %c0_i32 = arith.constant 0 : i32
    %c0_i32_0 = arith.constant 0 : i32
    %c0_i32_1 = arith.constant 0 : i32
    return %c0_i32, %c0_i32_0 : i32, i32
  }
  func.func @transform_9(%arg0: i32) -> (i32, i32) {
    %c0_i32 = arith.constant 0 : i32
    %c0_i32_0 = arith.constant 0 : i32
    %c0_i32_1 = arith.constant 0 : i32
    return %c0_i32, %c0_i32_0 : i32, i32
  }
  func.func @transform_10(%arg0: i32) -> (i32, i32) {
    %c0_i32 = arith.constant 0 : i32
    %c0_i32_0 = arith.constant 0 : i32
    %c0_i32_1 = arith.constant 0 : i32
    return %c0_i32, %c0_i32_0 : i32, i32
  }
  func.func @transform_11(%arg0: i32) -> (i32, i32) {
    %c0_i32 = arith.constant 0 : i32
    %c0_i32_0 = arith.constant 0 : i32
    %c0_i32_1 = arith.constant 0 : i32
    return %c0_i32, %c0_i32_0 : i32, i32
  }
  func.func @transform_12(%arg0: i32) -> (i32, i32) {
    %c0_i32 = arith.constant 0 : i32
    %c0_i32_0 = arith.constant 0 : i32
    %c0_i32_1 = arith.constant 0 : i32
    return %c0_i32, %c0_i32_0 : i32, i32
  }
  func.func @transform_13(%arg0: i32) -> (i32, i32) {
    %c0_i32 = arith.constant 0 : i32
    %c0_i32_0 = arith.constant 0 : i32
    %c0_i32_1 = arith.constant 0 : i32
    return %c0_i32, %c0_i32_0 : i32, i32
  }
  func.func @transform_14(%arg0: i32) -> (i32, i32, i32) {
    %c0_i32 = arith.constant 0 : i32
    %c0_i32_0 = arith.constant 0 : i32
    %c0_i32_1 = arith.constant 0 : i32
    return %arg0, %c0_i32, %c0_i32_0 : i32, i32, i32
  }
  func.func @transform_15(%arg0: i32) -> (i32, i32, i32) {
    %c0_i32 = arith.constant 0 : i32
    %c0_i32_0 = arith.constant 0 : i32
    %c0_i32_1 = arith.constant 0 : i32
    return %c0_i32, %arg0, %c0_i32_0 : i32, i32, i32
  }
  func.func @transform_16(%arg0: i32) -> (i32, i32) {
    %c0_i32 = arith.constant 0 : i32
    %c0_i32_0 = arith.constant 0 : i32
    return %arg0, %c0_i32 : i32, i32
  }
  func.func @transform_17(%arg0: i32) -> (i32, i32, i32) {
    %c0_i32 = arith.constant 0 : i32
    %c0_i32_0 = arith.constant 0 : i32
    %c0_i32_1 = arith.constant 0 : i32
    %c0_i32_2 = arith.constant 0 : i32
    return %c0_i32, %c0_i32_0, %c0_i32_1 : i32, i32, i32
  }
  func.func @transform_18(%arg0: i32) -> (i32, i32) {
    %c0_i32 = arith.constant 0 : i32
    %c0_i32_0 = arith.constant 0 : i32
    %c0_i32_1 = arith.constant 0 : i32
    return %c0_i32, %c0_i32_0 : i32, i32
  }
}

</mosaic_0001>

<sc_bundles>
// kernel: kernel.10.cloned.1.call-start
scs
__scs_entry_jumppad:
0x0: {  	(pc) =	sbr.rel $0x88, $3  }
0x1: {  	(tag) =	ssettag $0x0;
	lr =	simm.s32 $0x1  }
0x2: {  	[smem:$0x3F8E] =	sst lr;
	_ =	strace $0xD0000000  }
0x3: {  	_ = 	snop  }
0x4: {  	_ = 	snop  }
0x5: {  	_ = 	snop  }
0x6: {  	_ = 	snop  }
0x7: {  	_ = 	snop  }
__scs_overlays_trampoline_lowered:
0x8: {  	[smem:$0x3F9D] =	sst s0  }
0x9: {  	[smem:$0x3F9E] =	sst s1  }
0xa: {  	[smem:$0x3F9F] =	sst s2  }
0xb: {  	[smem:$0x3FA0] =	sst s3  }
0xc: {  	[smem:$0x3FA1] =	sst s4  }
0xd: {  	[smem:$0x3FA2] =	sst s5  }
0xe: {  	[smem:$0x3FA3] =	sst s6  }
0xf: {  	[smem:$0x3FA4] =	sst s7  }
0x10: {  	[smem:$0x3FA5] =	sst s8  }
0x11: {  	[smem:$0x3FA6] =	sst s9;
	s0 =	simm.s32 @!p0 $0x0  }
0x12: {  	s1 =	sld [smem:$0x3F8C];
	s0 =	simm.s32 @p0 $0x1  }
0x13: {  	[smem:$0x3FA7] =	sst s0;
	s0 =	simm.s32 @!p1 $0x0  }
0x14: {  	s2 =	sld [smem:$0x3F8B];
	s0 =	simm.s32 @p1 $0x1  }
0x15: {  	[smem:$0x3FA8] =	sst s0;
	s0 =	simm.s32 @!p2 $0x0  }
0x16: {  	s3 =	sld [smem:$0x3FDB];
	s0 =	simm.s32 @p2 $0x1  }
0x17: {  	s4 =	simm.s32 $0x1BF5;
	[smem:$0x3FAA] =	sst s0  }
0x18: {  	s0 =	sld [smem:$0x3F8D];
	_ =	swait.ge [sflag:s4], $0x0  }
0x19: {  	s7 =	sld [smem:$0x3F8E]  }
0x1a: {  	s8 =	sadd.s32 $0xFFFFE003, lr  }
0x1b: {  	s9 =	sadd.s32 $0xFFFFFEF7, lr;
	s5 =	simm.s32 $0xFFFFFFFF;
	p2 =	slt.u32 s8, $0xFFFFF086  }
0x1c: {  	p1 =	slt.u32 s9, $0xF7A;
	s5 =	simm.s32 @!p2 $0x0  }
0x1d: {  	s5 =	simm.s32 @p1 $0x1;
	p0 =	seq.s32 s7, s2  }
0x1e: {  	s7 =	smul.u32 @!p0 $0xF7A, s2;
	p2 =	seq.s32 @!p0 s5, $0x0  }
0x1f: {  	s9 =	smul.u32 $0xF7A, s1;
	s8 =	simm.s32 @!p0 $0x1BF5;
	p2 =	por !p2, p0  }
0x20: {  	[sflag:s8] =	ssyncset.s32 @!p0 $0xFFFFF086;
	s6 =	sadd.s32 @!p0 s3, s7;
	s7 =	simm.s32 @!p0 $0x108  }
0x21: {  	s3 =	sadd.s32 s3, s9;
	s6 =	sadd.s32 @!p0 $0x88, s6;
	s7 =	simm.s32 @p2 $0x1082  }
0x22: {  	[simem:s7], [sflag:s8] =	dma.local @!p0 [hbm:s6], $0xF7A  }
0x23: {  	s9 =	sor.u32 $0xD0000000, s2;
	s6 =	simm.s32 $0x108;
	_ =	swait.ge @!p0 [sflag:s8], $0x0  }
0x24: {  	s3 =	sadd.s32 $0x88, s3;
	s6 =	simm.s32 @!p1 $0x1082;
	[sflag:s4] =	ssyncset.s32 $0xFFFFF086  }
0x25: {  	[simem:s6], [sflag:s4] =	dma.local [hbm:s3], $0xF7A  }
0x26: {  	[smem:$0x3F8E] =	sst s1;
	(tag) =	ssettag s2;
	_ =	strace s9  }
0x27: {  	s1 =	sld [smem:$0x3F9E]  }
0x28: {  	s2 =	sld [smem:$0x3F9F]  }
0x29: {  	s4 =	sld [smem:$0x3FA1]  }
0x2a: {  	p0 =	seq.s32 s5, $0x0;
	s5 =	sld [smem:$0x3FA2]  }
0x2b: {  	s6 =	sld [smem:$0x3FA3]  }
0x2c: {  	s7 =	sld [smem:$0x3FA4]  }
0x2d: {  	s3 =	simm.s32 $0x108;
	s8 =	sld [smem:$0x3FA5]  }
0x2e: {  	s3 =	simm.s32 @!p0 $0x1082;
	s9 =	sld [smem:$0x3FA6]  }
0x2f: {  	lr =	sadd.s32 s0, s3;
	s0 =	sld [smem:$0x3F9D]  }
0x30: {  	s3 =	sld [smem:$0x3FA0]  }
0x31: {  	[smem:$0x3FA9] =	sst s10  }
0x32: {  	s10 =	sld [smem:$0x3FA7];
	_ =	sdelay $0x3  }
0x33: {  	p0 =	seq.s32 s10, $0x1;
	s10 =	sld [smem:$0x3FA9];
	_ =	sdelay $0x3  }
0x34: {  	[smem:$0x3FA9] =	sst s10  }
0x35: {  	s10 =	sld [smem:$0x3FA8];
	_ =	sdelay $0x3  }
0x36: {  	p1 =	seq.s32 s10, $0x1;
	s10 =	sld [smem:$0x3FA9];
	_ =	sdelay $0x3  }
0x37: {  	[smem:$0x3FA9] =	sst s10  }
0x38: {  	s10 =	sld [smem:$0x3FAA]  }
0x39: {  	_ = 	snop;
	(pc) =	sbr.ind lr, $3  }
0x3a: {  	_ = 	snop  }
0x3b: {  	_ = 	snop  }
0x3c: {  	p2 =	seq.s32 s10, $0x1;
	s10 =	sld [smem:$0x3FA9]  }
0x3d: {  	_ =	shalt  }
0x3e: {  	_ =	shalt  }
0x3f: {  	_ =	shalt  }
0x40: {  	_ =	shalt  }
0x41: {  	_ =	shalt  }
0x42: {  	_ =	shalt  }
0x43: {  	_ =	shalt  }
0x44: {  	_ =	shalt  }
0x45: {  	_ =	shalt  }
0x46: {  	_ =	shalt  }
0x47: {  	_ =	shalt  }
0x48: {  	_ =	shalt  }
0x49: {  	_ =	shalt  }
0x4a: {  	_ =	shalt  }
0x4b: {  	_ =	shalt  }
0x4c: {  	_ =	shalt  }
0x4d: {  	_ =	shalt  }
0x4e: {  	_ =	shalt  }
0x4f: {  	_ =	shalt  }
0x50: {  	_ =	shalt  }
0x51: {  	_ =	shalt  }
0x52: {  	_ =	shalt  }
0x53: {  	_ =	shalt  }
0x54: {  	_ =	shalt  }
0x55: {  	_ =	shalt  }
0x56: {  	_ =	shalt  }
0x57: {  	_ =	shalt  }
0x58: {  	_ =	shalt  }
0x59: {  	_ =	shalt  }
0x5a: {  	_ =	shalt  }
0x5b: {  	_ =	shalt  }
0x5c: {  	_ =	shalt  }
0x5d: {  	_ =	shalt  }
0x5e: {  	_ =	shalt  }
0x5f: {  	_ =	shalt  }
0x60: {  	_ =	shalt  }
0x61: {  	_ =	shalt  }
0x62: {  	_ =	shalt  }
0x63: {  	_ =	shalt  }
0x64: {  	_ =	shalt  }
0x65: {  	_ =	shalt  }
0x66: {  	_ =	shalt  }
0x67: {  	_ =	shalt  }
0x68: {  	_ =	shalt  }
0x69: {  	_ =	shalt  }
0x6a: {  	_ =	shalt  }
0x6b: {  	_ =	shalt  }
0x6c: {  	_ =	shalt  }
0x6d: {  	_ =	shalt  }
0x6e: {  	_ =	shalt  }
0x6f: {  	_ =	shalt  }
0x70: {  	_ =	shalt  }
0x71: {  	_ =	shalt  }
0x72: {  	_ =	shalt  }
0x73: {  	_ =	shalt  }
0x74: {  	_ =	shalt  }
0x75: {  	_ =	shalt  }
0x76: {  	_ =	shalt  }
0x77: {  	_ =	shalt  }
0x78: {  	_ =	shalt  }
0x79: {  	_ =	shalt  }
0x7a: {  	_ =	shalt  }
0x7b: {  	_ =	shalt  }
0x7c: {  	_ =	shalt  }
0x7d: {  	_ =	shalt  }
0x7e: {  	_ =	shalt  }
0x7f: {  	_ =	shalt  }
0x80: {  	_ =	shalt  }
0x81: {  	_ =	shalt  }
0x82: {  	_ =	shalt  }
0x83: {  	_ =	shalt  }
0x84: {  	_ =	shalt  }
0x85: {  	_ =	shalt  }
0x86: {  	_ =	shalt  }
0x87: {  	_ =	shalt  }
.Lfunc_end0:
.L_simem_size_0:
called_computation_lowered:
.L_overlay_start_0:
0x88: {  	s2 =	sld [smem:$0x3FD9]  }
0x89: {  	s3 =	sld [smem:$0x3FFE];
	_ =	sdelay $0x1  }
0x8a: {  	s1 =	srdreg.scid  }
0x8b: {  	s0 =	sand.u32 $0x1, s1  }
0x8c: {  	s14 =	sshll.u32 s0, $0xA;
	s2 =	sadd.s32 s3, s2  }
0x8d: {  	s2 =	sadd.s32 s2, s14  }
0x8e: {  	[smem:$0x3FB5] =	sst s2  }
0x8f: {  	_ = 	snop  }
0x90: {  	s2 =	sld [smem:$0x3FD0];
	_ =	sdelay $0x2  }
0x91: {  	s15 =	simm.s32 $0xA;
	s4 =	simm.s32 $0x10  }
0x92: {  	[smem:s4], [sflag:s15] =	dma.local [hbm:s2], $0x1  }
0x93: {  	_ =	swait.eq [sflag:s15], $0x1  }
0x94: {  	[sflag:s15] =	ssyncset.done $0x0  }
0x95: {  	[sflag:s15] =	ssyncadd.s32 $0xFFFFFFFF  }
0x96: {  	s16 =	sld [smem:$0x10];
	(tm) =	ssettm $0x1  }
0x97: {  	s17 =	sld [smem:$0x3FFB];
	_ =	sdelay $0x3  }
0x98: {  	_ =	strace s17  }
0x99: {  	s3 =	sld [smem:$0x3FFC];
	_ =	sdelay $0x3  }
0x9a: {  	_ =	strace s3  }
0x9b: {  	s3 =	sld [smem:$0x3FFD];
	_ =	sdelay $0x3  }
0x9c: {  	_ =	strace s3  }
0x9d: {  	_ =	strace $0x8FFFFFFF  }
0x9e: {  	s18 =	sld [smem:$0x3FDB];
	_ =	sdelay $0x1  }
0x9f: {  	s19 =	simm.s32 $_scs_section_size  }
0xa0: {  	s5 =	simm.s32 $_size__tile_overlayer_lowered;
	s6 =	simm.s32 $_tile_overlayer_lowered  }
0xa1: {  	s22 =	simm.s32 $0x1BFF;
	s21 =	sshll.u32 s6, $0x1;
	s3 =	sadd.s32 s19, s18  }
0xa2: {  	s7 =	simm.s32 $0x0;
	s20 =	sshll.u32 s5, $0x1;
	s5 =	sadd.s32 s21, s3  }
0xa3: {  	[timem:s7], [sflag:s22] =	dma.local [hbm:s5], s20  }
0xa4: {  	_ =	swait.ge [sflag:s22], s20  }
0xa5: {  	s4 =	ssub.s32 $0x0, s20;
	[sflag:s22] =	ssyncset.done $0x0  }
0xa6: {  	[sflag:s22] =	ssyncadd.s32 s4;
	_ =	sdelay $0x1  }
0xa7: {  	s23 =	simm.s32 $0x1B8B  }
0xa8: {  	_ =	swait.ge [sflag:s23], $0x1  }
0xa9: {  	[sflag:s23] =	ssyncset.done $0x0  }
0xaa: {  	s25 =	simm.s32 $0x1B8E;
	s24 =	sld [smem:$0x3FFE];
	[sflag:s23] =	ssyncadd.s32 $0xFFFFFFFF  }
0xab: {  	s26 =	simm.s32 $execute0_lowered;
	[smem:$0x3FD2] =	sst s25  }
0xac: {  	s5 =	sshll.u32 s26, $0x1;
	_ =	strace $0x80000046;
	[dreg:$0x1] =	wrdreg $0xFFFFFFFF  }
0xad: {  	s28 =	simm.s32 $_size_execute0_lowered;
	s3 =	sadd.s32 s3, s5;
	[dreg:$0x0] =	wrdreg $0x0  }
0xae: {  	s5 =	sshll.u32 s28, $0x1;
	[dreg:$0x2] =	wrdreg s3  }
0xaf: {  	[dreg:$0x3] =	wrdreg s5  }
0xb0: {  	[dreg:$0x4] =	wrdreg $0xC0  }
0xb1: {  	_ =	task [dreg:s7], $0x5FFFF  }
0xb2: {  	[dreg:$0x1] =	wrdreg $0xFFFFFFFF  }
0xb3: {  	[dreg:$0x0] =	wrdreg $0x60  }
0xb4: {  	[dreg:$0x2] =	wrdreg s24  }
0xb5: {  	[dreg:$0x3] =	wrdreg s16  }
0xb6: {  	[dreg:$0x4] =	wrdreg $0x0  }
0xb7: {  	[dreg:$0x5] =	wrdreg $0x9  }
0xb8: {  	_ =	task.clear_ibuf [dreg:s7], $0x6FFFF;
	_ =	strace $0x90000046  }
0xb9: {  	s29 =	simm.s32 $0x9;
	_ =	strace $0x80000048  }
0xba: {  	_ =	swait.ge [sflag:s29], $0x1  }
0xbb: {  	[sflag:s29] =	ssyncadd.s32 $0xFFFFFFFF  }
0xbc: {  	_ =	strace $0x90000048  }
0xbd: {  	_ =	sfence  }
0xbe: {  	s30 =	sld [smem:$0x0];
	_ =	sdelay $0x2  }
0xbf: {  	s31 =	sshll.u32 s1, $0xD;
	s1 =	sshrl.u32 s1, $0x2  }
0xc0: {  	s3 =	sand.u32 $0x4000, s31;
	s1 =	sadd.s32 s1, s30  }
0xc1: {  	s0 =	sor.u32 s3, s0;
	s1 =	sshll.u32 s1, $0x11  }
0xc2: {  	s0 =	sor.u32 s1, s0  }
0xc3: {  	s0 =	sadd.s32 $0x8F2B, s0  }
0xc4: {  	[sflag:s0] =	ssyncadd.remote.s32 $0x1  }
0xc5: {  	_ =	sfence.sel $0xFFFF  }
0xc6: {  	[dreg:$0x0] =	wrdreg $0xFFFFFFFF;
	(pc) =	sbr.abs _section_cstart, $3  }
0xc7: {  	[dreg:$0x1] =	wrdreg $0xFFFFFFFF  }
0xc8: {  	_ =	task.clear_ibuf [dreg:s7], $0x2FFFF;
	_ =	strace $0x9FFFFFFF  }
0xc9: {  	(tm) =	ssettm $0x7FFFFFFF  }
tec
execute0_lowered:
.L_overlay_start_1:
0x0: {  	(tag) =	ssettag $0x1  }
0x1: {  	s5 =	rddreg [dreg:$0x0]  }
0x2: {  	s2 =	rddreg [dreg:$0x1]  }
0x3: {  	s3 =	rddreg [dreg:$0x2]  }
0x4: {  	s0 =	rddreg [dreg:$0x3];
	s4 =	srdreg.scid  }
0x5: {  	s1 =	stileid.u32;
	s11 =	simm.s32 $0xC40;
	s12 =	simm.s32 $0x80  }
0x6: {  	s13 =	simm.s32 $0x7040;
	s6 =	sand.u32 $0x1, s4;
	s8 =	smul.u32 $0xC40, s1  }
0x7: {  	s7 =	sshll.u32 s1, $0x1;
	s4 =	simm.s32 $0x0;
	s9 =	smul.u32 $0xC400, s6  }
0x8: {  	s14 =	simm.s32 $0x0;
	s7 =	sor.u32 s6, s7;
	[smem:$0x7FF] =	sst s4  }
0x9: {  	s6 =	ssub.s32 $0x2, s6;
	s7 =	smul.u32 $0xC80, s7;
	s9 =	sadd.s32 s8, s9  }
0xa: {  	_ =	strace $0x80000047;
	s10 =	sshrl.u32 s6, $0x1;
	s9 =	sshrl.u32 s9, $0x3  }
0xb: {  	s10 =	ssub.s32 s6, s10;
	s7 =	sadd.s32 s7, s5;
	s9 =	sadd.s32 s9, s5  }
0xc: {  	s5 =	sadd.s32 s8, s3;
	s6 =	sadd.s32 $0x4C00, s7;
	s8 =	smax.u32 s10, $0x1  }
0xd: {  	v0 =	vimm.f32 $1.000000000e+00;
	s10 =	simm.s32 $0x1;
	s7 =	sadd.s32 $0x36C00, s9;
	s9 =	simm.s32 $0x70C0  }
.LBB2_1:
0xe: {  	[tilespmem:s9], [sflag:$0x1] =	stream.linear.gather [hbm4b:s2+s4], $0xC80, $0x38;
	[tilespmem:$0x7D40] =	vst v63  }
0xf: {  	_ =	swait.ge [sflag:s10], $0xC80  }
0x10: {  	[sflag:s10] =	ssyncset.done $0x0  }
0x11: {  	[sflag:s10] =	ssyncadd.s32 $0xFFFFF380  }
0x12: {  	[spmem:s5] =	stream.linear.scatter [tilespmem:s9], [sflag:$0x1], $0xC40, $0x38;
	[tilespmem:$0x7D40] =	vst v63  }
0x13: {  	_ =	swait.ge [sflag:s10], $0xC40  }
0x14: {  	[sflag:s10] =	ssyncset.done $0x0  }
0x15: {  	[sflag:s10] =	ssyncadd.s32 $0xFFFFF3C0  }
0x16: {  	[tilespmem:$0x7040] =	vst v0  }
0x17: {  	[tilespmem:$0x7050] =	vst v0  }
0x18: {  	[tilespmem:$0x7060] =	vst v0  }
0x19: {  	[tilespmem:$0x7070] =	vst v0  }
0x1a: {  	[tilespmem:$0x7080] =	vst v0  }
0x1b: {  	[tilespmem:$0x7090] =	vst v0  }
0x1c: {  	[tilespmem:$0x70A0] =	vst v0  }
0x1d: {  	[tilespmem:$0x70B0] =	vst v0  }
0x1e: {  	[bflag:$0x0] =	sbarrier.arrive $0xFFFF  }
0x1f: {  	[tilespmem:s11], [sflag:$0x1] =	stream.linear.gather [hbm4b:s6+s4], $0x6400, $0x38;
	[tilespmem:$0x7D40] =	vst v63  }
0x20: {  	_ =	swait.ge [sflag:s10], $0x6400  }
0x21: {  	[sflag:s10] =	ssyncset.done $0x0  }
0x22: {  	s15 =	simm.s32 $0xC40;
	[sflag:s10] =	ssyncadd.s32 $0xFFFF9C00  }
0x23: {  	[spmem:s3] =	stream.indirect.scatter.add.f32 [tilespmem:s13], [sflag:$0x1], $0x1, s15, s12, $0xb8;
	[tilespmem:$0x7D40] =	vst v63  }
0x24: {  	s15 =	simm.s32 $0x200;
	_ =	swait.ge [sflag:s10], $0x80  }
.LBB2_2:
0x25: {  	s16 =	sshra.s32 s15, $0x2;
	[sflag:s10] =	ssyncset.done $0x0;
	p0 =	sne.s32 s15, $0x18E00  }
.Ltmp0:
0x26: {  	s16 =	sadd.s32 $0xC40, s16;
	[sflag:s10] =	ssyncadd.s32 $0xFFFFFF80;
	(pc) =	sbr.rel @p0 .LBB2_2-.Ltmp0, $3  }
0x27: {  	[spmem:s3] =	stream.indirect.scatter.add.f32 [tilespmem:s13], [sflag:$0x1], $0x1, s16, s12, $0xb8;
	[tilespmem:$0x7D40] =	vst v63  }
0x28: {  	s15 =	sadd.s32 $0x200, s15;
	_ =	sdelay $0x1  }
0x29: {  	_ =	swait.ge [sflag:s10], $0x80  }
0x2a: {  	[sflag:s10] =	ssyncset.done $0x0  }
0x2b: {  	[sflag:s10] =	ssyncadd.s32 $0xFFFFFF80  }
0x2c: {  	[bflag:$0x0] =	sbarrier.arrive $0xFFFF  }
0x2d: {  	[tilespmem:s9], [sflag:$0x1] =	stream.linear.gather [spmem:s5], $0xC40, $0x38;
	[tilespmem:$0x7D40] =	vst v63  }
0x2e: {  	s14 =	sadd.s32 $0x1, s14;
	_ =	swait.ge [sflag:s10], $0xC40  }
0x2f: {  	p0 =	sne.s32 s14, s8;
	[sflag:s10] =	ssyncset.done $0x0  }
.Ltmp1:
0x30: {  	[sflag:s10] =	ssyncadd.s32 $0xFFFFF3C0;
	(pc) =	sbr.rel @p0 .LBB2_1-.Ltmp1, $4  }
0x31: {  	[hbm4b:s7+s4] =	stream.linear.scatter [tilespmem:s9], [sflag:$0x1], $0xC40, $0x38;
	[tilespmem:$0x7D40] =	vst v63  }
0x32: {  	_ =	swait.ge [sflag:s10], $0xC40  }
0x33: {  	[sflag:s10] =	ssyncset.done $0x0  }
0x34: {  	[sflag:s10] =	ssyncadd.s32 $0xFFFFF3C0  }
0x35: {  	_ =	sfence.sel $0x180000  }
0x36: {  	[bflag:$0x0] =	sbarrier.arrive $0xFFFF  }
0x37: {  	p0 =	sne.s32 s1, $0x0;
	_ =	strace $0x90000047  }
0x38: {  	s0 =	sadd.s32 @!p0 $0x100000, s0;
	[bflag:$0x2] =	sbarrier.arrive $0xFFFF  }
0x39: {  	[sflag:s0] =	ssyncadd.tile.s32 @!p0 $0x1;
	_ =	shalt  }
.Lfunc_end2:
_tile_overlayer_lowered:
.L_overlay_start_2:
0x3a: {  	(tag) =	ssettag $0x2  }
0x3b: {  	s0 =	rddreg [dreg:$0x0];
	s2 =	stileid.u32  }
0x3c: {  	s1 =	rddreg [dreg:$0x1];
	p0 =	sne.s32 s2, $0x0  }
0x3d: {  	s3 =	rddreg [dreg:$0x2];
	[bflag:$0x3] =	sbarrier.arrive $0xFFFF;
	s2 =	simm.s32 @!p0 $0x1C01  }
0x3e: {  	[timem:s3], [sflag:s2] =	dma.local @!p0 [hbm:s0], s1  }
0x3f: {  	s0 =	simm.s32 @!p0 $0x1  }
0x40: {  	_ =	swait.ge @!p0 [sflag:s0], s1  }
0x41: {  	s1 =	ssub.s32 @!p0 $0x0, s1;
	[sflag:s0] =	ssyncset.done @!p0 $0x0  }
0x42: {  	[sflag:s0] =	ssyncadd.s32 @!p0 s1  }
0x43: {  	[bflag:$0x3] =	sbarrier.arrive $0xFFFF  }
0x44: {  	_ =	shalt  }

// kernel: kernel.13.cloned.1.call-start
scs
__scs_entry_jumppad:
0x0: {  	(pc) =	sbr.rel $0x88, $3  }
0x1: {  	(tag) =	ssettag $0x0;
	lr =	simm.s32 $0x1  }
0x2: {  	[smem:$0x3F8E] =	sst lr;
	_ =	strace $0xD0000000  }
0x3: {  	_ = 	snop  }
0x4: {  	_ = 	snop  }
0x5: {  	_ = 	snop  }
0x6: {  	_ = 	snop  }
0x7: {  	_ = 	snop  }
__scs_overlays_trampoline_lowered:
0x8: {  	[smem:$0x3F9D] =	sst s0  }
0x9: {  	[smem:$0x3F9E] =	sst s1  }
0xa: {  	[smem:$0x3F9F] =	sst s2  }
0xb: {  	[smem:$0x3FA0] =	sst s3  }
0xc: {  	[smem:$0x3FA1] =	sst s4  }
0xd: {  	[smem:$0x3FA2] =	sst s5  }
0xe: {  	[smem:$0x3FA3] =	sst s6  }
0xf: {  	[smem:$0x3FA4] =	sst s7  }
0x10: {  	[smem:$0x3FA5] =	sst s8  }
0x11: {  	[smem:$0x3FA6] =	sst s9;
	s0 =	simm.s32 @!p0 $0x0  }
0x12: {  	s1 =	sld [smem:$0x3F8C];
	s0 =	simm.s32 @p0 $0x1  }
0x13: {  	[smem:$0x3FA7] =	sst s0;
	s0 =	simm.s32 @!p1 $0x0  }
0x14: {  	s2 =	sld [smem:$0x3F8B];
	s0 =	simm.s32 @p1 $0x1  }
0x15: {  	[smem:$0x3FA8] =	sst s0;
	s0 =	simm.s32 @!p2 $0x0  }
0x16: {  	s3 =	sld [smem:$0x3FDB];
	s0 =	simm.s32 @p2 $0x1  }
0x17: {  	s4 =	simm.s32 $0x1BF5;
	[smem:$0x3FAA] =	sst s0  }
0x18: {  	s0 =	sld [smem:$0x3F8D];
	_ =	swait.ge [sflag:s4], $0x0  }
0x19: {  	s7 =	sld [smem:$0x3F8E]  }
0x1a: {  	s8 =	sadd.s32 $0xFFFFE003, lr  }
0x1b: {  	s9 =	sadd.s32 $0xFFFFFEF7, lr;
	s5 =	simm.s32 $0xFFFFFFFF;
	p2 =	slt.u32 s8, $0xFFFFF086  }
0x1c: {  	p1 =	slt.u32 s9, $0xF7A;
	s5 =	simm.s32 @!p2 $0x0  }
0x1d: {  	s5 =	simm.s32 @p1 $0x1;
	p0 =	seq.s32 s7, s2  }
0x1e: {  	s7 =	smul.u32 @!p0 $0xF7A, s2;
	p2 =	seq.s32 @!p0 s5, $0x0  }
0x1f: {  	s9 =	smul.u32 $0xF7A, s1;
	s8 =	simm.s32 @!p0 $0x1BF5;
	p2 =	por !p2, p0  }
0x20: {  	[sflag:s8] =	ssyncset.s32 @!p0 $0xFFFFF086;
	s6 =	sadd.s32 @!p0 s3, s7;
	s7 =	simm.s32 @!p0 $0x108  }
0x21: {  	s3 =	sadd.s32 s3, s9;
	s6 =	sadd.s32 @!p0 $0x88, s6;
	s7 =	simm.s32 @p2 $0x1082  }
0x22: {  	[simem:s7], [sflag:s8] =	dma.local @!p0 [hbm:s6], $0xF7A  }
0x23: {  	s9 =	sor.u32 $0xD0000000, s2;
	s6 =	simm.s32 $0x108;
	_ =	swait.ge @!p0 [sflag:s8], $0x0  }
0x24: {  	s3 =	sadd.s32 $0x88, s3;
	s6 =	simm.s32 @!p1 $0x1082;
	[sflag:s4] =	ssyncset.s32 $0xFFFFF086  }
0x25: {  	[simem:s6], [sflag:s4] =	dma.local [hbm:s3], $0xF7A  }
0x26: {  	[smem:$0x3F8E] =	sst s1;
	(tag) =	ssettag s2;
	_ =	strace s9  }
0x27: {  	s1 =	sld [smem:$0x3F9E]  }
0x28: {  	s2 =	sld [smem:$0x3F9F]  }
0x29: {  	s4 =	sld [smem:$0x3FA1]  }
0x2a: {  	p0 =	seq.s32 s5, $0x0;
	s5 =	sld [smem:$0x3FA2]  }
0x2b: {  	s6 =	sld [smem:$0x3FA3]  }
0x2c: {  	s7 =	sld [smem:$0x3FA4]  }
0x2d: {  	s3 =	simm.s32 $0x108;
	s8 =	sld [smem:$0x3FA5]  }
0x2e: {  	s3 =	simm.s32 @!p0 $0x1082;
	s9 =	sld [smem:$0x3FA6]  }
0x2f: {  	lr =	sadd.s32 s0, s3;
	s0 =	sld [smem:$0x3F9D]  }
0x30: {  	s3 =	sld [smem:$0x3FA0]  }
0x31: {  	[smem:$0x3FA9] =	sst s10  }
0x32: {  	s10 =	sld [smem:$0x3FA7];
	_ =	sdelay $0x3  }
0x33: {  	p0 =	seq.s32 s10, $0x1;
	s10 =	sld [smem:$0x3FA9];
	_ =	sdelay $0x3  }
0x34: {  	[smem:$0x3FA9] =	sst s10  }
0x35: {  	s10 =	sld [smem:$0x3FA8];
	_ =	sdelay $0x3  }
0x36: {  	p1 =	seq.s32 s10, $0x1;
	s10 =	sld [smem:$0x3FA9];
	_ =	sdelay $0x3  }
0x37: {  	[smem:$0x3FA9] =	sst s10  }
0x38: {  	s10 =	sld [smem:$0x3FAA]  }
0x39: {  	_ = 	snop;
	(pc) =	sbr.ind lr, $3  }
0x3a: {  	_ = 	snop  }
0x3b: {  	_ = 	snop  }
0x3c: {  	p2 =	seq.s32 s10, $0x1;
	s10 =	sld [smem:$0x3FA9]  }
0x3d: {  	_ =	shalt  }
0x3e: {  	_ =	shalt  }
0x3f: {  	_ =	shalt  }
0x40: {  	_ =	shalt  }
0x41: {  	_ =	shalt  }
0x42: {  	_ =	shalt  }
0x43: {  	_ =	shalt  }
0x44: {  	_ =	shalt  }
0x45: {  	_ =	shalt  }
0x46: {  	_ =	shalt  }
0x47: {  	_ =	shalt  }
0x48: {  	_ =	shalt  }
0x49: {  	_ =	shalt  }
0x4a: {  	_ =	shalt  }
0x4b: {  	_ =	shalt  }
0x4c: {  	_ =	shalt  }
0x4d: {  	_ =	shalt  }
0x4e: {  	_ =	shalt  }
0x4f: {  	_ =	shalt  }
0x50: {  	_ =	shalt  }
0x51: {  	_ =	shalt  }
0x52: {  	_ =	shalt  }
0x53: {  	_ =	shalt  }
0x54: {  	_ =	shalt  }
0x55: {  	_ =	shalt  }
0x56: {  	_ =	shalt  }
0x57: {  	_ =	shalt  }
0x58: {  	_ =	shalt  }
0x59: {  	_ =	shalt  }
0x5a: {  	_ =	shalt  }
0x5b: {  	_ =	shalt  }
0x5c: {  	_ =	shalt  }
0x5d: {  	_ =	shalt  }
0x5e: {  	_ =	shalt  }
0x5f: {  	_ =	shalt  }
0x60: {  	_ =	shalt  }
0x61: {  	_ =	shalt  }
0x62: {  	_ =	shalt  }
0x63: {  	_ =	shalt  }
0x64: {  	_ =	shalt  }
0x65: {  	_ =	shalt  }
0x66: {  	_ =	shalt  }
0x67: {  	_ =	shalt  }
0x68: {  	_ =	shalt  }
0x69: {  	_ =	shalt  }
0x6a: {  	_ =	shalt  }
0x6b: {  	_ =	shalt  }
0x6c: {  	_ =	shalt  }
0x6d: {  	_ =	shalt  }
0x6e: {  	_ =	shalt  }
0x6f: {  	_ =	shalt  }
0x70: {  	_ =	shalt  }
0x71: {  	_ =	shalt  }
0x72: {  	_ =	shalt  }
0x73: {  	_ =	shalt  }
0x74: {  	_ =	shalt  }
0x75: {  	_ =	shalt  }
0x76: {  	_ =	shalt  }
0x77: {  	_ =	shalt  }
0x78: {  	_ =	shalt  }
0x79: {  	_ =	shalt  }
0x7a: {  	_ =	shalt  }
0x7b: {  	_ =	shalt  }
0x7c: {  	_ =	shalt  }
0x7d: {  	_ =	shalt  }
0x7e: {  	_ =	shalt  }
0x7f: {  	_ =	shalt  }
0x80: {  	_ =	shalt  }
0x81: {  	_ =	shalt  }
0x82: {  	_ =	shalt  }
0x83: {  	_ =	shalt  }
0x84: {  	_ =	shalt  }
0x85: {  	_ =	shalt  }
0x86: {  	_ =	shalt  }
0x87: {  	_ =	shalt  }
.Lfunc_end0:
.L_simem_size_0:
called_computation.1_lowered:
.L_overlay_start_0:
0x88: {  	s2 =	sld [smem:$0x3FD9]  }
0x89: {  	s3 =	sld [smem:$0x3FFE];
	_ =	sdelay $0x1  }
0x8a: {  	s1 =	srdreg.scid  }
0x8b: {  	s0 =	sand.u32 $0x1, s1  }
0x8c: {  	s14 =	sshll.u32 s0, $0xA;
	s2 =	sadd.s32 s3, s2  }
0x8d: {  	s2 =	sadd.s32 s2, s14  }
0x8e: {  	[smem:$0x3FB5] =	sst s2  }
0x8f: {  	_ = 	snop  }
0x90: {  	s2 =	sld [smem:$0x3FD0];
	_ =	sdelay $0x2  }
0x91: {  	s15 =	simm.s32 $0xA;
	s4 =	simm.s32 $0x10  }
0x92: {  	[smem:s4], [sflag:s15] =	dma.local [hbm:s2], $0x1  }
0x93: {  	_ =	swait.eq [sflag:s15], $0x1  }
0x94: {  	[sflag:s15] =	ssyncset.done $0x0  }
0x95: {  	s16 =	sld [smem:$0x10];
	[sflag:s15] =	ssyncadd.s32 $0xFFFFFFFF  }
0x96: {  	s17 =	sld [smem:$0x12];
	(tm) =	ssettm $0x1  }
0x97: {  	s18 =	sld [smem:$0x3FFB];
	_ =	sdelay $0x3  }
0x98: {  	_ =	strace s18  }
0x99: {  	s4 =	sld [smem:$0x3FFC];
	_ =	sdelay $0x3  }
0x9a: {  	_ =	strace s4  }
0x9b: {  	s4 =	sld [smem:$0x3FFD];
	_ =	sdelay $0x3  }
0x9c: {  	_ =	strace s4  }
0x9d: {  	_ =	strace $0x8FFFFFFF  }
0x9e: {  	s19 =	sld [smem:$0x3FDB];
	_ =	sdelay $0x1  }
0x9f: {  	s5 =	simm.s32 $_scs_section_size  }
0xa0: {  	s6 =	simm.s32 $_size__tile_overlayer_lowered;
	s7 =	simm.s32 $_tile_overlayer_lowered  }
0xa1: {  	s22 =	simm.s32 $0x1BFF;
	s21 =	sshll.u32 s7, $0x1;
	s4 =	sadd.s32 s5, s19  }
0xa2: {  	s8 =	simm.s32 $0x0;
	s20 =	sshll.u32 s6, $0x1;
	s6 =	sadd.s32 s21, s4  }
0xa3: {  	[timem:s8], [sflag:s22] =	dma.local [hbm:s6], s20  }
0xa4: {  	_ =	swait.ge [sflag:s22], s20  }
0xa5: {  	s5 =	ssub.s32 $0x0, s20;
	[sflag:s22] =	ssyncset.done $0x0  }
0xa6: {  	[sflag:s22] =	ssyncadd.s32 s5;
	_ =	sdelay $0x1  }
0xa7: {  	s23 =	simm.s32 $0x1B8B  }
0xa8: {  	_ =	swait.ge [sflag:s23], $0x1  }
0xa9: {  	[sflag:s23] =	ssyncset.done $0x0  }
0xaa: {  	s25 =	simm.s32 $0x1B8E;
	s24 =	sld [smem:$0x3FFE];
	[sflag:s23] =	ssyncadd.s32 $0xFFFFFFFF  }
0xab: {  	s26 =	simm.s32 $execute0_lowered;
	[smem:$0x3FD2] =	sst s25  }
0xac: {  	s6 =	sshll.u32 s26, $0x1;
	_ =	strace $0x80000049;
	[dreg:$0x1] =	wrdreg $0xFFFFFFFF  }
0xad: {  	s28 =	simm.s32 $_size_execute0_lowered;
	s4 =	sadd.s32 s4, s6;
	[dreg:$0x0] =	wrdreg $0x0  }
0xae: {  	s6 =	sshll.u32 s28, $0x1;
	[dreg:$0x2] =	wrdreg s4  }
0xaf: {  	[dreg:$0x3] =	wrdreg s6  }
0xb0: {  	[dreg:$0x4] =	wrdreg $0xC0  }
0xb1: {  	_ =	task [dreg:s8], $0x5FFFF  }
0xb2: {  	[dreg:$0x1] =	wrdreg $0xFFFFFFFF  }
0xb3: {  	[dreg:$0x0] =	wrdreg $0x60  }
0xb4: {  	[dreg:$0x2] =	wrdreg s24  }
0xb5: {  	[dreg:$0x3] =	wrdreg s17  }
0xb6: {  	[dreg:$0x4] =	wrdreg s16  }
0xb7: {  	[dreg:$0x5] =	wrdreg $0x0  }
0xb8: {  	[dreg:$0x6] =	wrdreg $0x9  }
0xb9: {  	_ =	task.clear_ibuf [dreg:s8], $0x7FFFF;
	_ =	strace $0x90000049  }
0xba: {  	s29 =	simm.s32 $0x9;
	_ =	strace $0x8000004B  }
0xbb: {  	_ =	swait.ge [sflag:s29], $0x1  }
0xbc: {  	[sflag:s29] =	ssyncadd.s32 $0xFFFFFFFF  }
0xbd: {  	_ =	strace $0x9000004B  }
0xbe: {  	_ =	sfence  }
0xbf: {  	s30 =	sld [smem:$0x0];
	_ =	sdelay $0x2  }
0xc0: {  	s31 =	sshll.u32 s1, $0xD;
	s1 =	sshrl.u32 s1, $0x2  }
0xc1: {  	s3 =	sand.u32 $0x4000, s31;
	s1 =	sadd.s32 s1, s30  }
0xc2: {  	s0 =	sor.u32 s3, s0;
	s1 =	sshll.u32 s1, $0x11  }
0xc3: {  	s0 =	sor.u32 s1, s0  }
0xc4: {  	s0 =	sadd.s32 $0x8F2B, s0  }
0xc5: {  	[sflag:s0] =	ssyncadd.remote.s32 $0x1  }
0xc6: {  	_ =	sfence.sel $0xFFFF  }
0xc7: {  	[dreg:$0x0] =	wrdreg $0xFFFFFFFF;
	(pc) =	sbr.abs _section_cstart, $3  }
0xc8: {  	[dreg:$0x1] =	wrdreg $0xFFFFFFFF  }
0xc9: {  	_ =	task.clear_ibuf [dreg:s8], $0x2FFFF;
	_ =	strace $0x9FFFFFFF  }
0xca: {  	(tm) =	ssettm $0x7FFFFFFF  }
0xcb: {  	_ =	shalt  }
tec
execute0_lowered:
.L_overlay_start_1:
0x0: {  	(tag) =	ssettag $0x1  }
0x1: {  	s0 =	rddreg [dreg:$0x0]  }
0x2: {  	s3 =	rddreg [dreg:$0x3];
	s1 =	srdreg.scid  }
0x3: {  	s5 =	simm.s32 $0x0;
	s9 =	stileid.u32;
	s13 =	simm.s32 $0x1F000  }
0x4: {  	s14 =	simm.s32 $0x9;
	s15 =	simm.s32 $0x18800;
	s17 =	simm.s32 $0x80  }
0x5: {  	s18 =	simm.s32 $0x1B000;
	s20 =	simm.s32 $0x1C000;
	s22 =	simm.s32 $0x1D000  }
0x6: {  	s28 =	simm.s32 $0x2;
	s29 =	simm.s32 $0x6;
	s30 =	simm.s32 $0x3  }
0x7: {  	s31 =	simm.s32 $0x7;
	s16 =	simm.s32 $0x1AF80;
	s1 =	sand.u32 $0x1, s1  }
0x8: {  	[smem:$0x7FF] =	sst s5;
	s4 =	smul.u32 $0x18800, s9;
	s6 =	sadd.s32 $0x36C00, s0  }
0x9: {  	s7 =	sadd.s32 $0x1DC00, s0;
	s10 =	smul.u32 $0x62000, s9;
	s23 =	ssub.s32 $0x2, s1  }
0xa: {  	s2 =	smul.u32 $0x188000, s1;
	_ =	strace $0x8000004A;
	s8 =	sshrl.u32 s23, $0x1  }
0xb: {  	s26 =	sshrl.u32 s10, $0x2;
	s24 =	ssub.s32 s23, s8;
	s8 =	smul.u32 $0x190, s9  }
0xc: {  	s10 =	simm.s32 $0x0;
	s2 =	sadd.s32 s4, s2;
	s9 =	smul.u32 $0xC8000, s1  }
0xd: {  	s11 =	sadd.s32 s26, s3;
	s26 =	simm.s32 $0x5;
	s4 =	simm.s32 $0x8  }
0xe: {  	s1 =	simm.s32 $0x1AF00;
	s2 =	sshrl.u32 s2, $0x3;
	s25 =	smax.u32 s24, $0x1  }
0xf: {  	s24 =	simm.s32 $0x1E000;
	s0 =	sadd.s32 s2, s0;
	[dreg:$0x5] =	wrdreg s25  }
0x10: {  	s25 =	simm.s32 $0x1;
	s12 =	sadd.s32 $0x98C00, s0;
	s0 =	simm.s32 $0x4  }
.LBB2_1:
0x11: {  	[dreg:$0x6] =	wrdreg s10  }
0x12: {  	s2 =	rddreg [dreg:$0x2]  }
0x13: {  	[tilespmem:s13], [sflag:$0x9] =	stream.linear.gather [hbm4b:s2+s5], $0xE00, $0x38;
	[tilespmem:$0x1FE00] =	vst v63  }
0x14: {  	_ =	swait.ge [sflag:s14], $0xE00  }
0x15: {  	[sflag:s14] =	ssyncset.done $0x0  }
0x16: {  	s23 =	sadd.s32 $0x0, s11;
	[sflag:s14] =	ssyncadd.s32 $0xFFFFF200  }
0x17: {  	[spmem:s23] =	stream.linear.scatter [tilespmem:s13], [sflag:$0x9], $0xE00, $0x38;
	[tilespmem:$0x1FE00] =	vst v63  }
0x18: {  	s2 =	simm.s32 $0x3800;
	_ =	swait.ge [sflag:s14], $0xE00  }
.LBB2_2:
0x19: {  	s19 =	sshra.s32 s2, $0x2;
	[sflag:s14] =	ssyncset.done $0x0;
	p0 =	sne.s32 s2, $0x5E800  }
.Ltmp0:
0x1a: {  	s19 =	sadd.s32 s19, s11;
	[sflag:s14] =	ssyncadd.s32 $0xFFFFF200;
	(pc) =	sbr.rel @p0 .LBB2_2-.Ltmp0, $3  }
0x1b: {  	[spmem:s19] =	stream.linear.scatter [tilespmem:s13], [sflag:$0x9], $0xE00, $0x38;
	[tilespmem:$0x1FE00] =	vst v63  }
0x1c: {  	s2 =	sadd.s32 $0x3800, s2;
	_ =	sdelay $0x1  }
0x1d: {  	_ =	swait.ge [sflag:s14], $0xE00  }
0x1e: {  	[sflag:s14] =	ssyncset.done $0x0  }
0x1f: {  	[sflag:s14] =	ssyncadd.s32 $0xFFFFF200  }
0x20: {  	s19 =	simm.s32 $0x0;
	s21 =	simm.s32 $0x0;
	[bflag:$0x0] =	sbarrier.arrive $0xFFFF  }
.LBB2_4:
0x21: {  	s2 =	smul.u32 $0x28, s21;
	_ =	sdelay $0x1  }
0x22: {  	s2 =	sadd.s32 s8, s2  }
0x23: {  	s23 =	sshll.u32 s2, $0x7  }
0x24: {  	s23 =	sadd.s32 s9, s23  }
0x25: {  	s10 =	rddreg [dreg:$0x1];
	s23 =	sshrl.u32 s23, $0x3  }
0x26: {  	s23 =	sadd.s32 s10, s23  }
0x27: {  	[tilespmem:s15], [sflag:$0x9] =	stream.linear.gather [hbm4b:s23+s19], $0x1400, $0x38;
	[tilespmem:$0x1FE00] =	vst v63  }
0x28: {  	_ =	swait.ge [sflag:s14], $0x1400  }
0x29: {  	s2 =	sshll.u32 s2, $0x4;
	[sflag:s14] =	ssyncset.done $0x0  }
0x2a: {  	s2 =	sadd.s32 s7, s2;
	s23 =	simm.s32 $0x19C00;
	[sflag:s14] =	ssyncadd.s32 $0xFFFFEC00  }
0x2b: {  	[tilespmem:s23], [sflag:$0x9] =	stream.linear.gather [hbm4b:s2+s19], $0x1400, $0x38;
	[tilespmem:$0x1FE00] =	vst v63  }
0x2c: {  	_ =	swait.ge [sflag:s14], $0x1400  }
0x2d: {  	[sflag:s14] =	ssyncset.done $0x0  }
0x2e: {  	[sflag:s14] =	ssyncadd.s32 $0xFFFFEC00  }
0x2f: {  	[tilespmem:s18], [sflag:$0x1] =	stream.indirect.gather [hbm4b:s6+s17], $0x20, s15, s17, $0xb8;
	[tilespmem:$0x1FE00] =	vst v63  }
0x30: {  	s10 =	simm.s32 $0x18880  }
0x31: {  	[tilespmem:s20], [sflag:$0x2] =	stream.indirect.gather [hbm4b:s6+s17], $0x20, s10, s17, $0xb8;
	[tilespmem:$0x1FE00] =	vst v63  }
0x32: {  	s23 =	simm.s32 $0x18900  }
0x33: {  	[tilespmem:s22], [sflag:$0x3] =	stream.indirect.gather [hbm4b:s6+s17], $0x20, s23, s17, $0xb8;
	[tilespmem:$0x1FE00] =	vst v63  }
0x34: {  	s10 =	simm.s32 $0x18980  }
0x35: {  	[tilespmem:s24], [sflag:$0x4] =	stream.indirect.gather [hbm4b:s6+s17], $0x20, s10, s17, $0xb8;
	[tilespmem:$0x1FE00] =	vst v63  }
0x36: {  	_ =	swait.ge [sflag:s25], $0x1000  }
0x37: {  	[sflag:s25] =	ssyncset.done $0x0  }
0x38: {  	s23 =	simm.s32 $0x19C00;
	[sflag:s25] =	ssyncadd.s32 $0xFFFFF000  }
0x39: {  	[spmem:s3] =	stream.indirect.scatter.add.f32 [tilespmem:s18], [sflag:$0x5], $0x20, s23, s17, $0xb8;
	[tilespmem:$0x1FE00] =	vst v63  }
0x3a: {  	_ =	swait.ge [sflag:s26], $0x1000  }
0x3b: {  	[sflag:s26] =	ssyncset.done $0x0  }
0x3c: {  	s10 =	simm.s32 $0x18A00;
	[sflag:s26] =	ssyncadd.s32 $0xFFFFF000  }
0x3d: {  	[tilespmem:s18], [sflag:$0x1] =	stream.indirect.gather [hbm4b:s6+s17], $0x20, s10, s17, $0xb8;
	[tilespmem:$0x1FE00] =	vst v63  }
0x3e: {  	_ =	swait.ge [sflag:s28], $0x1000  }
0x3f: {  	[sflag:s28] =	ssyncset.done $0x0  }
0x40: {  	s23 =	simm.s32 $0x19C80;
	[sflag:s28] =	ssyncadd.s32 $0xFFFFF000  }
0x41: {  	[spmem:s3] =	stream.indirect.scatter.add.f32 [tilespmem:s20], [sflag:$0x6], $0x20, s23, s17, $0xb8;
	[tilespmem:$0x1FE00] =	vst v63  }
0x42: {  	_ =	swait.ge [sflag:s29], $0x1000  }
0x43: {  	[sflag:s29] =	ssyncset.done $0x0  }
0x44: {  	s10 =	simm.s32 $0x18A80;
	[sflag:s29] =	ssyncadd.s32 $0xFFFFF000  }
0x45: {  	[tilespmem:s20], [sflag:$0x2] =	stream.indirect.gather [hbm4b:s6+s17], $0x20, s10, s17, $0xb8;
	[tilespmem:$0x1FE00] =	vst v63  }
0x46: {  	_ =	swait.ge [sflag:s30], $0x1000  }
0x47: {  	[sflag:s30] =	ssyncset.done $0x0  }
0x48: {  	s23 =	simm.s32 $0x19D00;
	[sflag:s30] =	ssyncadd.s32 $0xFFFFF000  }
0x49: {  	[spmem:s3] =	stream.indirect.scatter.add.f32 [tilespmem:s22], [sflag:$0x7], $0x20, s23, s17, $0xb8;
	[tilespmem:$0x1FE00] =	vst v63  }
0x4a: {  	_ =	swait.ge [sflag:s31], $0x1000  }
0x4b: {  	[sflag:s31] =	ssyncset.done $0x0  }
0x4c: {  	s10 =	simm.s32 $0x18B00;
	[sflag:s31] =	ssyncadd.s32 $0xFFFFF000  }
0x4d: {  	[tilespmem:s22], [sflag:$0x3] =	stream.indirect.gather [hbm4b:s6+s17], $0x20, s10, s17, $0xb8;
	[tilespmem:$0x1FE00] =	vst v63  }
0x4e: {  	_ =	swait.ge [sflag:s0], $0x1000  }
0x4f: {  	[sflag:s0] =	ssyncset.done $0x0  }
0x50: {  	s23 =	simm.s32 $0x19D80;
	[sflag:s0] =	ssyncadd.s32 $0xFFFFF000  }
0x51: {  	[spmem:s3] =	stream.indirect.scatter.add.f32 [tilespmem:s24], [sflag:$0x8], $0x20, s23, s17, $0xb8;
	[tilespmem:$0x1FE00] =	vst v63  }
0x52: {  	_ =	swait.ge [sflag:s4], $0x1000  }
0x53: {  	[sflag:s4] =	ssyncset.done $0x0  }
0x54: {  	s2 =	simm.s32 $0x18B80;
	s23 =	simm.s32 $0x800;
	[sflag:s4] =	ssyncadd.s32 $0xFFFFF000  }
.LBB2_5:
0x55: {  	[tilespmem:s24], [sflag:$0x4] =	stream.indirect.gather [hbm4b:s6+s17], $0x20, s2, s17, $0xb8;
	[tilespmem:$0x1FE00] =	vst v63  }
0x56: {  	s2 =	smov.u32 s23  }
0x57: {  	p0 =	sne.s32 s23, $0x4000;
	s23 =	sadd.s32 $0x800, s23;
	_ =	swait.ge [sflag:s25], $0x1000  }
0x58: {  	s2 =	sshra.s32 s2, $0x2;
	[sflag:s25] =	ssyncset.done $0x0  }
0x59: {  	s10 =	sadd.s32 $0x19C00, s2;
	[sflag:s25] =	ssyncadd.s32 $0xFFFFF000  }
0x5a: {  	[spmem:s3] =	stream.indirect.scatter.add.f32 [tilespmem:s18], [sflag:$0x5], $0x20, s10, s17, $0xb8;
	[tilespmem:$0x1FE00] =	vst v63  }
0x5b: {  	_ =	swait.ge [sflag:s26], $0x1000  }
0x5c: {  	[sflag:s26] =	ssyncset.done $0x0  }
0x5d: {  	s10 =	sadd.s32 $0x18A00, s2;
	[sflag:s26] =	ssyncadd.s32 $0xFFFFF000  }
0x5e: {  	[tilespmem:s18], [sflag:$0x1] =	stream.indirect.gather [hbm4b:s6+s17], $0x20, s10, s17, $0xb8;
	[tilespmem:$0x1FE00] =	vst v63  }
0x5f: {  	_ =	swait.ge [sflag:s28], $0x1000  }
0x60: {  	[sflag:s28] =	ssyncset.done $0x0  }
0x61: {  	s10 =	sadd.s32 $0x19C80, s2;
	[sflag:s28] =	ssyncadd.s32 $0xFFFFF000  }
0x62: {  	[spmem:s3] =	stream.indirect.scatter.add.f32 [tilespmem:s20], [sflag:$0x6], $0x20, s10, s17, $0xb8;
	[tilespmem:$0x1FE00] =	vst v63  }
0x63: {  	_ =	swait.ge [sflag:s29], $0x1000  }
0x64: {  	[sflag:s29] =	ssyncset.done $0x0  }
0x65: {  	s10 =	sadd.s32 $0x18A80, s2;
	[sflag:s29] =	ssyncadd.s32 $0xFFFFF000  }
0x66: {  	[tilespmem:s20], [sflag:$0x2] =	stream.indirect.gather [hbm4b:s6+s17], $0x20, s10, s17, $0xb8;
	[tilespmem:$0x1FE00] =	vst v63  }
0x67: {  	_ =	swait.ge [sflag:s30], $0x1000  }
0x68: {  	[sflag:s30] =	ssyncset.done $0x0  }
0x69: {  	s10 =	sadd.s32 $0x19D00, s2;
	[sflag:s30] =	ssyncadd.s32 $0xFFFFF000  }
0x6a: {  	[spmem:s3] =	stream.indirect.scatter.add.f32 [tilespmem:s22], [sflag:$0x7], $0x20, s10, s17, $0xb8;
	[tilespmem:$0x1FE00] =	vst v63  }
0x6b: {  	_ =	swait.ge [sflag:s31], $0x1000  }
0x6c: {  	[sflag:s31] =	ssyncset.done $0x0  }
0x6d: {  	s10 =	sadd.s32 $0x18B00, s2;
	[sflag:s31] =	ssyncadd.s32 $0xFFFFF000  }
0x6e: {  	[tilespmem:s22], [sflag:$0x3] =	stream.indirect.gather [hbm4b:s6+s17], $0x20, s10, s17, $0xb8;
	[tilespmem:$0x1FE00] =	vst v63  }
0x6f: {  	_ =	swait.ge [sflag:s0], $0x1000  }
0x70: {  	[sflag:s0] =	ssyncset.done $0x0  }
.Ltmp1:
0x71: {  	s10 =	sadd.s32 $0x19D80, s2;
	[sflag:s0] =	ssyncadd.s32 $0xFFFFF000;
	(pc) =	sbr.rel @p0 .LBB2_5-.Ltmp1, $4  }
0x72: {  	[spmem:s3] =	stream.indirect.scatter.add.f32 [tilespmem:s24], [sflag:$0x8], $0x20, s10, s17, $0xb8;
	[tilespmem:$0x1FE00] =	vst v63  }
0x73: {  	_ =	swait.ge [sflag:s4], $0x1000  }
0x74: {  	[sflag:s4] =	ssyncset.done $0x0  }
0x75: {  	s2 =	sadd.s32 $0x18B80, s2;
	[sflag:s4] =	ssyncadd.s32 $0xFFFFF000  }
0x76: {  	[tilespmem:s24], [sflag:$0x4] =	stream.indirect.gather [hbm4b:s6+s17], $0x20, s2, s17, $0xb8;
	[tilespmem:$0x1FE00] =	vst v63  }
0x77: {  	_ =	swait.ge [sflag:s25], $0x1000  }
0x78: {  	[sflag:s25] =	ssyncset.done $0x0  }
0x79: {  	s10 =	simm.s32 $0x1AE00;
	[sflag:s25] =	ssyncadd.s32 $0xFFFFF000  }
0x7a: {  	[spmem:s3] =	stream.indirect.scatter.add.f32 [tilespmem:s18], [sflag:$0x5], $0x20, s10, s17, $0xb8;
	[tilespmem:$0x1FE00] =	vst v63  }
0x7b: {  	_ =	swait.ge [sflag:s26], $0x1000  }
0x7c: {  	[sflag:s26] =	ssyncset.done $0x0  }
0x7d: {  	[sflag:s26] =	ssyncadd.s32 $0xFFFFF000  }
0x7e: {  	_ =	swait.ge [sflag:s28], $0x1000  }
0x7f: {  	[sflag:s28] =	ssyncset.done $0x0  }
0x80: {  	s23 =	simm.s32 $0x1AE80;
	[sflag:s28] =	ssyncadd.s32 $0xFFFFF000  }
0x81: {  	[spmem:s3] =	stream.indirect.scatter.add.f32 [tilespmem:s20], [sflag:$0x6], $0x20, s23, s17, $0xb8;
	[tilespmem:$0x1FE00] =	vst v63  }
0x82: {  	_ =	swait.ge [sflag:s29], $0x1000  }
0x83: {  	[sflag:s29] =	ssyncset.done $0x0  }
0x84: {  	[sflag:s29] =	ssyncadd.s32 $0xFFFFF000  }
0x85: {  	_ =	swait.ge [sflag:s30], $0x1000  }
0x86: {  	[sflag:s30] =	ssyncset.done $0x0  }
0x87: {  	[sflag:s30] =	ssyncadd.s32 $0xFFFFF000  }
0x88: {  	[spmem:s3] =	stream.indirect.scatter.add.f32 [tilespmem:s22], [sflag:$0x7], $0x20, s1, s17, $0xb8;
	[tilespmem:$0x1FE00] =	vst v63  }
0x89: {  	_ =	swait.ge [sflag:s31], $0x1000  }
0x8a: {  	[sflag:s31] =	ssyncset.done $0x0  }
0x8b: {  	[sflag:s31] =	ssyncadd.s32 $0xFFFFF000  }
0x8c: {  	s21 =	sadd.s32 $0x1, s21;
	_ =	swait.ge [sflag:s0], $0x1000  }
0x8d: {  	p0 =	sne.s32 s21, $0xA;
	[sflag:s0] =	ssyncset.done $0x0  }
.Ltmp2:
0x8e: {  	[sflag:s0] =	ssyncadd.s32 $0xFFFFF000;
	(pc) =	sbr.rel @p0 .LBB2_4-.Ltmp2, $4  }
0x8f: {  	[spmem:s3] =	stream.indirect.scatter.add.f32 [tilespmem:s24], [sflag:$0x8], $0x20, s16, s17, $0xb8;
	[tilespmem:$0x1FE00] =	vst v63  }
0x90: {  	_ =	swait.ge [sflag:s4], $0x1000  }
0x91: {  	[sflag:s4] =	ssyncset.done $0x0  }
0x92: {  	[sflag:s4] =	ssyncadd.s32 $0xFFFFF000  }
0x93: {  	[bflag:$0x0] =	sbarrier.arrive $0xFFFF  }
0x94: {  	[tilespmem:s13], [sflag:$0x9] =	stream.linear.gather [spmem:s11], $0xE00, $0x38;
	[tilespmem:$0x1FE00] =	vst v63  }
0x95: {  	_ =	swait.ge [sflag:s14], $0xE00  }
0x96: {  	[sflag:s14] =	ssyncset.done $0x0  }
0x97: {  	s2 =	sadd.s32 $0x0, s12;
	[sflag:s14] =	ssyncadd.s32 $0xFFFFF200  }
0x98: {  	[hbm4b:s2+s5] =	stream.linear.scatter [tilespmem:s13], [sflag:$0x9], $0xE00, $0x38;
	[tilespmem:$0x1FE00] =	vst v63  }
0x99: {  	_ =	swait.ge [sflag:s14], $0xE00  }
0x9a: {  	s19 =	smov.u32 s11;
	s2 =	simm.s32 $0x1C0;
	[sflag:s14] =	ssyncset.done $0x0  }
.LBB2_8:
0x9b: {  	p0 =	sne.s32 s2, $0x2F40;
	[sflag:s14] =	ssyncadd.s32 $0xFFFFF200;
	s19 =	sadd.s32 $0xE00, s19  }
0x9c: {  	[tilespmem:s13], [sflag:$0x9] =	stream.linear.gather [spmem:s19], $0xE00, $0x38;
	[tilespmem:$0x1FE00] =	vst v63  }
0x9d: {  	s10 =	smov.u32 s2;
	s2 =	sadd.s32 $0x1C0, s2;
	_ =	swait.ge [sflag:s14], $0xE00  }
.Ltmp3:
0x9e: {  	[sflag:s14] =	ssyncset.done $0x0;
	(pc) =	sbr.rel @p0 .LBB2_8-.Ltmp3, $4  }
0x9f: {  	s10 =	sadd.s32 s10, s12;
	[sflag:s14] =	ssyncadd.s32 $0xFFFFF200  }
0xa0: {  	[hbm4b:s10+s5] =	stream.linear.scatter [tilespmem:s13], [sflag:$0x9], $0xE00, $0x38;
	[tilespmem:$0x1FE00] =	vst v63  }
0xa1: {  	_ =	swait.ge [sflag:s14], $0xE00  }
0xa2: {  	[sflag:s14] =	ssyncset.done $0x0  }
0xa3: {  	s10 =	rddreg [dreg:$0x6]  }
0xa4: {  	s2 =	rddreg [dreg:$0x5];
	s10 =	sadd.s32 $0x1, s10  }
0xa5: {  	p0 =	sne.s32 s10, s2  }
.Ltmp4:
0xa6: {  	_ = 	snop;
	(pc) =	sbr.rel @p0 .LBB2_1-.Ltmp4, $2  }
0xa7: {  	_ =	sdelay $0x2  }
0xa8: {  	[sflag:s14] =	ssyncadd.s32 $0xFFFFF200  }
0xa9: {  	_ =	sfence.sel $0x180000  }
0xaa: {  	[bflag:$0x0] =	sbarrier.arrive $0xFFFF  }
0xab: {  	_ =	strace $0x9000004A  }
0xac: {  	s0 =	stileid.u32;
	[bflag:$0x2] =	sbarrier.arrive $0xFFFF  }
0xad: {  	p0 =	sne.s32 s0, $0x0;
	s0 =	rddreg [dreg:$0x4]  }
0xae: {  	s0 =	sadd.s32 @!p0 $0x100000, s0  }
0xaf: {  	[sflag:s0] =	ssyncadd.tile.s32 @!p0 $0x1;
	_ =	shalt  }
.Lfunc_end2:
_tile_overlayer_lowered:
.L_overlay_start_2:
0xb0: {  	(tag) =	ssettag $0x2  }
0xb1: {  	s0 =	rddreg [dreg:$0x0];
	s2 =	stileid.u32  }
0xb2: {  	s1 =	rddreg [dreg:$0x1];
	p0 =	sne.s32 s2, $0x0  }
0xb3: {  	s3 =	rddreg [dreg:$0x2];
	[bflag:$0x3] =	sbarrier.arrive $0xFFFF;
	s2 =	simm.s32 @!p0 $0x1C09  }
0xb4: {  	[timem:s3], [sflag:s2] =	dma.local @!p0 [hbm:s0], s1  }
0xb5: {  	s0 =	simm.s32 @!p0 $0x9  }
0xb6: {  	_ =	swait.ge @!p0 [sflag:s0], s1  }
0xb7: {  	s1 =	ssub.s32 @!p0 $0x0, s1;
	[sflag:s0] =	ssyncset.done @!p0 $0x0  }
0xb8: {  	[sflag:s0] =	ssyncadd.s32 @!p0 s1  }
0xb9: {  	[bflag:$0x3] =	sbarrier.arrive $0xFFFF  }
0xba: {  	_ =	shalt  }

// kernel: kernel.16.cloned.1.call-start
scs
__scs_entry_jumppad:
0x0: {  	(pc) =	sbr.rel $0x88, $3  }
0x1: {  	(tag) =	ssettag $0x0;
	lr =	simm.s32 $0x1  }
0x2: {  	[smem:$0x3F8E] =	sst lr;
	_ =	strace $0xD0000000  }
0x3: {  	_ = 	snop  }
0x4: {  	_ = 	snop  }
0x5: {  	_ = 	snop  }
0x6: {  	_ = 	snop  }
0x7: {  	_ = 	snop  }
__scs_overlays_trampoline_lowered:
0x8: {  	[smem:$0x3F9D] =	sst s0  }
0x9: {  	[smem:$0x3F9E] =	sst s1  }
0xa: {  	[smem:$0x3F9F] =	sst s2  }
0xb: {  	[smem:$0x3FA0] =	sst s3  }
0xc: {  	[smem:$0x3FA1] =	sst s4  }
0xd: {  	[smem:$0x3FA2] =	sst s5  }
0xe: {  	[smem:$0x3FA3] =	sst s6  }
0xf: {  	[smem:$0x3FA4] =	sst s7  }
0x10: {  	[smem:$0x3FA5] =	sst s8  }
0x11: {  	[smem:$0x3FA6] =	sst s9;
	s0 =	simm.s32 @!p0 $0x0  }
0x12: {  	s1 =	sld [smem:$0x3F8C];
	s0 =	simm.s32 @p0 $0x1  }
0x13: {  	[smem:$0x3FA7] =	sst s0;
	s0 =	simm.s32 @!p1 $0x0  }
0x14: {  	s2 =	sld [smem:$0x3F8B];
	s0 =	simm.s32 @p1 $0x1  }
0x15: {  	[smem:$0x3FA8] =	sst s0;
	s0 =	simm.s32 @!p2 $0x0  }
0x16: {  	s3 =	sld [smem:$0x3FDB];
	s0 =	simm.s32 @p2 $0x1  }
0x17: {  	s4 =	simm.s32 $0x1BF5;
	[smem:$0x3FAA] =	sst s0  }
0x18: {  	s0 =	sld [smem:$0x3F8D];
	_ =	swait.ge [sflag:s4], $0x0  }
0x19: {  	s7 =	sld [smem:$0x3F8E]  }
0x1a: {  	s8 =	sadd.s32 $0xFFFFE003, lr  }
0x1b: {  	s9 =	sadd.s32 $0xFFFFFEF7, lr;
	s5 =	simm.s32 $0xFFFFFFFF;
	p2 =	slt.u32 s8, $0xFFFFF086  }
0x1c: {  	p1 =	slt.u32 s9, $0xF7A;
	s5 =	simm.s32 @!p2 $0x0  }
0x1d: {  	s5 =	simm.s32 @p1 $0x1;
	p0 =	seq.s32 s7, s2  }
0x1e: {  	s7 =	smul.u32 @!p0 $0xF7A, s2;
	p2 =	seq.s32 @!p0 s5, $0x0  }
0x1f: {  	s9 =	smul.u32 $0xF7A, s1;
	s8 =	simm.s32 @!p0 $0x1BF5;
	p2 =	por !p2, p0  }
0x20: {  	[sflag:s8] =	ssyncset.s32 @!p0 $0xFFFFF086;
	s6 =	sadd.s32 @!p0 s3, s7;
	s7 =	simm.s32 @!p0 $0x108  }
0x21: {  	s3 =	sadd.s32 s3, s9;
	s6 =	sadd.s32 @!p0 $0x88, s6;
	s7 =	simm.s32 @p2 $0x1082  }
0x22: {  	[simem:s7], [sflag:s8] =	dma.local @!p0 [hbm:s6], $0xF7A  }
0x23: {  	s9 =	sor.u32 $0xD0000000, s2;
	s6 =	simm.s32 $0x108;
	_ =	swait.ge @!p0 [sflag:s8], $0x0  }
0x24: {  	s3 =	sadd.s32 $0x88, s3;
	s6 =	simm.s32 @!p1 $0x1082;
	[sflag:s4] =	ssyncset.s32 $0xFFFFF086  }
0x25: {  	[simem:s6], [sflag:s4] =	dma.local [hbm:s3], $0xF7A  }
0x26: {  	[smem:$0x3F8E] =	sst s1;
	(tag) =	ssettag s2;
	_ =	strace s9  }
0x27: {  	s1 =	sld [smem:$0x3F9E]  }
0x28: {  	s2 =	sld [smem:$0x3F9F]  }
0x29: {  	s4 =	sld [smem:$0x3FA1]  }
0x2a: {  	p0 =	seq.s32 s5, $0x0;
	s5 =	sld [smem:$0x3FA2]  }
0x2b: {  	s6 =	sld [smem:$0x3FA3]  }
0x2c: {  	s7 =	sld [smem:$0x3FA4]  }
0x2d: {  	s3 =	simm.s32 $0x108;
	s8 =	sld [smem:$0x3FA5]  }
0x2e: {  	s3 =	simm.s32 @!p0 $0x1082;
	s9 =	sld [smem:$0x3FA6]  }
0x2f: {  	lr =	sadd.s32 s0, s3;
	s0 =	sld [smem:$0x3F9D]  }
0x30: {  	s3 =	sld [smem:$0x3FA0]  }
0x31: {  	[smem:$0x3FA9] =	sst s10  }
0x32: {  	s10 =	sld [smem:$0x3FA7];
	_ =	sdelay $0x3  }
0x33: {  	p0 =	seq.s32 s10, $0x1;
	s10 =	sld [smem:$0x3FA9];
	_ =	sdelay $0x3  }
0x34: {  	[smem:$0x3FA9] =	sst s10  }
0x35: {  	s10 =	sld [smem:$0x3FA8];
	_ =	sdelay $0x3  }
0x36: {  	p1 =	seq.s32 s10, $0x1;
	s10 =	sld [smem:$0x3FA9];
	_ =	sdelay $0x3  }
0x37: {  	[smem:$0x3FA9] =	sst s10  }
0x38: {  	s10 =	sld [smem:$0x3FAA]  }
0x39: {  	_ = 	snop;
	(pc) =	sbr.ind lr, $3  }
0x3a: {  	_ = 	snop  }
0x3b: {  	_ = 	snop  }
0x3c: {  	p2 =	seq.s32 s10, $0x1;
	s10 =	sld [smem:$0x3FA9]  }
0x3d: {  	_ =	shalt  }
0x3e: {  	_ =	shalt  }
0x3f: {  	_ =	shalt  }
0x40: {  	_ =	shalt  }
0x41: {  	_ =	shalt  }
0x42: {  	_ =	shalt  }
0x43: {  	_ =	shalt  }
0x44: {  	_ =	shalt  }
0x45: {  	_ =	shalt  }
0x46: {  	_ =	shalt  }
0x47: {  	_ =	shalt  }
0x48: {  	_ =	shalt  }
0x49: {  	_ =	shalt  }
0x4a: {  	_ =	shalt  }
0x4b: {  	_ =	shalt  }
0x4c: {  	_ =	shalt  }
0x4d: {  	_ =	shalt  }
0x4e: {  	_ =	shalt  }
0x4f: {  	_ =	shalt  }
0x50: {  	_ =	shalt  }
0x51: {  	_ =	shalt  }
0x52: {  	_ =	shalt  }
0x53: {  	_ =	shalt  }
0x54: {  	_ =	shalt  }
0x55: {  	_ =	shalt  }
0x56: {  	_ =	shalt  }
0x57: {  	_ =	shalt  }
0x58: {  	_ =	shalt  }
0x59: {  	_ =	shalt  }
0x5a: {  	_ =	shalt  }
0x5b: {  	_ =	shalt  }
0x5c: {  	_ =	shalt  }
0x5d: {  	_ =	shalt  }
0x5e: {  	_ =	shalt  }
0x5f: {  	_ =	shalt  }
0x60: {  	_ =	shalt  }
0x61: {  	_ =	shalt  }
0x62: {  	_ =	shalt  }
0x63: {  	_ =	shalt  }
0x64: {  	_ =	shalt  }
0x65: {  	_ =	shalt  }
0x66: {  	_ =	shalt  }
0x67: {  	_ =	shalt  }
0x68: {  	_ =	shalt  }
0x69: {  	_ =	shalt  }
0x6a: {  	_ =	shalt  }
0x6b: {  	_ =	shalt  }
0x6c: {  	_ =	shalt  }
0x6d: {  	_ =	shalt  }
0x6e: {  	_ =	shalt  }
0x6f: {  	_ =	shalt  }
0x70: {  	_ =	shalt  }
0x71: {  	_ =	shalt  }
0x72: {  	_ =	shalt  }
0x73: {  	_ =	shalt  }
0x74: {  	_ =	shalt  }
0x75: {  	_ =	shalt  }
0x76: {  	_ =	shalt  }
0x77: {  	_ =	shalt  }
0x78: {  	_ =	shalt  }
0x79: {  	_ =	shalt  }
0x7a: {  	_ =	shalt  }
0x7b: {  	_ =	shalt  }
0x7c: {  	_ =	shalt  }
0x7d: {  	_ =	shalt  }
0x7e: {  	_ =	shalt  }
0x7f: {  	_ =	shalt  }
0x80: {  	_ =	shalt  }
0x81: {  	_ =	shalt  }
0x82: {  	_ =	shalt  }
0x83: {  	_ =	shalt  }
0x84: {  	_ =	shalt  }
0x85: {  	_ =	shalt  }
0x86: {  	_ =	shalt  }
0x87: {  	_ =	shalt  }
.Lfunc_end0:
.L_simem_size_0:
called_computation.2_lowered:
.L_overlay_start_0:
0x88: {  	s2 =	sld [smem:$0x3FD9]  }
0x89: {  	s3 =	sld [smem:$0x3FFE];
	_ =	sdelay $0x1  }
0x8a: {  	s1 =	srdreg.scid  }
0x8b: {  	s0 =	sand.u32 $0x1, s1  }
0x8c: {  	s14 =	sshll.u32 s0, $0xA;
	s2 =	sadd.s32 s3, s2  }
0x8d: {  	s2 =	sadd.s32 s2, s14  }
0x8e: {  	[smem:$0x3FB5] =	sst s2  }
0x8f: {  	_ = 	snop  }
0x90: {  	s2 =	sld [smem:$0x3FD0];
	_ =	sdelay $0x2  }
0x91: {  	s15 =	simm.s32 $0xA;
	s4 =	simm.s32 $0x10  }
0x92: {  	[smem:s4], [sflag:s15] =	dma.local [hbm:s2], $0x1  }
0x93: {  	_ =	swait.eq [sflag:s15], $0x1  }
0x94: {  	[sflag:s15] =	ssyncset.done $0x0  }
0x95: {  	s16 =	sld [smem:$0x10];
	[sflag:s15] =	ssyncadd.s32 $0xFFFFFFFF  }
0x96: {  	s17 =	sld [smem:$0x12];
	(tm) =	ssettm $0x1  }
0x97: {  	s18 =	sld [smem:$0x3FFB];
	_ =	sdelay $0x3  }
0x98: {  	_ =	strace s18  }
0x99: {  	s4 =	sld [smem:$0x3FFC];
	_ =	sdelay $0x3  }
0x9a: {  	_ =	strace s4  }
0x9b: {  	s4 =	sld [smem:$0x3FFD];
	_ =	sdelay $0x3  }
0x9c: {  	_ =	strace s4  }
0x9d: {  	_ =	strace $0x8FFFFFFF  }
0x9e: {  	s19 =	sld [smem:$0x3FDB];
	_ =	sdelay $0x1  }
0x9f: {  	s5 =	simm.s32 $_scs_section_size  }
0xa0: {  	s6 =	simm.s32 $_size__tile_overlayer_lowered;
	s7 =	simm.s32 $_tile_overlayer_lowered  }
0xa1: {  	s22 =	simm.s32 $0x1BFF;
	s21 =	sshll.u32 s7, $0x1;
	s4 =	sadd.s32 s5, s19  }
0xa2: {  	s8 =	simm.s32 $0x0;
	s20 =	sshll.u32 s6, $0x1;
	s6 =	sadd.s32 s21, s4  }
0xa3: {  	[timem:s8], [sflag:s22] =	dma.local [hbm:s6], s20  }
0xa4: {  	_ =	swait.ge [sflag:s22], s20  }
0xa5: {  	s5 =	ssub.s32 $0x0, s20;
	[sflag:s22] =	ssyncset.done $0x0  }
0xa6: {  	[sflag:s22] =	ssyncadd.s32 s5;
	_ =	sdelay $0x1  }
0xa7: {  	s23 =	simm.s32 $0x1B8B  }
0xa8: {  	_ =	swait.ge [sflag:s23], $0x1  }
0xa9: {  	[sflag:s23] =	ssyncset.done $0x0  }
0xaa: {  	s25 =	simm.s32 $0x1B8E;
	s24 =	sld [smem:$0x3FFE];
	[sflag:s23] =	ssyncadd.s32 $0xFFFFFFFF  }
0xab: {  	s26 =	simm.s32 $execute0_lowered;
	[smem:$0x3FD2] =	sst s25  }
0xac: {  	s6 =	sshll.u32 s26, $0x1;
	_ =	strace $0x8000004C;
	[dreg:$0x1] =	wrdreg $0xFFFFFFFF  }
0xad: {  	s28 =	simm.s32 $_size_execute0_lowered;
	s4 =	sadd.s32 s4, s6;
	[dreg:$0x0] =	wrdreg $0x0  }
0xae: {  	s6 =	sshll.u32 s28, $0x1;
	[dreg:$0x2] =	wrdreg s4  }
0xaf: {  	[dreg:$0x3] =	wrdreg s6  }
0xb0: {  	[dreg:$0x4] =	wrdreg $0xC0  }
0xb1: {  	_ =	task [dreg:s8], $0x5FFFF  }
0xb2: {  	[dreg:$0x1] =	wrdreg $0xFFFFFFFF  }
0xb3: {  	[dreg:$0x0] =	wrdreg $0x60  }
0xb4: {  	[dreg:$0x2] =	wrdreg s24  }
0xb5: {  	[dreg:$0x3] =	wrdreg s17  }
0xb6: {  	[dreg:$0x4] =	wrdreg s16  }
0xb7: {  	[dreg:$0x5] =	wrdreg $0x0  }
0xb8: {  	[dreg:$0x6] =	wrdreg $0x9  }
0xb9: {  	_ =	task.clear_ibuf [dreg:s8], $0x7FFFF;
	_ =	strace $0x9000004C  }
0xba: {  	s29 =	simm.s32 $0x9;
	_ =	strace $0x8000004E  }
0xbb: {  	_ =	swait.ge [sflag:s29], $0x1  }
0xbc: {  	[sflag:s29] =	ssyncadd.s32 $0xFFFFFFFF  }
0xbd: {  	_ =	strace $0x9000004E  }
0xbe: {  	_ =	sfence  }
0xbf: {  	s30 =	sld [smem:$0x0];
	_ =	sdelay $0x2  }
0xc0: {  	s31 =	sshll.u32 s1, $0xD;
	s1 =	sshrl.u32 s1, $0x2  }
0xc1: {  	s3 =	sand.u32 $0x4000, s31;
	s1 =	sadd.s32 s1, s30  }
0xc2: {  	s0 =	sor.u32 s3, s0;
	s1 =	sshll.u32 s1, $0x11  }
0xc3: {  	s0 =	sor.u32 s1, s0  }
0xc4: {  	s0 =	sadd.s32 $0x8F2B, s0  }
0xc5: {  	[sflag:s0] =	ssyncadd.remote.s32 $0x1  }
0xc6: {  	_ =	sfence.sel $0xFFFF  }
0xc7: {  	[dreg:$0x0] =	wrdreg $0xFFFFFFFF;
	(pc) =	sbr.abs _section_cstart, $3  }
0xc8: {  	[dreg:$0x1] =	wrdreg $0xFFFFFFFF  }
0xc9: {  	_ =	task.clear_ibuf [dreg:s8], $0x2FFFF;
	_ =	strace $0x9FFFFFFF  }
0xca: {  	(tm) =	ssettm $0x7FFFFFFF  }
0xcb: {  	_ =	shalt  }
tec
execute0_lowered:
.L_overlay_start_1:
0x0: {  	(tag) =	ssettag $0x1  }
0x1: {  	s0 =	rddreg [dreg:$0x0]  }
0x2: {  	s3 =	rddreg [dreg:$0x3];
	s1 =	srdreg.scid  }
0x3: {  	s5 =	simm.s32 $0x0;
	s9 =	stileid.u32;
	s13 =	simm.s32 $0x1F000  }
0x4: {  	s14 =	simm.s32 $0x9;
	s15 =	simm.s32 $0x18800;
	s17 =	simm.s32 $0x80  }
0x5: {  	s18 =	simm.s32 $0x1B000;
	s20 =	simm.s32 $0x1C000;
	s22 =	simm.s32 $0x1D000  }
0x6: {  	s28 =	simm.s32 $0x2;
	s29 =	simm.s32 $0x6;
	s30 =	simm.s32 $0x3  }
0x7: {  	s31 =	simm.s32 $0x7;
	s16 =	simm.s32 $0x1AF80;
	s1 =	sand.u32 $0x1, s1  }
0x8: {  	[smem:$0x7FF] =	sst s5;
	s4 =	smul.u32 $0x18800, s9;
	s6 =	sadd.s32 $0x36C00, s0  }
0x9: {  	s7 =	sadd.s32 $0x1DC00, s0;
	s10 =	smul.u32 $0x62000, s9;
	s23 =	ssub.s32 $0x2, s1  }
0xa: {  	s2 =	smul.u32 $0x188000, s1;
	_ =	strace $0x8000004D;
	s8 =	sshrl.u32 s23, $0x1  }
0xb: {  	s26 =	sshrl.u32 s10, $0x2;
	s24 =	ssub.s32 s23, s8;
	s8 =	smul.u32 $0x190, s9  }
0xc: {  	s10 =	simm.s32 $0x0;
	s2 =	sadd.s32 s4, s2;
	s9 =	smul.u32 $0xC8000, s1  }
0xd: {  	s11 =	sadd.s32 s26, s3;
	s26 =	simm.s32 $0x5;
	s4 =	simm.s32 $0x8  }
0xe: {  	s1 =	simm.s32 $0x1AF00;
	s2 =	sshrl.u32 s2, $0x3;
	s25 =	smax.u32 s24, $0x1  }
0xf: {  	s24 =	simm.s32 $0x1E000;
	s0 =	sadd.s32 s2, s0;
	[dreg:$0x5] =	wrdreg s25  }
0x10: {  	s25 =	simm.s32 $0x1;
	s12 =	sadd.s32 $0x98C00, s0;
	s0 =	simm.s32 $0x4  }
.LBB2_1:
0x11: {  	[dreg:$0x6] =	wrdreg s10  }
0x12: {  	s2 =	rddreg [dreg:$0x2]  }
0x13: {  	[tilespmem:s13], [sflag:$0x9] =	stream.linear.gather [hbm4b:s2+s5], $0xE00, $0x38;
	[tilespmem:$0x1FE00] =	vst v63  }
0x14: {  	_ =	swait.ge [sflag:s14], $0xE00  }
0x15: {  	[sflag:s14] =	ssyncset.done $0x0  }
0x16: {  	s23 =	sadd.s32 $0x0, s11;
	[sflag:s14] =	ssyncadd.s32 $0xFFFFF200  }
0x17: {  	[spmem:s23] =	stream.linear.scatter [tilespmem:s13], [sflag:$0x9], $0xE00, $0x38;
	[tilespmem:$0x1FE00] =	vst v63  }
0x18: {  	s2 =	simm.s32 $0x3800;
	_ =	swait.ge [sflag:s14], $0xE00  }
.LBB2_2:
0x19: {  	s19 =	sshra.s32 s2, $0x2;
	[sflag:s14] =	ssyncset.done $0x0;
	p0 =	sne.s32 s2, $0x5E800  }
.Ltmp0:
0x1a: {  	s19 =	sadd.s32 s19, s11;
	[sflag:s14] =	ssyncadd.s32 $0xFFFFF200;
	(pc) =	sbr.rel @p0 .LBB2_2-.Ltmp0, $3  }
0x1b: {  	[spmem:s19] =	stream.linear.scatter [tilespmem:s13], [sflag:$0x9], $0xE00, $0x38;
	[tilespmem:$0x1FE00] =	vst v63  }
0x1c: {  	s2 =	sadd.s32 $0x3800, s2;
	_ =	sdelay $0x1  }
0x1d: {  	_ =	swait.ge [sflag:s14], $0xE00  }
0x1e: {  	[sflag:s14] =	ssyncset.done $0x0  }
0x1f: {  	[sflag:s14] =	ssyncadd.s32 $0xFFFFF200  }
0x20: {  	s19 =	simm.s32 $0x0;
	s21 =	simm.s32 $0x0;
	[bflag:$0x0] =	sbarrier.arrive $0xFFFF  }
.LBB2_4:
0x21: {  	s2 =	smul.u32 $0x28, s21;
	_ =	sdelay $0x1  }
0x22: {  	s2 =	sadd.s32 s8, s2  }
0x23: {  	s23 =	sshll.u32 s2, $0x7  }
0x24: {  	s23 =	sadd.s32 s9, s23  }
0x25: {  	s10 =	rddreg [dreg:$0x1];
	s23 =	sshrl.u32 s23, $0x3  }
0x26: {  	s23 =	sadd.s32 s10, s23  }
0x27: {  	[tilespmem:s15], [sflag:$0x9] =	stream.linear.gather [hbm4b:s23+s19], $0x1400, $0x38;
	[tilespmem:$0x1FE00] =	vst v63  }
0x28: {  	_ =	swait.ge [sflag:s14], $0x1400  }
0x29: {  	s2 =	sshll.u32 s2, $0x4;
	[sflag:s14] =	ssyncset.done $0x0  }
0x2a: {  	s2 =	sadd.s32 s7, s2;
	s23 =	simm.s32 $0x19C00;
	[sflag:s14] =	ssyncadd.s32 $0xFFFFEC00  }
0x2b: {  	[tilespmem:s23], [sflag:$0x9] =	stream.linear.gather [hbm4b:s2+s19], $0x1400, $0x38;
	[tilespmem:$0x1FE00] =	vst v63  }
0x2c: {  	_ =	swait.ge [sflag:s14], $0x1400  }
0x2d: {  	[sflag:s14] =	ssyncset.done $0x0  }
0x2e: {  	[sflag:s14] =	ssyncadd.s32 $0xFFFFEC00  }
0x2f: {  	[tilespmem:s18], [sflag:$0x1] =	stream.indirect.gather [hbm4b:s6+s17], $0x20, s15, s17, $0xb8;
	[tilespmem:$0x1FE00] =	vst v63  }
0x30: {  	s10 =	simm.s32 $0x18880  }
0x31: {  	[tilespmem:s20], [sflag:$0x2] =	stream.indirect.gather [hbm4b:s6+s17], $0x20, s10, s17, $0xb8;
	[tilespmem:$0x1FE00] =	vst v63  }
0x32: {  	s23 =	simm.s32 $0x18900  }
0x33: {  	[tilespmem:s22], [sflag:$0x3] =	stream.indirect.gather [hbm4b:s6+s17], $0x20, s23, s17, $0xb8;
	[tilespmem:$0x1FE00] =	vst v63  }
0x34: {  	s10 =	simm.s32 $0x18980  }
0x35: {  	[tilespmem:s24], [sflag:$0x4] =	stream.indirect.gather [hbm4b:s6+s17], $0x20, s10, s17, $0xb8;
	[tilespmem:$0x1FE00] =	vst v63  }
0x36: {  	_ =	swait.ge [sflag:s25], $0x1000  }
0x37: {  	[sflag:s25] =	ssyncset.done $0x0  }
0x38: {  	s23 =	simm.s32 $0x19C00;
	[sflag:s25] =	ssyncadd.s32 $0xFFFFF000  }
0x39: {  	[spmem:s3] =	stream.indirect.scatter.add.f32 [tilespmem:s18], [sflag:$0x5], $0x20, s23, s17, $0xb8;
	[tilespmem:$0x1FE00] =	vst v63  }
0x3a: {  	_ =	swait.ge [sflag:s26], $0x1000  }
0x3b: {  	[sflag:s26] =	ssyncset.done $0x0  }
0x3c: {  	s10 =	simm.s32 $0x18A00;
	[sflag:s26] =	ssyncadd.s32 $0xFFFFF000  }
0x3d: {  	[tilespmem:s18], [sflag:$0x1] =	stream.indirect.gather [hbm4b:s6+s17], $0x20, s10, s17, $0xb8;
	[tilespmem:$0x1FE00] =	vst v63  }
0x3e: {  	_ =	swait.ge [sflag:s28], $0x1000  }
0x3f: {  	[sflag:s28] =	ssyncset.done $0x0  }
0x40: {  	s23 =	simm.s32 $0x19C80;
	[sflag:s28] =	ssyncadd.s32 $0xFFFFF000  }
0x41: {  	[spmem:s3] =	stream.indirect.scatter.add.f32 [tilespmem:s20], [sflag:$0x6], $0x20, s23, s17, $0xb8;
	[tilespmem:$0x1FE00] =	vst v63  }
0x42: {  	_ =	swait.ge [sflag:s29], $0x1000  }
0x43: {  	[sflag:s29] =	ssyncset.done $0x0  }
0x44: {  	s10 =	simm.s32 $0x18A80;
	[sflag:s29] =	ssyncadd.s32 $0xFFFFF000  }
0x45: {  	[tilespmem:s20], [sflag:$0x2] =	stream.indirect.gather [hbm4b:s6+s17], $0x20, s10, s17, $0xb8;
	[tilespmem:$0x1FE00] =	vst v63  }
0x46: {  	_ =	swait.ge [sflag:s30], $0x1000  }
0x47: {  	[sflag:s30] =	ssyncset.done $0x0  }
0x48: {  	s23 =	simm.s32 $0x19D00;
	[sflag:s30] =	ssyncadd.s32 $0xFFFFF000  }
0x49: {  	[spmem:s3] =	stream.indirect.scatter.add.f32 [tilespmem:s22], [sflag:$0x7], $0x20, s23, s17, $0xb8;
	[tilespmem:$0x1FE00] =	vst v63  }
0x4a: {  	_ =	swait.ge [sflag:s31], $0x1000  }
0x4b: {  	[sflag:s31] =	ssyncset.done $0x0  }
0x4c: {  	s10 =	simm.s32 $0x18B00;
	[sflag:s31] =	ssyncadd.s32 $0xFFFFF000  }
0x4d: {  	[tilespmem:s22], [sflag:$0x3] =	stream.indirect.gather [hbm4b:s6+s17], $0x20, s10, s17, $0xb8;
	[tilespmem:$0x1FE00] =	vst v63  }
0x4e: {  	_ =	swait.ge [sflag:s0], $0x1000  }
0x4f: {  	[sflag:s0] =	ssyncset.done $0x0  }
0x50: {  	s23 =	simm.s32 $0x19D80;
	[sflag:s0] =	ssyncadd.s32 $0xFFFFF000  }
0x51: {  	[spmem:s3] =	stream.indirect.scatter.add.f32 [tilespmem:s24], [sflag:$0x8], $0x20, s23, s17, $0xb8;
	[tilespmem:$0x1FE00] =	vst v63  }
0x52: {  	_ =	swait.ge [sflag:s4], $0x1000  }
0x53: {  	[sflag:s4] =	ssyncset.done $0x0  }
0x54: {  	s2 =	simm.s32 $0x18B80;
	s23 =	simm.s32 $0x800;
	[sflag:s4] =	ssyncadd.s32 $0xFFFFF000  }
.LBB2_5:
0x55: {  	[tilespmem:s24], [sflag:$0x4] =	stream.indirect.gather [hbm4b:s6+s17], $0x20, s2, s17, $0xb8;
	[tilespmem:$0x1FE00] =	vst v63  }
0x56: {  	s2 =	smov.u32 s23  }
0x57: {  	p0 =	sne.s32 s23, $0x4000;
	s23 =	sadd.s32 $0x800, s23;
	_ =	swait.ge [sflag:s25], $0x1000  }
0x58: {  	s2 =	sshra.s32 s2, $0x2;
	[sflag:s25] =	ssyncset.done $0x0  }
0x59: {  	s10 =	sadd.s32 $0x19C00, s2;
	[sflag:s25] =	ssyncadd.s32 $0xFFFFF000  }
0x5a: {  	[spmem:s3] =	stream.indirect.scatter.add.f32 [tilespmem:s18], [sflag:$0x5], $0x20, s10, s17, $0xb8;
	[tilespmem:$0x1FE00] =	vst v63  }
0x5b: {  	_ =	swait.ge [sflag:s26], $0x1000  }
0x5c: {  	[sflag:s26] =	ssyncset.done $0x0  }
0x5d: {  	s10 =	sadd.s32 $0x18A00, s2;
	[sflag:s26] =	ssyncadd.s32 $0xFFFFF000  }
0x5e: {  	[tilespmem:s18], [sflag:$0x1] =	stream.indirect.gather [hbm4b:s6+s17], $0x20, s10, s17, $0xb8;
	[tilespmem:$0x1FE00] =	vst v63  }
0x5f: {  	_ =	swait.ge [sflag:s28], $0x1000  }
0x60: {  	[sflag:s28] =	ssyncset.done $0x0  }
0x61: {  	s10 =	sadd.s32 $0x19C80, s2;
	[sflag:s28] =	ssyncadd.s32 $0xFFFFF000  }
0x62: {  	[spmem:s3] =	stream.indirect.scatter.add.f32 [tilespmem:s20], [sflag:$0x6], $0x20, s10, s17, $0xb8;
	[tilespmem:$0x1FE00] =	vst v63  }
0x63: {  	_ =	swait.ge [sflag:s29], $0x1000  }
0x64: {  	[sflag:s29] =	ssyncset.done $0x0  }
0x65: {  	s10 =	sadd.s32 $0x18A80, s2;
	[sflag:s29] =	ssyncadd.s32 $0xFFFFF000  }
0x66: {  	[tilespmem:s20], [sflag:$0x2] =	stream.indirect.gather [hbm4b:s6+s17], $0x20, s10, s17, $0xb8;
	[tilespmem:$0x1FE00] =	vst v63  }
0x67: {  	_ =	swait.ge [sflag:s30], $0x1000  }
0x68: {  	[sflag:s30] =	ssyncset.done $0x0  }
0x69: {  	s10 =	sadd.s32 $0x19D00, s2;
	[sflag:s30] =	ssyncadd.s32 $0xFFFFF000  }
0x6a: {  	[spmem:s3] =	stream.indirect.scatter.add.f32 [tilespmem:s22], [sflag:$0x7], $0x20, s10, s17, $0xb8;
	[tilespmem:$0x1FE00] =	vst v63  }
0x6b: {  	_ =	swait.ge [sflag:s31], $0x1000  }
0x6c: {  	[sflag:s31] =	ssyncset.done $0x0  }
0x6d: {  	s10 =	sadd.s32 $0x18B00, s2;
	[sflag:s31] =	ssyncadd.s32 $0xFFFFF000  }
0x6e: {  	[tilespmem:s22], [sflag:$0x3] =	stream.indirect.gather [hbm4b:s6+s17], $0x20, s10, s17, $0xb8;
	[tilespmem:$0x1FE00] =	vst v63  }
0x6f: {  	_ =	swait.ge [sflag:s0], $0x1000  }
0x70: {  	[sflag:s0] =	ssyncset.done $0x0  }
.Ltmp1:
0x71: {  	s10 =	sadd.s32 $0x19D80, s2;
	[sflag:s0] =	ssyncadd.s32 $0xFFFFF000;
	(pc) =	sbr.rel @p0 .LBB2_5-.Ltmp1, $4  }
0x72: {  	[spmem:s3] =	stream.indirect.scatter.add.f32 [tilespmem:s24], [sflag:$0x8], $0x20, s10, s17, $0xb8;
	[tilespmem:$0x1FE00] =	vst v63  }
0x73: {  	_ =	swait.ge [sflag:s4], $0x1000  }
0x74: {  	[sflag:s4] =	ssyncset.done $0x0  }
0x75: {  	s2 =	sadd.s32 $0x18B80, s2;
	[sflag:s4] =	ssyncadd.s32 $0xFFFFF000  }
0x76: {  	[tilespmem:s24], [sflag:$0x4] =	stream.indirect.gather [hbm4b:s6+s17], $0x20, s2, s17, $0xb8;
	[tilespmem:$0x1FE00] =	vst v63  }
0x77: {  	_ =	swait.ge [sflag:s25], $0x1000  }
0x78: {  	[sflag:s25] =	ssyncset.done $0x0  }
0x79: {  	s10 =	simm.s32 $0x1AE00;
	[sflag:s25] =	ssyncadd.s32 $0xFFFFF000  }
0x7a: {  	[spmem:s3] =	stream.indirect.scatter.add.f32 [tilespmem:s18], [sflag:$0x5], $0x20, s10, s17, $0xb8;
	[tilespmem:$0x1FE00] =	vst v63  }
0x7b: {  	_ =	swait.ge [sflag:s26], $0x1000  }
0x7c: {  	[sflag:s26] =	ssyncset.done $0x0  }
0x7d: {  	[sflag:s26] =	ssyncadd.s32 $0xFFFFF000  }
0x7e: {  	_ =	swait.ge [sflag:s28], $0x1000  }
0x7f: {  	[sflag:s28] =	ssyncset.done $0x0  }
0x80: {  	s23 =	simm.s32 $0x1AE80;
	[sflag:s28] =	ssyncadd.s32 $0xFFFFF000  }
0x81: {  	[spmem:s3] =	stream.indirect.scatter.add.f32 [tilespmem:s20], [sflag:$0x6], $0x20, s23, s17, $0xb8;
	[tilespmem:$0x1FE00] =	vst v63  }
0x82: {  	_ =	swait.ge [sflag:s29], $0x1000  }
0x83: {  	[sflag:s29] =	ssyncset.done $0x0  }
0x84: {  	[sflag:s29] =	ssyncadd.s32 $0xFFFFF000  }
0x85: {  	_ =	swait.ge [sflag:s30], $0x1000  }
0x86: {  	[sflag:s30] =	ssyncset.done $0x0  }
0x87: {  	[sflag:s30] =	ssyncadd.s32 $0xFFFFF000  }
0x88: {  	[spmem:s3] =	stream.indirect.scatter.add.f32 [tilespmem:s22], [sflag:$0x7], $0x20, s1, s17, $0xb8;
	[tilespmem:$0x1FE00] =	vst v63  }
0x89: {  	_ =	swait.ge [sflag:s31], $0x1000  }
0x8a: {  	[sflag:s31] =	ssyncset.done $0x0  }
0x8b: {  	[sflag:s31] =	ssyncadd.s32 $0xFFFFF000  }
0x8c: {  	s21 =	sadd.s32 $0x1, s21;
	_ =	swait.ge [sflag:s0], $0x1000  }
0x8d: {  	p0 =	sne.s32 s21, $0xA;
	[sflag:s0] =	ssyncset.done $0x0  }
.Ltmp2:
0x8e: {  	[sflag:s0] =	ssyncadd.s32 $0xFFFFF000;
	(pc) =	sbr.rel @p0 .LBB2_4-.Ltmp2, $4  }
0x8f: {  	[spmem:s3] =	stream.indirect.scatter.add.f32 [tilespmem:s24], [sflag:$0x8], $0x20, s16, s17, $0xb8;
	[tilespmem:$0x1FE00] =	vst v63  }
0x90: {  	_ =	swait.ge [sflag:s4], $0x1000  }
0x91: {  	[sflag:s4] =	ssyncset.done $0x0  }
0x92: {  	[sflag:s4] =	ssyncadd.s32 $0xFFFFF000  }
0x93: {  	[bflag:$0x0] =	sbarrier.arrive $0xFFFF  }
0x94: {  	[tilespmem:s13], [sflag:$0x9] =	stream.linear.gather [spmem:s11], $0xE00, $0x38;
	[tilespmem:$0x1FE00] =	vst v63  }
0x95: {  	_ =	swait.ge [sflag:s14], $0xE00  }
0x96: {  	[sflag:s14] =	ssyncset.done $0x0  }
0x97: {  	s2 =	sadd.s32 $0x0, s12;
	[sflag:s14] =	ssyncadd.s32 $0xFFFFF200  }
0x98: {  	[hbm4b:s2+s5] =	stream.linear.scatter [tilespmem:s13], [sflag:$0x9], $0xE00, $0x38;
	[tilespmem:$0x1FE00] =	vst v63  }
0x99: {  	_ =	swait.ge [sflag:s14], $0xE00  }
0x9a: {  	s19 =	smov.u32 s11;
	s2 =	simm.s32 $0x1C0;
	[sflag:s14] =	ssyncset.done $0x0  }
.LBB2_8:
0x9b: {  	p0 =	sne.s32 s2, $0x2F40;
	[sflag:s14] =	ssyncadd.s32 $0xFFFFF200;
	s19 =	sadd.s32 $0xE00, s19  }
0x9c: {  	[tilespmem:s13], [sflag:$0x9] =	stream.linear.gather [spmem:s19], $0xE00, $0x38;
	[tilespmem:$0x1FE00] =	vst v63  }
0x9d: {  	s10 =	smov.u32 s2;
	s2 =	sadd.s32 $0x1C0, s2;
	_ =	swait.ge [sflag:s14], $0xE00  }
.Ltmp3:
0x9e: {  	[sflag:s14] =	ssyncset.done $0x0;
	(pc) =	sbr.rel @p0 .LBB2_8-.Ltmp3, $4  }
0x9f: {  	s10 =	sadd.s32 s10, s12;
	[sflag:s14] =	ssyncadd.s32 $0xFFFFF200  }
0xa0: {  	[hbm4b:s10+s5] =	stream.linear.scatter [tilespmem:s13], [sflag:$0x9], $0xE00, $0x38;
	[tilespmem:$0x1FE00] =	vst v63  }
0xa1: {  	_ =	swait.ge [sflag:s14], $0xE00  }
0xa2: {  	[sflag:s14] =	ssyncset.done $0x0  }
0xa3: {  	s10 =	rddreg [dreg:$0x6]  }
0xa4: {  	s2 =	rddreg [dreg:$0x5];
	s10 =	sadd.s32 $0x1, s10  }
0xa5: {  	p0 =	sne.s32 s10, s2  }
.Ltmp4:
0xa6: {  	_ = 	snop;
	(pc) =	sbr.rel @p0 .LBB2_1-.Ltmp4, $2  }
0xa7: {  	_ =	sdelay $0x2  }
0xa8: {  	[sflag:s14] =	ssyncadd.s32 $0xFFFFF200  }
0xa9: {  	_ =	sfence.sel $0x180000  }
0xaa: {  	[bflag:$0x0] =	sbarrier.arrive $0xFFFF  }
0xab: {  	_ =	strace $0x9000004D  }
0xac: {  	s0 =	stileid.u32;
	[bflag:$0x2] =	sbarrier.arrive $0xFFFF  }
0xad: {  	p0 =	sne.s32 s0, $0x0;
	s0 =	rddreg [dreg:$0x4]  }
0xae: {  	s0 =	sadd.s32 @!p0 $0x100000, s0  }
0xaf: {  	[sflag:s0] =	ssyncadd.tile.s32 @!p0 $0x1;
	_ =	shalt  }
.Lfunc_end2:
_tile_overlayer_lowered:
.L_overlay_start_2:
0xb0: {  	(tag) =	ssettag $0x2  }
0xb1: {  	s0 =	rddreg [dreg:$0x0];
	s2 =	stileid.u32  }
0xb2: {  	s1 =	rddreg [dreg:$0x1];
	p0 =	sne.s32 s2, $0x0  }
0xb3: {  	s3 =	rddreg [dreg:$0x2];
	[bflag:$0x3] =	sbarrier.arrive $0xFFFF;
	s2 =	simm.s32 @!p0 $0x1C09  }
0xb4: {  	[timem:s3], [sflag:s2] =	dma.local @!p0 [hbm:s0], s1  }
0xb5: {  	s0 =	simm.s32 @!p0 $0x9  }
0xb6: {  	_ =	swait.ge @!p0 [sflag:s0], s1  }
0xb7: {  	s1 =	ssub.s32 @!p0 $0x0, s1;
	[sflag:s0] =	ssyncset.done @!p0 $0x0  }
0xb8: {  	[sflag:s0] =	ssyncadd.s32 @!p0 s1  }
0xb9: {  	[bflag:$0x3] =	sbarrier.arrive $0xFFFF  }
0xba: {  	_ =	shalt  }

// kernel: kernel.19.cloned.1.call-start
scs
__scs_entry_jumppad:
0x0: {  	(pc) =	sbr.rel $0x88, $3  }
0x1: {  	(tag) =	ssettag $0x0;
	lr =	simm.s32 $0x1  }
0x2: {  	[smem:$0x3F8E] =	sst lr;
	_ =	strace $0xD0000000  }
0x3: {  	_ = 	snop  }
0x4: {  	_ = 	snop  }
0x5: {  	_ = 	snop  }
0x6: {  	_ = 	snop  }
0x7: {  	_ = 	snop  }
__scs_overlays_trampoline_lowered:
0x8: {  	[smem:$0x3F9D] =	sst s0  }
0x9: {  	[smem:$0x3F9E] =	sst s1  }
0xa: {  	[smem:$0x3F9F] =	sst s2  }
0xb: {  	[smem:$0x3FA0] =	sst s3  }
0xc: {  	[smem:$0x3FA1] =	sst s4  }
0xd: {  	[smem:$0x3FA2] =	sst s5  }
0xe: {  	[smem:$0x3FA3] =	sst s6  }
0xf: {  	[smem:$0x3FA4] =	sst s7  }
0x10: {  	[smem:$0x3FA5] =	sst s8  }
0x11: {  	[smem:$0x3FA6] =	sst s9;
	s0 =	simm.s32 @!p0 $0x0  }
0x12: {  	s1 =	sld [smem:$0x3F8C];
	s0 =	simm.s32 @p0 $0x1  }
0x13: {  	[smem:$0x3FA7] =	sst s0;
	s0 =	simm.s32 @!p1 $0x0  }
0x14: {  	s2 =	sld [smem:$0x3F8B];
	s0 =	simm.s32 @p1 $0x1  }
0x15: {  	[smem:$0x3FA8] =	sst s0;
	s0 =	simm.s32 @!p2 $0x0  }
0x16: {  	s3 =	sld [smem:$0x3FDB];
	s0 =	simm.s32 @p2 $0x1  }
0x17: {  	s4 =	simm.s32 $0x1BF5;
	[smem:$0x3FAA] =	sst s0  }
0x18: {  	s0 =	sld [smem:$0x3F8D];
	_ =	swait.ge [sflag:s4], $0x0  }
0x19: {  	s7 =	sld [smem:$0x3F8E]  }
0x1a: {  	s8 =	sadd.s32 $0xFFFFE003, lr  }
0x1b: {  	s9 =	sadd.s32 $0xFFFFFEF7, lr;
	s5 =	simm.s32 $0xFFFFFFFF;
	p2 =	slt.u32 s8, $0xFFFFF086  }
0x1c: {  	p1 =	slt.u32 s9, $0xF7A;
	s5 =	simm.s32 @!p2 $0x0  }
0x1d: {  	s5 =	simm.s32 @p1 $0x1;
	p0 =	seq.s32 s7, s2  }
0x1e: {  	s7 =	smul.u32 @!p0 $0xF7A, s2;
	p2 =	seq.s32 @!p0 s5, $0x0  }
0x1f: {  	s9 =	smul.u32 $0xF7A, s1;
	s8 =	simm.s32 @!p0 $0x1BF5;
	p2 =	por !p2, p0  }
0x20: {  	[sflag:s8] =	ssyncset.s32 @!p0 $0xFFFFF086;
	s6 =	sadd.s32 @!p0 s3, s7;
	s7 =	simm.s32 @!p0 $0x108  }
0x21: {  	s3 =	sadd.s32 s3, s9;
	s6 =	sadd.s32 @!p0 $0x88, s6;
	s7 =	simm.s32 @p2 $0x1082  }
0x22: {  	[simem:s7], [sflag:s8] =	dma.local @!p0 [hbm:s6], $0xF7A  }
0x23: {  	s9 =	sor.u32 $0xD0000000, s2;
	s6 =	simm.s32 $0x108;
	_ =	swait.ge @!p0 [sflag:s8], $0x0  }
0x24: {  	s3 =	sadd.s32 $0x88, s3;
	s6 =	simm.s32 @!p1 $0x1082;
	[sflag:s4] =	ssyncset.s32 $0xFFFFF086  }
0x25: {  	[simem:s6], [sflag:s4] =	dma.local [hbm:s3], $0xF7A  }
0x26: {  	[smem:$0x3F8E] =	sst s1;
	(tag) =	ssettag s2;
	_ =	strace s9  }
0x27: {  	s1 =	sld [smem:$0x3F9E]  }
0x28: {  	s2 =	sld [smem:$0x3F9F]  }
0x29: {  	s4 =	sld [smem:$0x3FA1]  }
0x2a: {  	p0 =	seq.s32 s5, $0x0;
	s5 =	sld [smem:$0x3FA2]  }
0x2b: {  	s6 =	sld [smem:$0x3FA3]  }
0x2c: {  	s7 =	sld [smem:$0x3FA4]  }
0x2d: {  	s3 =	simm.s32 $0x108;
	s8 =	sld [smem:$0x3FA5]  }
0x2e: {  	s3 =	simm.s32 @!p0 $0x1082;
	s9 =	sld [smem:$0x3FA6]  }
0x2f: {  	lr =	sadd.s32 s0, s3;
	s0 =	sld [smem:$0x3F9D]  }
0x30: {  	s3 =	sld [smem:$0x3FA0]  }
0x31: {  	[smem:$0x3FA9] =	sst s10  }
0x32: {  	s10 =	sld [smem:$0x3FA7];
	_ =	sdelay $0x3  }
0x33: {  	p0 =	seq.s32 s10, $0x1;
	s10 =	sld [smem:$0x3FA9];
	_ =	sdelay $0x3  }
0x34: {  	[smem:$0x3FA9] =	sst s10  }
0x35: {  	s10 =	sld [smem:$0x3FA8];
	_ =	sdelay $0x3  }
0x36: {  	p1 =	seq.s32 s10, $0x1;
	s10 =	sld [smem:$0x3FA9];
	_ =	sdelay $0x3  }
0x37: {  	[smem:$0x3FA9] =	sst s10  }
0x38: {  	s10 =	sld [smem:$0x3FAA]  }
0x39: {  	_ = 	snop;
	(pc) =	sbr.ind lr, $3  }
0x3a: {  	_ = 	snop  }
0x3b: {  	_ = 	snop  }
0x3c: {  	p2 =	seq.s32 s10, $0x1;
	s10 =	sld [smem:$0x3FA9]  }
0x3d: {  	_ =	shalt  }
0x3e: {  	_ =	shalt  }
0x3f: {  	_ =	shalt  }
0x40: {  	_ =	shalt  }
0x41: {  	_ =	shalt  }
0x42: {  	_ =	shalt  }
0x43: {  	_ =	shalt  }
0x44: {  	_ =	shalt  }
0x45: {  	_ =	shalt  }
0x46: {  	_ =	shalt  }
0x47: {  	_ =	shalt  }
0x48: {  	_ =	shalt  }
0x49: {  	_ =	shalt  }
0x4a: {  	_ =	shalt  }
0x4b: {  	_ =	shalt  }
0x4c: {  	_ =	shalt  }
0x4d: {  	_ =	shalt  }
0x4e: {  	_ =	shalt  }
0x4f: {  	_ =	shalt  }
0x50: {  	_ =	shalt  }
0x51: {  	_ =	shalt  }
0x52: {  	_ =	shalt  }
0x53: {  	_ =	shalt  }
0x54: {  	_ =	shalt  }
0x55: {  	_ =	shalt  }
0x56: {  	_ =	shalt  }
0x57: {  	_ =	shalt  }
0x58: {  	_ =	shalt  }
0x59: {  	_ =	shalt  }
0x5a: {  	_ =	shalt  }
0x5b: {  	_ =	shalt  }
0x5c: {  	_ =	shalt  }
0x5d: {  	_ =	shalt  }
0x5e: {  	_ =	shalt  }
0x5f: {  	_ =	shalt  }
0x60: {  	_ =	shalt  }
0x61: {  	_ =	shalt  }
0x62: {  	_ =	shalt  }
0x63: {  	_ =	shalt  }
0x64: {  	_ =	shalt  }
0x65: {  	_ =	shalt  }
0x66: {  	_ =	shalt  }
0x67: {  	_ =	shalt  }
0x68: {  	_ =	shalt  }
0x69: {  	_ =	shalt  }
0x6a: {  	_ =	shalt  }
0x6b: {  	_ =	shalt  }
0x6c: {  	_ =	shalt  }
0x6d: {  	_ =	shalt  }
0x6e: {  	_ =	shalt  }
0x6f: {  	_ =	shalt  }
0x70: {  	_ =	shalt  }
0x71: {  	_ =	shalt  }
0x72: {  	_ =	shalt  }
0x73: {  	_ =	shalt  }
0x74: {  	_ =	shalt  }
0x75: {  	_ =	shalt  }
0x76: {  	_ =	shalt  }
0x77: {  	_ =	shalt  }
0x78: {  	_ =	shalt  }
0x79: {  	_ =	shalt  }
0x7a: {  	_ =	shalt  }
0x7b: {  	_ =	shalt  }
0x7c: {  	_ =	shalt  }
0x7d: {  	_ =	shalt  }
0x7e: {  	_ =	shalt  }
0x7f: {  	_ =	shalt  }
0x80: {  	_ =	shalt  }
0x81: {  	_ =	shalt  }
0x82: {  	_ =	shalt  }
0x83: {  	_ =	shalt  }
0x84: {  	_ =	shalt  }
0x85: {  	_ =	shalt  }
0x86: {  	_ =	shalt  }
0x87: {  	_ =	shalt  }
.Lfunc_end0:
.L_simem_size_0:
called_computation.3_lowered:
.L_overlay_start_0:
0x88: {  	s2 =	sld [smem:$0x3FD9]  }
0x89: {  	s3 =	sld [smem:$0x3FFE];
	_ =	sdelay $0x1  }
0x8a: {  	s1 =	srdreg.scid  }
0x8b: {  	s0 =	sand.u32 $0x1, s1  }
0x8c: {  	s14 =	sshll.u32 s0, $0xA;
	s2 =	sadd.s32 s3, s2  }
0x8d: {  	s2 =	sadd.s32 s2, s14  }
0x8e: {  	[smem:$0x3FB5] =	sst s2  }
0x8f: {  	_ = 	snop  }
0x90: {  	s2 =	sld [smem:$0x3FD0];
	_ =	sdelay $0x2  }
0x91: {  	s15 =	simm.s32 $0xA;
	s4 =	simm.s32 $0x10  }
0x92: {  	[smem:s4], [sflag:s15] =	dma.local [hbm:s2], $0x1  }
0x93: {  	_ =	swait.eq [sflag:s15], $0x1  }
0x94: {  	[sflag:s15] =	ssyncset.done $0x0  }
0x95: {  	s16 =	sld [smem:$0x10];
	[sflag:s15] =	ssyncadd.s32 $0xFFFFFFFF  }
0x96: {  	s17 =	sld [smem:$0x12];
	(tm) =	ssettm $0x1  }
0x97: {  	s18 =	sld [smem:$0x3FFB];
	_ =	sdelay $0x3  }
0x98: {  	_ =	strace s18  }
0x99: {  	s4 =	sld [smem:$0x3FFC];
	_ =	sdelay $0x3  }
0x9a: {  	_ =	strace s4  }
0x9b: {  	s4 =	sld [smem:$0x3FFD];
	_ =	sdelay $0x3  }
0x9c: {  	_ =	strace s4  }
0x9d: {  	_ =	strace $0x8FFFFFFF  }
0x9e: {  	s19 =	sld [smem:$0x3FDB];
	_ =	sdelay $0x1  }
0x9f: {  	s5 =	simm.s32 $_scs_section_size  }
0xa0: {  	s6 =	simm.s32 $_size__tile_overlayer_lowered;
	s7 =	simm.s32 $_tile_overlayer_lowered  }
0xa1: {  	s22 =	simm.s32 $0x1BFF;
	s21 =	sshll.u32 s7, $0x1;
	s4 =	sadd.s32 s5, s19  }
0xa2: {  	s8 =	simm.s32 $0x0;
	s20 =	sshll.u32 s6, $0x1;
	s6 =	sadd.s32 s21, s4  }
0xa3: {  	[timem:s8], [sflag:s22] =	dma.local [hbm:s6], s20  }
0xa4: {  	_ =	swait.ge [sflag:s22], s20  }
0xa5: {  	s5 =	ssub.s32 $0x0, s20;
	[sflag:s22] =	ssyncset.done $0x0  }
0xa6: {  	[sflag:s22] =	ssyncadd.s32 s5;
	_ =	sdelay $0x1  }
0xa7: {  	s23 =	simm.s32 $0x1B8B  }
0xa8: {  	_ =	swait.ge [sflag:s23], $0x1  }
0xa9: {  	[sflag:s23] =	ssyncset.done $0x0  }
0xaa: {  	s25 =	simm.s32 $0x1B8E;
	s24 =	sld [smem:$0x3FFE];
	[sflag:s23] =	ssyncadd.s32 $0xFFFFFFFF  }
0xab: {  	s26 =	simm.s32 $execute0_lowered;
	[smem:$0x3FD2] =	sst s25  }
0xac: {  	s6 =	sshll.u32 s26, $0x1;
	_ =	strace $0x8000004F;
	[dreg:$0x1] =	wrdreg $0xFFFFFFFF  }
0xad: {  	s28 =	simm.s32 $_size_execute0_lowered;
	s4 =	sadd.s32 s4, s6;
	[dreg:$0x0] =	wrdreg $0x0  }
0xae: {  	s6 =	sshll.u32 s28, $0x1;
	[dreg:$0x2] =	wrdreg s4  }
0xaf: {  	[dreg:$0x3] =	wrdreg s6  }
0xb0: {  	[dreg:$0x4] =	wrdreg $0xC0  }
0xb1: {  	_ =	task [dreg:s8], $0x5FFFF  }
0xb2: {  	[dreg:$0x1] =	wrdreg $0xFFFFFFFF  }
0xb3: {  	[dreg:$0x0] =	wrdreg $0x60  }
0xb4: {  	[dreg:$0x2] =	wrdreg s24  }
0xb5: {  	[dreg:$0x3] =	wrdreg s17  }
0xb6: {  	[dreg:$0x4] =	wrdreg s16  }
0xb7: {  	[dreg:$0x5] =	wrdreg $0x0  }
0xb8: {  	[dreg:$0x6] =	wrdreg $0x9  }
0xb9: {  	_ =	task.clear_ibuf [dreg:s8], $0x7FFFF;
	_ =	strace $0x9000004F  }
0xba: {  	s29 =	simm.s32 $0x9;
	_ =	strace $0x80000051  }
0xbb: {  	_ =	swait.ge [sflag:s29], $0x1  }
0xbc: {  	[sflag:s29] =	ssyncadd.s32 $0xFFFFFFFF  }
0xbd: {  	_ =	strace $0x90000051  }
0xbe: {  	_ =	sfence  }
0xbf: {  	s30 =	sld [smem:$0x0];
	_ =	sdelay $0x2  }
0xc0: {  	s31 =	sshll.u32 s1, $0xD;
	s1 =	sshrl.u32 s1, $0x2  }
0xc1: {  	s3 =	sand.u32 $0x4000, s31;
	s1 =	sadd.s32 s1, s30  }
0xc2: {  	s0 =	sor.u32 s3, s0;
	s1 =	sshll.u32 s1, $0x11  }
0xc3: {  	s0 =	sor.u32 s1, s0  }
0xc4: {  	s0 =	sadd.s32 $0x8F2B, s0  }
0xc5: {  	[sflag:s0] =	ssyncadd.remote.s32 $0x1  }
0xc6: {  	_ =	sfence.sel $0xFFFF  }
0xc7: {  	[dreg:$0x0] =	wrdreg $0xFFFFFFFF;
	(pc) =	sbr.abs _section_cstart, $3  }
0xc8: {  	[dreg:$0x1] =	wrdreg $0xFFFFFFFF  }
0xc9: {  	_ =	task.clear_ibuf [dreg:s8], $0x2FFFF;
	_ =	strace $0x9FFFFFFF  }
0xca: {  	(tm) =	ssettm $0x7FFFFFFF  }
0xcb: {  	_ =	shalt  }
tec
execute0_lowered:
.L_overlay_start_1:
0x0: {  	(tag) =	ssettag $0x1  }
0x1: {  	s0 =	rddreg [dreg:$0x0]  }
0x2: {  	s3 =	rddreg [dreg:$0x3];
	s1 =	srdreg.scid  }
0x3: {  	s5 =	simm.s32 $0x0;
	s9 =	stileid.u32;
	s13 =	simm.s32 $0x1F000  }
0x4: {  	s14 =	simm.s32 $0x9;
	s15 =	simm.s32 $0x18800;
	s17 =	simm.s32 $0x80  }
0x5: {  	s18 =	simm.s32 $0x1B000;
	s20 =	simm.s32 $0x1C000;
	s22 =	simm.s32 $0x1D000  }
0x6: {  	s28 =	simm.s32 $0x2;
	s29 =	simm.s32 $0x6;
	s30 =	simm.s32 $0x3  }
0x7: {  	s31 =	simm.s32 $0x7;
	s16 =	simm.s32 $0x1AF80;
	s1 =	sand.u32 $0x1, s1  }
0x8: {  	[smem:$0x7FF] =	sst s5;
	s4 =	smul.u32 $0x18800, s9;
	s6 =	sadd.s32 $0x36C00, s0  }
0x9: {  	s7 =	sadd.s32 $0x1DC00, s0;
	s10 =	smul.u32 $0x62000, s9;
	s23 =	ssub.s32 $0x2, s1  }
0xa: {  	s2 =	smul.u32 $0x188000, s1;
	_ =	strace $0x80000050;
	s8 =	sshrl.u32 s23, $0x1  }
0xb: {  	s26 =	sshrl.u32 s10, $0x2;
	s24 =	ssub.s32 s23, s8;
	s8 =	smul.u32 $0x190, s9  }
0xc: {  	s10 =	simm.s32 $0x0;
	s2 =	sadd.s32 s4, s2;
	s9 =	smul.u32 $0xC8000, s1  }
0xd: {  	s11 =	sadd.s32 s26, s3;
	s26 =	simm.s32 $0x5;
	s4 =	simm.s32 $0x8  }
0xe: {  	s1 =	simm.s32 $0x1AF00;
	s2 =	sshrl.u32 s2, $0x3;
	s25 =	smax.u32 s24, $0x1  }
0xf: {  	s24 =	simm.s32 $0x1E000;
	s0 =	sadd.s32 s2, s0;
	[dreg:$0x5] =	wrdreg s25  }
0x10: {  	s25 =	simm.s32 $0x1;
	s12 =	sadd.s32 $0x98C00, s0;
	s0 =	simm.s32 $0x4  }
.LBB2_1:
0x11: {  	[dreg:$0x6] =	wrdreg s10  }
0x12: {  	s2 =	rddreg [dreg:$0x2]  }
0x13: {  	[tilespmem:s13], [sflag:$0x9] =	stream.linear.gather [hbm4b:s2+s5], $0xE00, $0x38;
	[tilespmem:$0x1FE00] =	vst v63  }
0x14: {  	_ =	swait.ge [sflag:s14], $0xE00  }
0x15: {  	[sflag:s14] =	ssyncset.done $0x0  }
0x16: {  	s23 =	sadd.s32 $0x0, s11;
	[sflag:s14] =	ssyncadd.s32 $0xFFFFF200  }
0x17: {  	[spmem:s23] =	stream.linear.scatter [tilespmem:s13], [sflag:$0x9], $0xE00, $0x38;
	[tilespmem:$0x1FE00] =	vst v63  }
0x18: {  	s2 =	simm.s32 $0x3800;
	_ =	swait.ge [sflag:s14], $0xE00  }
.LBB2_2:
0x19: {  	s19 =	sshra.s32 s2, $0x2;
	[sflag:s14] =	ssyncset.done $0x0;
	p0 =	sne.s32 s2, $0x5E800  }
.Ltmp0:
0x1a: {  	s19 =	sadd.s32 s19, s11;
	[sflag:s14] =	ssyncadd.s32 $0xFFFFF200;
	(pc) =	sbr.rel @p0 .LBB2_2-.Ltmp0, $3  }
0x1b: {  	[spmem:s19] =	stream.linear.scatter [tilespmem:s13], [sflag:$0x9], $0xE00, $0x38;
	[tilespmem:$0x1FE00] =	vst v63  }
0x1c: {  	s2 =	sadd.s32 $0x3800, s2;
	_ =	sdelay $0x1  }
0x1d: {  	_ =	swait.ge [sflag:s14], $0xE00  }
0x1e: {  	[sflag:s14] =	ssyncset.done $0x0  }
0x1f: {  	[sflag:s14] =	ssyncadd.s32 $0xFFFFF200  }
0x20: {  	s19 =	simm.s32 $0x0;
	s21 =	simm.s32 $0x0;
	[bflag:$0x0] =	sbarrier.arrive $0xFFFF  }
.LBB2_4:
0x21: {  	s2 =	smul.u32 $0x28, s21;
	_ =	sdelay $0x1  }
0x22: {  	s2 =	sadd.s32 s8, s2  }
0x23: {  	s23 =	sshll.u32 s2, $0x7  }
0x24: {  	s23 =	sadd.s32 s9, s23  }
0x25: {  	s10 =	rddreg [dreg:$0x1];
	s23 =	sshrl.u32 s23, $0x3  }
0x26: {  	s23 =	sadd.s32 s10, s23  }
0x27: {  	[tilespmem:s15], [sflag:$0x9] =	stream.linear.gather [hbm4b:s23+s19], $0x1400, $0x38;
	[tilespmem:$0x1FE00] =	vst v63  }
0x28: {  	_ =	swait.ge [sflag:s14], $0x1400  }
0x29: {  	s2 =	sshll.u32 s2, $0x4;
	[sflag:s14] =	ssyncset.done $0x0  }
0x2a: {  	s2 =	sadd.s32 s7, s2;
	s23 =	simm.s32 $0x19C00;
	[sflag:s14] =	ssyncadd.s32 $0xFFFFEC00  }
0x2b: {  	[tilespmem:s23], [sflag:$0x9] =	stream.linear.gather [hbm4b:s2+s19], $0x1400, $0x38;
	[tilespmem:$0x1FE00] =	vst v63  }
0x2c: {  	_ =	swait.ge [sflag:s14], $0x1400  }
0x2d: {  	[sflag:s14] =	ssyncset.done $0x0  }
0x2e: {  	[sflag:s14] =	ssyncadd.s32 $0xFFFFEC00  }
0x2f: {  	[tilespmem:s18], [sflag:$0x1] =	stream.indirect.gather [hbm4b:s6+s17], $0x20, s15, s17, $0xb8;
	[tilespmem:$0x1FE00] =	vst v63  }
0x30: {  	s10 =	simm.s32 $0x18880  }
0x31: {  	[tilespmem:s20], [sflag:$0x2] =	stream.indirect.gather [hbm4b:s6+s17], $0x20, s10, s17, $0xb8;
	[tilespmem:$0x1FE00] =	vst v63  }
0x32: {  	s23 =	simm.s32 $0x18900  }
0x33: {  	[tilespmem:s22], [sflag:$0x3] =	stream.indirect.gather [hbm4b:s6+s17], $0x20, s23, s17, $0xb8;
	[tilespmem:$0x1FE00] =	vst v63  }
0x34: {  	s10 =	simm.s32 $0x18980  }
0x35: {  	[tilespmem:s24], [sflag:$0x4] =	stream.indirect.gather [hbm4b:s6+s17], $0x20, s10, s17, $0xb8;
	[tilespmem:$0x1FE00] =	vst v63  }
0x36: {  	_ =	swait.ge [sflag:s25], $0x1000  }
0x37: {  	[sflag:s25] =	ssyncset.done $0x0  }
0x38: {  	s23 =	simm.s32 $0x19C00;
	[sflag:s25] =	ssyncadd.s32 $0xFFFFF000  }
0x39: {  	[spmem:s3] =	stream.indirect.scatter.add.f32 [tilespmem:s18], [sflag:$0x5], $0x20, s23, s17, $0xb8;
	[tilespmem:$0x1FE00] =	vst v63  }
0x3a: {  	_ =	swait.ge [sflag:s26], $0x1000  }
0x3b: {  	[sflag:s26] =	ssyncset.done $0x0  }
0x3c: {  	s10 =	simm.s32 $0x18A00;
	[sflag:s26] =	ssyncadd.s32 $0xFFFFF000  }
0x3d: {  	[tilespmem:s18], [sflag:$0x1] =	stream.indirect.gather [hbm4b:s6+s17], $0x20, s10, s17, $0xb8;
	[tilespmem:$0x1FE00] =	vst v63  }
0x3e: {  	_ =	swait.ge [sflag:s28], $0x1000  }
0x3f: {  	[sflag:s28] =	ssyncset.done $0x0  }
0x40: {  	s23 =	simm.s32 $0x19C80;
	[sflag:s28] =	ssyncadd.s32 $0xFFFFF000  }
0x41: {  	[spmem:s3] =	stream.indirect.scatter.add.f32 [tilespmem:s20], [sflag:$0x6], $0x20, s23, s17, $0xb8;
	[tilespmem:$0x1FE00] =	vst v63  }
0x42: {  	_ =	swait.ge [sflag:s29], $0x1000  }
0x43: {  	[sflag:s29] =	ssyncset.done $0x0  }
0x44: {  	s10 =	simm.s32 $0x18A80;
	[sflag:s29] =	ssyncadd.s32 $0xFFFFF000  }
0x45: {  	[tilespmem:s20], [sflag:$0x2] =	stream.indirect.gather [hbm4b:s6+s17], $0x20, s10, s17, $0xb8;
	[tilespmem:$0x1FE00] =	vst v63  }
0x46: {  	_ =	swait.ge [sflag:s30], $0x1000  }
0x47: {  	[sflag:s30] =	ssyncset.done $0x0  }
0x48: {  	s23 =	simm.s32 $0x19D00;
	[sflag:s30] =	ssyncadd.s32 $0xFFFFF000  }
0x49: {  	[spmem:s3] =	stream.indirect.scatter.add.f32 [tilespmem:s22], [sflag:$0x7], $0x20, s23, s17, $0xb8;
	[tilespmem:$0x1FE00] =	vst v63  }
0x4a: {  	_ =	swait.ge [sflag:s31], $0x1000  }
0x4b: {  	[sflag:s31] =	ssyncset.done $0x0  }
0x4c: {  	s10 =	simm.s32 $0x18B00;
	[sflag:s31] =	ssyncadd.s32 $0xFFFFF000  }
0x4d: {  	[tilespmem:s22], [sflag:$0x3] =	stream.indirect.gather [hbm4b:s6+s17], $0x20, s10, s17, $0xb8;
	[tilespmem:$0x1FE00] =	vst v63  }
0x4e: {  	_ =	swait.ge [sflag:s0], $0x1000  }
0x4f: {  	[sflag:s0] =	ssyncset.done $0x0  }
0x50: {  	s23 =	simm.s32 $0x19D80;
	[sflag:s0] =	ssyncadd.s32 $0xFFFFF000  }
0x51: {  	[spmem:s3] =	stream.indirect.scatter.add.f32 [tilespmem:s24], [sflag:$0x8], $0x20, s23, s17, $0xb8;
	[tilespmem:$0x1FE00] =	vst v63  }
0x52: {  	_ =	swait.ge [sflag:s4], $0x1000  }
0x53: {  	[sflag:s4] =	ssyncset.done $0x0  }
0x54: {  	s2 =	simm.s32 $0x18B80;
	s23 =	simm.s32 $0x800;
	[sflag:s4] =	ssyncadd.s32 $0xFFFFF000  }
.LBB2_5:
0x55: {  	[tilespmem:s24], [sflag:$0x4] =	stream.indirect.gather [hbm4b:s6+s17], $0x20, s2, s17, $0xb8;
	[tilespmem:$0x1FE00] =	vst v63  }
0x56: {  	s2 =	smov.u32 s23  }
0x57: {  	p0 =	sne.s32 s23, $0x4000;
	s23 =	sadd.s32 $0x800, s23;
	_ =	swait.ge [sflag:s25], $0x1000  }
0x58: {  	s2 =	sshra.s32 s2, $0x2;
	[sflag:s25] =	ssyncset.done $0x0  }
0x59: {  	s10 =	sadd.s32 $0x19C00, s2;
	[sflag:s25] =	ssyncadd.s32 $0xFFFFF000  }
0x5a: {  	[spmem:s3] =	stream.indirect.scatter.add.f32 [tilespmem:s18], [sflag:$0x5], $0x20, s10, s17, $0xb8;
	[tilespmem:$0x1FE00] =	vst v63  }
0x5b: {  	_ =	swait.ge [sflag:s26], $0x1000  }
0x5c: {  	[sflag:s26] =	ssyncset.done $0x0  }
0x5d: {  	s10 =	sadd.s32 $0x18A00, s2;
	[sflag:s26] =	ssyncadd.s32 $0xFFFFF000  }
0x5e: {  	[tilespmem:s18], [sflag:$0x1] =	stream.indirect.gather [hbm4b:s6+s17], $0x20, s10, s17, $0xb8;
	[tilespmem:$0x1FE00] =	vst v63  }
0x5f: {  	_ =	swait.ge [sflag:s28], $0x1000  }
0x60: {  	[sflag:s28] =	ssyncset.done $0x0  }
0x61: {  	s10 =	sadd.s32 $0x19C80, s2;
	[sflag:s28] =	ssyncadd.s32 $0xFFFFF000  }
0x62: {  	[spmem:s3] =	stream.indirect.scatter.add.f32 [tilespmem:s20], [sflag:$0x6], $0x20, s10, s17, $0xb8;
	[tilespmem:$0x1FE00] =	vst v63  }
0x63: {  	_ =	swait.ge [sflag:s29], $0x1000  }
0x64: {  	[sflag:s29] =	ssyncset.done $0x0  }
0x65: {  	s10 =	sadd.s32 $0x18A80, s2;
	[sflag:s29] =	ssyncadd.s32 $0xFFFFF000  }
0x66: {  	[tilespmem:s20], [sflag:$0x2] =	stream.indirect.gather [hbm4b:s6+s17], $0x20, s10, s17, $0xb8;
	[tilespmem:$0x1FE00] =	vst v63  }
0x67: {  	_ =	swait.ge [sflag:s30], $0x1000  }
0x68: {  	[sflag:s30] =	ssyncset.done $0x0  }
0x69: {  	s10 =	sadd.s32 $0x19D00, s2;
	[sflag:s30] =	ssyncadd.s32 $0xFFFFF000  }
0x6a: {  	[spmem:s3] =	stream.indirect.scatter.add.f32 [tilespmem:s22], [sflag:$0x7], $0x20, s10, s17, $0xb8;
	[tilespmem:$0x1FE00] =	vst v63  }
0x6b: {  	_ =	swait.ge [sflag:s31], $0x1000  }
0x6c: {  	[sflag:s31] =	ssyncset.done $0x0  }
0x6d: {  	s10 =	sadd.s32 $0x18B00, s2;
	[sflag:s31] =	ssyncadd.s32 $0xFFFFF000  }
0x6e: {  	[tilespmem:s22], [sflag:$0x3] =	stream.indirect.gather [hbm4b:s6+s17], $0x20, s10, s17, $0xb8;
	[tilespmem:$0x1FE00] =	vst v63  }
0x6f: {  	_ =	swait.ge [sflag:s0], $0x1000  }
0x70: {  	[sflag:s0] =	ssyncset.done $0x0  }
.Ltmp1:
0x71: {  	s10 =	sadd.s32 $0x19D80, s2;
	[sflag:s0] =	ssyncadd.s32 $0xFFFFF000;
	(pc) =	sbr.rel @p0 .LBB2_5-.Ltmp1, $4  }
0x72: {  	[spmem:s3] =	stream.indirect.scatter.add.f32 [tilespmem:s24], [sflag:$0x8], $0x20, s10, s17, $0xb8;
	[tilespmem:$0x1FE00] =	vst v63  }
0x73: {  	_ =	swait.ge [sflag:s4], $0x1000  }
0x74: {  	[sflag:s4] =	ssyncset.done $0x0  }
0x75: {  	s2 =	sadd.s32 $0x18B80, s2;
	[sflag:s4] =	ssyncadd.s32 $0xFFFFF000  }
0x76: {  	[tilespmem:s24], [sflag:$0x4] =	stream.indirect.gather [hbm4b:s6+s17], $0x20, s2, s17, $0xb8;
	[tilespmem:$0x1FE00] =	vst v63  }
0x77: {  	_ =	swait.ge [sflag:s25], $0x1000  }
0x78: {  	[sflag:s25] =	ssyncset.done $0x0  }
0x79: {  	s10 =	simm.s32 $0x1AE00;
	[sflag:s25] =	ssyncadd.s32 $0xFFFFF000  }
0x7a: {  	[spmem:s3] =	stream.indirect.scatter.add.f32 [tilespmem:s18], [sflag:$0x5], $0x20, s10, s17, $0xb8;
	[tilespmem:$0x1FE00] =	vst v63  }
0x7b: {  	_ =	swait.ge [sflag:s26], $0x1000  }
0x7c: {  	[sflag:s26] =	ssyncset.done $0x0  }
0x7d: {  	[sflag:s26] =	ssyncadd.s32 $0xFFFFF000  }
0x7e: {  	_ =	swait.ge [sflag:s28], $0x1000  }
0x7f: {  	[sflag:s28] =	ssyncset.done $0x0  }
0x80: {  	s23 =	simm.s32 $0x1AE80;
	[sflag:s28] =	ssyncadd.s32 $0xFFFFF000  }
0x81: {  	[spmem:s3] =	stream.indirect.scatter.add.f32 [tilespmem:s20], [sflag:$0x6], $0x20, s23, s17, $0xb8;
	[tilespmem:$0x1FE00] =	vst v63  }
0x82: {  	_ =	swait.ge [sflag:s29], $0x1000  }
0x83: {  	[sflag:s29] =	ssyncset.done $0x0  }
0x84: {  	[sflag:s29] =	ssyncadd.s32 $0xFFFFF000  }
0x85: {  	_ =	swait.ge [sflag:s30], $0x1000  }
0x86: {  	[sflag:s30] =	ssyncset.done $0x0  }
0x87: {  	[sflag:s30] =	ssyncadd.s32 $0xFFFFF000  }
0x88: {  	[spmem:s3] =	stream.indirect.scatter.add.f32 [tilespmem:s22], [sflag:$0x7], $0x20, s1, s17, $0xb8;
	[tilespmem:$0x1FE00] =	vst v63  }
0x89: {  	_ =	swait.ge [sflag:s31], $0x1000  }
0x8a: {  	[sflag:s31] =	ssyncset.done $0x0  }
0x8b: {  	[sflag:s31] =	ssyncadd.s32 $0xFFFFF000  }
0x8c: {  	s21 =	sadd.s32 $0x1, s21;
	_ =	swait.ge [sflag:s0], $0x1000  }
0x8d: {  	p0 =	sne.s32 s21, $0xA;
	[sflag:s0] =	ssyncset.done $0x0  }
.Ltmp2:
0x8e: {  	[sflag:s0] =	ssyncadd.s32 $0xFFFFF000;
	(pc) =	sbr.rel @p0 .LBB2_4-.Ltmp2, $4  }
0x8f: {  	[spmem:s3] =	stream.indirect.scatter.add.f32 [tilespmem:s24], [sflag:$0x8], $0x20, s16, s17, $0xb8;
	[tilespmem:$0x1FE00] =	vst v63  }
0x90: {  	_ =	swait.ge [sflag:s4], $0x1000  }
0x91: {  	[sflag:s4] =	ssyncset.done $0x0  }
0x92: {  	[sflag:s4] =	ssyncadd.s32 $0xFFFFF000  }
0x93: {  	[bflag:$0x0] =	sbarrier.arrive $0xFFFF  }
0x94: {  	[tilespmem:s13], [sflag:$0x9] =	stream.linear.gather [spmem:s11], $0xE00, $0x38;
	[tilespmem:$0x1FE00] =	vst v63  }
0x95: {  	_ =	swait.ge [sflag:s14], $0xE00  }
0x96: {  	[sflag:s14] =	ssyncset.done $0x0  }
0x97: {  	s2 =	sadd.s32 $0x0, s12;
	[sflag:s14] =	ssyncadd.s32 $0xFFFFF200  }
0x98: {  	[hbm4b:s2+s5] =	stream.linear.scatter [tilespmem:s13], [sflag:$0x9], $0xE00, $0x38;
	[tilespmem:$0x1FE00] =	vst v63  }
0x99: {  	_ =	swait.ge [sflag:s14], $0xE00  }
0x9a: {  	s19 =	smov.u32 s11;
	s2 =	simm.s32 $0x1C0;
	[sflag:s14] =	ssyncset.done $0x0  }
.LBB2_8:
0x9b: {  	p0 =	sne.s32 s2, $0x2F40;
	[sflag:s14] =	ssyncadd.s32 $0xFFFFF200;
	s19 =	sadd.s32 $0xE00, s19  }
0x9c: {  	[tilespmem:s13], [sflag:$0x9] =	stream.linear.gather [spmem:s19], $0xE00, $0x38;
	[tilespmem:$0x1FE00] =	vst v63  }
0x9d: {  	s10 =	smov.u32 s2;
	s2 =	sadd.s32 $0x1C0, s2;
	_ =	swait.ge [sflag:s14], $0xE00  }
.Ltmp3:
0x9e: {  	[sflag:s14] =	ssyncset.done $0x0;
	(pc) =	sbr.rel @p0 .LBB2_8-.Ltmp3, $4  }
0x9f: {  	s10 =	sadd.s32 s10, s12;
	[sflag:s14] =	ssyncadd.s32 $0xFFFFF200  }
0xa0: {  	[hbm4b:s10+s5] =	stream.linear.scatter [tilespmem:s13], [sflag:$0x9], $0xE00, $0x38;
	[tilespmem:$0x1FE00] =	vst v63  }
0xa1: {  	_ =	swait.ge [sflag:s14], $0xE00  }
0xa2: {  	[sflag:s14] =	ssyncset.done $0x0  }
0xa3: {  	s10 =	rddreg [dreg:$0x6]  }
0xa4: {  	s2 =	rddreg [dreg:$0x5];
	s10 =	sadd.s32 $0x1, s10  }
0xa5: {  	p0 =	sne.s32 s10, s2  }
.Ltmp4:
0xa6: {  	_ = 	snop;
	(pc) =	sbr.rel @p0 .LBB2_1-.Ltmp4, $2  }
0xa7: {  	_ =	sdelay $0x2  }
0xa8: {  	[sflag:s14] =	ssyncadd.s32 $0xFFFFF200  }
0xa9: {  	_ =	sfence.sel $0x180000  }
0xaa: {  	[bflag:$0x0] =	sbarrier.arrive $0xFFFF  }
0xab: {  	_ =	strace $0x90000050  }
0xac: {  	s0 =	stileid.u32;
	[bflag:$0x2] =	sbarrier.arrive $0xFFFF  }
0xad: {  	p0 =	sne.s32 s0, $0x0;
	s0 =	rddreg [dreg:$0x4]  }
0xae: {  	s0 =	sadd.s32 @!p0 $0x100000, s0  }
0xaf: {  	[sflag:s0] =	ssyncadd.tile.s32 @!p0 $0x1;
	_ =	shalt  }
.Lfunc_end2:
_tile_overlayer_lowered:
.L_overlay_start_2:
0xb0: {  	(tag) =	ssettag $0x2  }
0xb1: {  	s0 =	rddreg [dreg:$0x0];
	s2 =	stileid.u32  }
0xb2: {  	s1 =	rddreg [dreg:$0x1];
	p0 =	sne.s32 s2, $0x0  }
0xb3: {  	s3 =	rddreg [dreg:$0x2];
	[bflag:$0x3] =	sbarrier.arrive $0xFFFF;
	s2 =	simm.s32 @!p0 $0x1C09  }
0xb4: {  	[timem:s3], [sflag:s2] =	dma.local @!p0 [hbm:s0], s1  }
0xb5: {  	s0 =	simm.s32 @!p0 $0x9  }
0xb6: {  	_ =	swait.ge @!p0 [sflag:s0], s1  }
0xb7: {  	s1 =	ssub.s32 @!p0 $0x0, s1;
	[sflag:s0] =	ssyncset.done @!p0 $0x0  }
0xb8: {  	[sflag:s0] =	ssyncadd.s32 @!p0 s1  }
0xb9: {  	[bflag:$0x3] =	sbarrier.arrive $0xFFFF  }
0xba: {  	_ =	shalt  }

</sc_bundles>
